<compile_context>
chip_gen: v7x
topology: tpu7x:2x2x1
jax: 0.10.2.dev20260603
libtpu: 0.0.44.dev20260713+nightly
codegen_flags: <defaults>
</compile_context>

<pallas_src>
import functools

import jax
import jax.numpy as jnp
from jax import lax
from jax.experimental import pallas as pl
from jax.experimental.pallas import tpu as pltpu
from jax.experimental.pallas import tpu_sc as plsc

_T = 2048
_H = 1024
_E = 16
_I = 512
_NG = 2
_GS = _E // _NG
_RSF = 2.5
_NEG = -1e30

_BT = 256
_NBR = 32
_MR = _NBR * _BT
_NB = _NBR
_SB = 256


_RC = 256
_PC = 128


def _route_chunk(x, gate_w, e_bias):
    logits = jnp.dot(x, gate_w.T, preferred_element_type=jnp.float32)
    s = jax.nn.sigmoid(logits)
    sb = s + e_bias
    lane = lax.broadcasted_iota(jnp.int32, logits.shape, 1)
    gid = lane // _GS

    def top2(v):
        m1 = jnp.max(v, axis=1, keepdims=True)
        i1 = jnp.min(jnp.where(v == m1, lane, _E + 1), axis=1, keepdims=True)
        v2 = jnp.where(lane == i1, _NEG, v)
        m2 = jnp.max(v2, axis=1, keepdims=True)
        i2 = jnp.min(jnp.where(v2 == m2, lane, _E + 1), axis=1, keepdims=True)
        return m1, i1, m2, i2

    m1a, _, m2a, _ = top2(jnp.where(gid == 0, sb, _NEG))
    m1b, _, m2b, _ = top2(jnp.where(gid == 1, sb, _NEG))
    chosen = jnp.where(m1a + m2a >= m1b + m2b, 0, 1)
    masked = jnp.where(gid == chosen, sb, _NEG)
    _, e1, _, e2 = top2(masked)
    w1 = jnp.sum(jnp.where(lane == e1, s, 0.0), axis=1, keepdims=True)
    w2 = jnp.sum(jnp.where(lane == e2, s, 0.0), axis=1, keepdims=True)
    wn = w1 + w2 + 1e-20
    member = ((lane == e1) | (lane == e2)).astype(jnp.float32)
    return e1, e2, (w1 / wn) * _RSF, (w2 / wn) * _RSF, member


def _router_body(x_ref, gate_ref, bias_ref,
                 d0_ref, d1_ref, w0_ref, w1_ref, be_ref, m_ref):
    def step_a(i, carry):
        sl = pl.ds(i * _RC, _RC)
        e1, e2, w1, w2, member = _route_chunk(x_ref[sl, :], gate_ref[...],
                                              bias_ref[...])
        d0_ref[sl] = e1
        d1_ref[sl] = e2
        w0_ref[sl] = w1
        w1_ref[sl] = w2
        m_ref[sl, :] = member
        return carry

    lax.fori_loop(0, _T // _RC, step_a, 0)

    rr = lax.broadcasted_iota(jnp.int32, (_PC, _PC), 0)
    cc = lax.broadcasted_iota(jnp.int32, (_PC, _PC), 1)
    tril = (rr > cc).astype(jnp.float32)

    def step_b(i, carry):
        sl = pl.ds(i * _PC, _PC)
        mc = m_ref[sl, :]
        pos = jnp.dot(tril, mc, preferred_element_type=jnp.float32) + carry
        m_ref[sl, :] = pos
        return carry + jnp.sum(mc, axis=0, keepdims=True)

    counts = lax.fori_loop(0, _T // _PC, step_b,
                           jnp.zeros((1, _E), jnp.float32))

    pc = jnp.ceil(counts / _BT) * _BT
    uu = (lax.broadcasted_iota(jnp.int32, (_E, _E), 0)
          < lax.broadcasted_iota(jnp.int32, (_E, _E), 1)).astype(jnp.float32)
    offs = jnp.dot(pc, uu, preferred_element_type=jnp.float32)
    ends = offs + pc
    bstart = (lax.broadcasted_iota(jnp.int32, (_NB, _E), 0) * _BT
              ).astype(jnp.float32)
    be = jnp.sum((ends <= bstart).astype(jnp.int32), axis=1, keepdims=True)
    be_ref[...] = be

    lane = lax.broadcasted_iota(jnp.int32, (_RC, _E), 1)

    def step_d(i, carry):
        sl = pl.ds(i * _RC, _RC)
        slots = offs + m_ref[sl, :]
        d0_ref[sl] = jnp.sum(jnp.where(lane == d0_ref[sl], slots, 0.0),
                             axis=1, keepdims=True).astype(jnp.int32)
        d1_ref[sl] = jnp.sum(jnp.where(lane == d1_ref[sl], slots, 0.0),
                             axis=1, keepdims=True).astype(jnp.int32)
        return carry

    lax.fori_loop(0, _T // _RC, step_d, 0)


def _run_router(x, gate_w, e_bias):
    grid_spec = pltpu.PrefetchScalarGridSpec(
        num_scalar_prefetch=0,
        grid=(1,),
        in_specs=[
            pl.BlockSpec((_T, _H), lambda i: (0, 0)),
            pl.BlockSpec((_E, _H), lambda i: (0, 0)),
            pl.BlockSpec((1, _E), lambda i: (0, 0)),
        ],
        out_specs=[
            pl.BlockSpec((_T, 1), lambda i: (0, 0)),
            pl.BlockSpec((_T, 1), lambda i: (0, 0)),
            pl.BlockSpec((_T, 1), lambda i: (0, 0)),
            pl.BlockSpec((_T, 1), lambda i: (0, 0)),
            pl.BlockSpec((_NB, 1), lambda i: (0, 0)),
        ],
        scratch_shapes=[pltpu.VMEM((_T, _E), jnp.float32)],
    )
    return pl.pallas_call(
        _router_body,
        grid_spec=grid_spec,
        out_shape=[
            jax.ShapeDtypeStruct((_T, 1), jnp.int32),
            jax.ShapeDtypeStruct((_T, 1), jnp.int32),
            jax.ShapeDtypeStruct((_T, 1), jnp.float32),
            jax.ShapeDtypeStruct((_T, 1), jnp.float32),
            jax.ShapeDtypeStruct((_NB, 1), jnp.int32),
        ],
        compiler_params=pltpu.CompilerParams(
            dimension_semantics=("arbitrary",)),
    )(x, gate_w, e_bias.reshape(1, _E))




_D_PER_W = _T // 32
_DC = 16
_DNC = _D_PER_W // _DC


@functools.cache
def _make_sc_dispatch():
    mesh = plsc.VectorSubcoreMesh(core_axis_name="c", subcore_axis_name="s")
    return functools.partial(
        pl.kernel,
        mesh=mesh,
        out_type=[jax.ShapeDtypeStruct((_MR, _H), jnp.float32),
                  jax.ShapeDtypeStruct((_MR,), jnp.float32)],
        scratch_types=[
            [pltpu.VMEM((_DC,), jnp.int32) for _ in range(_DNC)],
            [pltpu.VMEM((_DC,), jnp.int32) for _ in range(_DNC)],
            [pltpu.VMEM((_DC, _H), jnp.float32) for _ in range(2)],
            pltpu.VMEM((_MR,), jnp.float32),
            pltpu.VMEM((_T,), jnp.int32),
            pltpu.VMEM((_T,), jnp.int32),
            pltpu.VMEM((_T,), jnp.float32),
            pltpu.VMEM((_T,), jnp.float32),
            pltpu.SemaphoreType.DMA,
            [pltpu.SemaphoreType.DMA for _ in range(2)],
            [pltpu.SemaphoreType.DMA for _ in range(2)],
        ],
        compiler_params=pltpu.CompilerParams(needs_layout_passes=False),
    )(_sc_dispatch_body)


def _sc_dispatch_body(x_hbm, d0_hbm, d1_hbm, w0_hbm, w1_hbm, xg_hbm, sw_hbm,
                      i0_vs, i1_vs, xbufs, swt_v, d0_v, d1_v, w0_v, w1_v,
                      semi, semx, semw):
    wid = lax.axis_index("s") * 2 + lax.axis_index("c")
    base = wid * _D_PER_W

    @pl.when(wid == 0)
    def _build_sw():
        acp = [pltpu.async_copy(d0_hbm, d0_v, semi),
               pltpu.async_copy(d1_hbm, d1_v, semi),
               pltpu.async_copy(w0_hbm, w0_v, semi),
               pltpu.async_copy(w1_hbm, w1_v, semi)]
        ones_f = jnp.full((16,), 1.0, jnp.float32)

        def init(i, c):
            swt_v[pl.ds(i * 16, 16)] = ones_f
            return c

        lax.fori_loop(0, _MR // 16, init, 0)
        for cp in acp:
            cp.wait()

        def scat(i, c):
            sl = pl.ds(i * 16, 16)
            plsc.store_scatter(swt_v, [d0_v[sl]], w0_v[sl])
            plsc.store_scatter(swt_v, [d1_v[sl]], w1_v[sl])
            return c

        lax.fori_loop(0, _T // 16, scat, 0)
        pltpu.sync_copy(swt_v, sw_hbm)

    cps = [pltpu.async_copy(d0_hbm.at[pl.ds(base + c * _DC, _DC)],
                            i0_vs[c], semi) for c in range(_DNC)]
    cps += [pltpu.async_copy(d1_hbm.at[pl.ds(base + c * _DC, _DC)],
                             i1_vs[c], semi) for c in range(_DNC)]
    for cp in cps:
        cp.wait()

    lcp = [None, None]
    wcp = [None, None]

    def start_load(c):
        lcp[c % 2] = pltpu.async_copy(
            x_hbm.at[pl.ds(base + c * _DC, _DC)], xbufs[c % 2], semx[c % 2])

    start_load(0)
    for c in range(_DNC):
        k = c % 2
        lcp[k].wait()
        if c + 1 < _DNC:
            if c >= 1:
                for cp in wcp[(c + 1) % 2]:
                    cp.wait()
            start_load(c + 1)
        wcp[k] = [
            pltpu.async_copy(xbufs[k], xg_hbm.at[i0_vs[c]], semw[k]),
            pltpu.async_copy(xbufs[k], xg_hbm.at[i1_vs[c]], semw[k]),
        ]
    for cp in wcp[0] + wcp[1]:
        cp.wait()



def _gmm_body(be_ref, xg_ref, sw_ref, w13_ref, w2_ref, y_ref):
    b = pl.program_id(0)
    be = be_ref[b]

    @pl.when(be < _E)
    def _routed():
        gu = jnp.dot(xg_ref[...], w13_ref[0].T,
                     preferred_element_type=jnp.float32)
        act = jax.nn.silu(gu[:, :_I]) * gu[:, _I:]
        act = act * sw_ref[...]
        y_ref[...] = jnp.dot(act, w2_ref[0].T,
                             preferred_element_type=jnp.float32)


def _shared_body(x_ref, sw13_ref, sw2_ref, ys_ref):
    sgu = jnp.dot(x_ref[...], sw13_ref[...].T,
                  preferred_element_type=jnp.float32)
    sact = jax.nn.silu(sgu[:, :_I]) * sgu[:, _I:]
    ys_ref[...] = jnp.dot(sact, sw2_ref[...].T,
                          preferred_element_type=jnp.float32)


def _run_shared(x, shared_w13, shared_w2):
    return pl.pallas_call(
        _shared_body,
        grid=(_T // _SB,),
        in_specs=[
            pl.BlockSpec((_SB, _H), lambda i: (i, 0)),
            pl.BlockSpec((2 * _I, _H), lambda i: (0, 0)),
            pl.BlockSpec((_H, _I), lambda i: (0, 0)),
        ],
        out_specs=pl.BlockSpec((_SB, _H), lambda i: (i, 0)),
        out_shape=jax.ShapeDtypeStruct((_T, _H), jnp.float32),
        compiler_params=pltpu.CompilerParams(
            dimension_semantics=("arbitrary",)),
    )(x, shared_w13, shared_w2)


def _run_gmm(be, xg, sw, w13, w2):
    grid_spec = pltpu.PrefetchScalarGridSpec(
        num_scalar_prefetch=1,
        grid=(_NB,),
        in_specs=[
            pl.BlockSpec((_BT, _H), lambda b, be: (b, 0)),
            pl.BlockSpec((_BT, 1), lambda b, be: (b, 0)),
            pl.BlockSpec((1, 2 * _I, _H),
                         lambda b, be: (jnp.minimum(be[b], _E - 1), 0, 0)),
            pl.BlockSpec((1, _H, _I),
                         lambda b, be: (jnp.minimum(be[b], _E - 1), 0, 0)),
        ],
        out_specs=pl.BlockSpec((_BT, _H), lambda b, be: (b, 0)),
    )
    return pl.pallas_call(
        _gmm_body,
        grid_spec=grid_spec,
        out_shape=jax.ShapeDtypeStruct((_MR, _H), jnp.float32),
        compiler_params=pltpu.CompilerParams(
            dimension_semantics=("arbitrary",)),
    )(be, xg, sw, w13, w2)



_C_PER_W = _T // 32
_CC = 16


_CNC = _C_PER_W // _CC


@functools.cache
def _make_sc_combine():
    mesh = plsc.VectorSubcoreMesh(core_axis_name="c", subcore_axis_name="s")
    return functools.partial(
        pl.kernel,
        mesh=mesh,
        out_type=jax.ShapeDtypeStruct((_T, _H), jnp.float32),
        scratch_types=[
            [pltpu.VMEM((_CC,), jnp.int32) for _ in range(_CNC)],
            [pltpu.VMEM((_CC,), jnp.int32) for _ in range(_CNC)],
            [pltpu.VMEM((_CC, _H), jnp.float32) for _ in range(2)],
            [pltpu.VMEM((_CC, _H), jnp.float32) for _ in range(2)],
            [pltpu.VMEM((_CC, _H), jnp.float32) for _ in range(2)],
            pltpu.SemaphoreType.DMA,
            [pltpu.SemaphoreType.DMA for _ in range(2)],
            [pltpu.SemaphoreType.DMA for _ in range(2)],
        ],
        compiler_params=pltpu.CompilerParams(needs_layout_passes=False),
    )(_sc_combine_body)


def _sc_combine_body(y_hbm, ys_hbm, d0_hbm, d1_hbm, out_hbm,
                     i0_vs, i1_vs, b0_vs, b1_vs, bs_vs, semi, semg, semw):
    wid = lax.axis_index("s") * 2 + lax.axis_index("c")
    base = wid * _C_PER_W

    cps = [pltpu.async_copy(d0_hbm.at[pl.ds(base + c * _CC, _CC)],
                            i0_vs[c], semi) for c in range(_CNC)]
    cps += [pltpu.async_copy(d1_hbm.at[pl.ds(base + c * _CC, _CC)],
                             i1_vs[c], semi) for c in range(_CNC)]
    for cp in cps:
        cp.wait()

    gcp = [None, None]
    wcp = [None, None]

    def start_gathers(c):
        k = c % 2
        gcp[k] = [
            pltpu.async_copy(y_hbm.at[i0_vs[c]], b0_vs[k], semg[k]),
            pltpu.async_copy(y_hbm.at[i1_vs[c]], b1_vs[k], semg[k]),
            pltpu.async_copy(ys_hbm.at[pl.ds(base + c * _CC, _CC)],
                             bs_vs[k], semg[k]),
        ]

    start_gathers(0)
    for c in range(_CNC):
        k = c % 2
        for cp in gcp[k]:
            cp.wait()
        if c + 1 < _CNC:
            if c >= 1:
                wcp[(c + 1) % 2].wait()
            start_gathers(c + 1)

        def row(r, cr):
            def grp(g, cg):
                sl = pl.ds(g * 16, 16)
                b0_vs[k][r, sl] = (b0_vs[k][r, sl] + b1_vs[k][r, sl]
                                   + bs_vs[k][r, sl])
                return cg
            lax.fori_loop(0, _H // 16, grp, 0)
            return cr

        lax.fori_loop(0, _CC, row, 0)
        wcp[k] = pltpu.async_copy(
            b0_vs[k], out_hbm.at[pl.ds(base + c * _CC, _CC)], semw[k])
    wcp[0].wait()
    wcp[1].wait()




@jax.jit
def kernel(hidden_states, gate_w, e_bias, w13, w2, shared_w13, shared_w2):
    d0, d1, w0, w1, be = _run_router(hidden_states, gate_w, e_bias)
    xg, sw = _make_sc_dispatch()(hidden_states, d0.reshape(_T), d1.reshape(_T),
                                 w0.reshape(_T), w1.reshape(_T))
    ys = _run_shared(hidden_states, shared_w13, shared_w2)
    y = _run_gmm(be.reshape(_NB), xg, sw.reshape(_MR, 1), w13, w2)
    return _make_sc_combine()(y, ys, d0.reshape(_T), d1.reshape(_T))

# --- scband reference (transcript-rebuilt; emitter-appended) ---
"""Pipeline reference for scband-sarvam-mlamo-e-20392504721497 (READ-ONLY COPY).

The authoritative reference and input builder live on the scoring server;
editing this copy changes nothing except your own understanding.
"""

import jax, jax.numpy as jnp
import numpy as np

T = 2048
H = 1024
E = 16
K = 2
I = 512
IS = 512
NG = 2
TG = 1
RSF = 2.5


def setup_inputs(seed: int = 0) -> dict:
    key = jax.random.key(seed)
    ks = [jax.random.fold_in(key, i) for i in range(8)]
    hidden_states = jax.random.normal(ks[0], (T, H), dtype=jnp.float32)
    gate_w = jax.random.normal(ks[1], (E, H), dtype=jnp.float32) * 0.02
    e_bias = jax.random.normal(ks[2], (E,), dtype=jnp.float32) * 0.02
    w13 = jax.random.normal(ks[3], (E, 2 * I, H), dtype=jnp.float32) * 0.02
    w2 = jax.random.normal(ks[4], (E, H, I), dtype=jnp.float32) * 0.02
    shared_w13 = jax.random.normal(ks[5], (2 * IS, H), dtype=jnp.float32) * 0.02
    shared_w2 = jax.random.normal(ks[6], (H, IS), dtype=jnp.float32) * 0.02
    return {"hidden_states": hidden_states, "gate_w": gate_w, "e_bias": e_bias,
            "w13": w13, "w2": w2, "shared_w13": shared_w13, "shared_w2": shared_w2}


def reference(hidden_states, gate_w, e_bias, w13, w2, shared_w13, shared_w2):
    t, h = hidden_states.shape
    e = gate_w.shape[0]
    # router (gate linear, no bias)
    logits = hidden_states @ gate_w.T  # [T, E]
    # sigmoid scoring with expert score correction bias (DeepSeek-style grouped topk)
    scores = jax.nn.sigmoid(logits)
    scores_b = scores + e_bias[None, :]
    # group scores: sum of top-2 biased scores within each expert group
    grp = scores_b.reshape(t, NG, e // NG)
    grp_top2, _ = jax.lax.top_k(grp, 2)
    grp_scores = grp_top2.sum(axis=-1)  # [T, NG]
    _, grp_idx = jax.lax.top_k(grp_scores, TG)  # [T, TG]
    group_mask = jax.nn.one_hot(grp_idx, NG, dtype=scores.dtype).sum(axis=1)  # [T, NG]
    score_mask = jnp.repeat(group_mask, e // NG, axis=1)  # [T, E]
    masked = jnp.where(score_mask > 0, scores_b, -jnp.inf)
    _, topk_ids = jax.lax.top_k(masked, K)  # [T, K]
    # weights come from the un-biased sigmoid scores, then renormalized
    topk_w = jnp.take_along_axis(scores, topk_ids, axis=1)
    topk_w = topk_w / (topk_w.sum(axis=-1, keepdims=True) + 1e-20)
    combine = (jax.nn.one_hot(topk_ids, e, dtype=scores.dtype) * topk_w[..., None]).sum(axis=1)  # [T, E]
    # routed experts: fused gate_up -> SiluAndMul -> down, combined by routing weights
    gu = jnp.einsum('th,eih->eti', hidden_states, w13)  # [E, T, 2I]
    i = gu.shape[-1] // 2
    act = jax.nn.silu(gu[..., :i]) * gu[..., i:]  # [E, T, I]
    act = act * combine.T[:, :, None]
    expert_out = jnp.einsum('eti,ehi->th', act, w2)  # [T, H]
    expert_out = expert_out * RSF
    # shared experts (SarvamMLAMLP)
    sgu = hidden_states @ shared_w13.T  # [T, 2*IS]
    si = sgu.shape[-1] // 2
    shared_out = (jax.nn.silu(sgu[:, :si]) * sgu[:, si:]) @ shared_w2.T  # [T, H]
    return expert_out + shared_out

if __name__ == "__main__":
    import jax
    _d = setup_inputs()
    print(jax.jit(kernel)(*tuple(_d.values())))

</pallas_src>

<mosaic_0001>
#map = affine_map<(d0, d1) -> (0, 0)>
#map1 = affine_map<(d0, d1) -> (0)>
module attributes {stable_mosaic.version = 14 : i64} {
  func.func @_sc_combine_body(%arg0: i32, %arg1: i32, %arg2: memref<8192x1024xf32, #tpu.memory_space<hbm>>, %arg3: memref<2048x1024xf32, #tpu.memory_space<hbm>>, %arg4: memref<2048xi32, #tpu.memory_space<hbm>>, %arg5: memref<2048xi32, #tpu.memory_space<hbm>>, %arg6: memref<2048x1024xf32, #tpu.memory_space<hbm>>, %arg7: memref<16xi32, #tpu.memory_space<vmem>>, %arg8: memref<16xi32, #tpu.memory_space<vmem>>, %arg9: memref<16xi32, #tpu.memory_space<vmem>>, %arg10: memref<16xi32, #tpu.memory_space<vmem>>, %arg11: memref<16xi32, #tpu.memory_space<vmem>>, %arg12: memref<16xi32, #tpu.memory_space<vmem>>, %arg13: memref<16xi32, #tpu.memory_space<vmem>>, %arg14: memref<16xi32, #tpu.memory_space<vmem>>, %arg15: memref<16x1024xf32, #tpu.memory_space<vmem>>, %arg16: memref<16x1024xf32, #tpu.memory_space<vmem>>, %arg17: memref<16x1024xf32, #tpu.memory_space<vmem>>, %arg18: memref<16x1024xf32, #tpu.memory_space<vmem>>, %arg19: memref<16x1024xf32, #tpu.memory_space<vmem>>, %arg20: memref<16x1024xf32, #tpu.memory_space<vmem>>, %arg21: memref<!tpu.dma_semaphore, #tpu.memory_space<semaphore_mem>>, %arg22: memref<!tpu.dma_semaphore, #tpu.memory_space<semaphore_mem>>, %arg23: memref<!tpu.dma_semaphore, #tpu.memory_space<semaphore_mem>>, %arg24: memref<!tpu.dma_semaphore, #tpu.memory_space<semaphore_mem>>, %arg25: memref<!tpu.dma_semaphore, #tpu.memory_space<semaphore_mem>>) attributes {dimension_semantics = [#tpu.dimension_semantics<core_parallel>, #tpu.dimension_semantics<subcore_parallel>], iteration_bounds = array<i64: 2, 16>, scalar_prefetch = 0 : i64, scratch_operands = 19 : i64, tpu.core_type = #tpu.core_type<sc_vector_subcore>, window_params = [{transform_indices = #map}, {transform_indices = #map}, {transform_indices = #map1}, {transform_indices = #map1}, {transform_indices = #map}]} {
    %mul3A = arith.constant 2 : i32
    %mul3A_0 = arith.muli %arg1, %mul3A : i32
    %add3A = arith.addi %mul3A_0, %arg0 : i32
    %mul3A_1 = arith.constant 64 : i32
    %mul3A_2 = arith.muli %add3A, %mul3A_1 : i32
    %add3A_3 = arith.constant 0 : i32
    %add3A_4 = arith.addi %mul3A_2, %add3A_3 : i32
    %dma_start3A = tpu.memref_slice %arg4[%add3A_4] : memref<2048xi32, #tpu.memory_space<hbm>> -> memref<16xi32, #tpu.memory_space<hbm>>
    %dma_start3A_5 = tpu.memref_slice %arg4[%add3A_4] : memref<2048xi32, #tpu.memory_space<hbm>> -> memref<16xi32, #tpu.memory_space<hbm>>
    tpu.enqueue_dma source(%dma_start3A_5 : memref<16xi32, #tpu.memory_space<hbm>>) target(%arg7 : memref<16xi32, #tpu.memory_space<vmem>>) target_semaphore(%arg21 : memref<!tpu.dma_semaphore, #tpu.memory_space<semaphore_mem>>)
    %add3A_6 = arith.constant 16 : i32
    %add3A_7 = arith.addi %mul3A_2, %add3A_6 : i32
    %dma_start3A_8 = tpu.memref_slice %arg4[%add3A_7] : memref<2048xi32, #tpu.memory_space<hbm>> -> memref<16xi32, #tpu.memory_space<hbm>>
    %dma_start3A_9 = tpu.memref_slice %arg4[%add3A_7] : memref<2048xi32, #tpu.memory_space<hbm>> -> memref<16xi32, #tpu.memory_space<hbm>>
    tpu.enqueue_dma source(%dma_start3A_9 : memref<16xi32, #tpu.memory_space<hbm>>) target(%arg8 : memref<16xi32, #tpu.memory_space<vmem>>) target_semaphore(%arg21 : memref<!tpu.dma_semaphore, #tpu.memory_space<semaphore_mem>>)
    %add3A_10 = arith.constant 32 : i32
    %add3A_11 = arith.addi %mul3A_2, %add3A_10 : i32
    %dma_start3A_12 = tpu.memref_slice %arg4[%add3A_11] : memref<2048xi32, #tpu.memory_space<hbm>> -> memref<16xi32, #tpu.memory_space<hbm>>
    %dma_start3A_13 = tpu.memref_slice %arg4[%add3A_11] : memref<2048xi32, #tpu.memory_space<hbm>> -> memref<16xi32, #tpu.memory_space<hbm>>
    tpu.enqueue_dma source(%dma_start3A_13 : memref<16xi32, #tpu.memory_space<hbm>>) target(%arg9 : memref<16xi32, #tpu.memory_space<vmem>>) target_semaphore(%arg21 : memref<!tpu.dma_semaphore, #tpu.memory_space<semaphore_mem>>)
    %add3A_14 = arith.constant 48 : i32
    %add3A_15 = arith.addi %mul3A_2, %add3A_14 : i32
    %dma_start3A_16 = tpu.memref_slice %arg4[%add3A_15] : memref<2048xi32, #tpu.memory_space<hbm>> -> memref<16xi32, #tpu.memory_space<hbm>>
    %dma_start3A_17 = tpu.memref_slice %arg4[%add3A_15] : memref<2048xi32, #tpu.memory_space<hbm>> -> memref<16xi32, #tpu.memory_space<hbm>>
    tpu.enqueue_dma source(%dma_start3A_17 : memref<16xi32, #tpu.memory_space<hbm>>) target(%arg10 : memref<16xi32, #tpu.memory_space<vmem>>) target_semaphore(%arg21 : memref<!tpu.dma_semaphore, #tpu.memory_space<semaphore_mem>>)
    %add3A_18 = arith.constant 0 : i32
    %add3A_19 = arith.addi %mul3A_2, %add3A_18 : i32
    %dma_start3A_20 = tpu.memref_slice %arg5[%add3A_19] : memref<2048xi32, #tpu.memory_space<hbm>> -> memref<16xi32, #tpu.memory_space<hbm>>
    %dma_start3A_21 = tpu.memref_slice %arg5[%add3A_19] : memref<2048xi32, #tpu.memory_space<hbm>> -> memref<16xi32, #tpu.memory_space<hbm>>
    tpu.enqueue_dma source(%dma_start3A_21 : memref<16xi32, #tpu.memory_space<hbm>>) target(%arg11 : memref<16xi32, #tpu.memory_space<vmem>>) target_semaphore(%arg21 : memref<!tpu.dma_semaphore, #tpu.memory_space<semaphore_mem>>)
    %add3A_22 = arith.constant 16 : i32
    %add3A_23 = arith.addi %mul3A_2, %add3A_22 : i32
    %dma_start3A_24 = tpu.memref_slice %arg5[%add3A_23] : memref<2048xi32, #tpu.memory_space<hbm>> -> memref<16xi32, #tpu.memory_space<hbm>>
    %dma_start3A_25 = tpu.memref_slice %arg5[%add3A_23] : memref<2048xi32, #tpu.memory_space<hbm>> -> memref<16xi32, #tpu.memory_space<hbm>>
    tpu.enqueue_dma source(%dma_start3A_25 : memref<16xi32, #tpu.memory_space<hbm>>) target(%arg12 : memref<16xi32, #tpu.memory_space<vmem>>) target_semaphore(%arg21 : memref<!tpu.dma_semaphore, #tpu.memory_space<semaphore_mem>>)
    %add3A_26 = arith.constant 32 : i32
    %add3A_27 = arith.addi %mul3A_2, %add3A_26 : i32
    %dma_start3A_28 = tpu.memref_slice %arg5[%add3A_27] : memref<2048xi32, #tpu.memory_space<hbm>> -> memref<16xi32, #tpu.memory_space<hbm>>
    %dma_start3A_29 = tpu.memref_slice %arg5[%add3A_27] : memref<2048xi32, #tpu.memory_space<hbm>> -> memref<16xi32, #tpu.memory_space<hbm>>
    tpu.enqueue_dma source(%dma_start3A_29 : memref<16xi32, #tpu.memory_space<hbm>>) target(%arg13 : memref<16xi32, #tpu.memory_space<vmem>>) target_semaphore(%arg21 : memref<!tpu.dma_semaphore, #tpu.memory_space<semaphore_mem>>)
    %add3A_30 = arith.constant 48 : i32
    %add3A_31 = arith.addi %mul3A_2, %add3A_30 : i32
    %dma_start3A_32 = tpu.memref_slice %arg5[%add3A_31] : memref<2048xi32, #tpu.memory_space<hbm>> -> memref<16xi32, #tpu.memory_space<hbm>>
    %dma_start3A_33 = tpu.memref_slice %arg5[%add3A_31] : memref<2048xi32, #tpu.memory_space<hbm>> -> memref<16xi32, #tpu.memory_space<hbm>>
    tpu.enqueue_dma source(%dma_start3A_33 : memref<16xi32, #tpu.memory_space<hbm>>) target(%arg14 : memref<16xi32, #tpu.memory_space<vmem>>) target_semaphore(%arg21 : memref<!tpu.dma_semaphore, #tpu.memory_space<semaphore_mem>>)
    %dma_wait3A = tpu.memref_slice %arg4[%add3A_4] : memref<2048xi32, #tpu.memory_space<hbm>> -> memref<16xi32, #tpu.memory_space<hbm>>
    %dma_wait3A_34 = tpu.memref_slice %arg4[%add3A_4] : memref<2048xi32, #tpu.memory_space<hbm>> -> memref<16xi32, #tpu.memory_space<hbm>>
    tpu.wait_dma2 semaphore(%arg21 : memref<!tpu.dma_semaphore, #tpu.memory_space<semaphore_mem>>) src(%dma_wait3A_34 : memref<16xi32, #tpu.memory_space<hbm>>) dst(%arg7 : memref<16xi32, #tpu.memory_space<vmem>>)
    %dma_wait3A_35 = tpu.memref_slice %arg4[%add3A_7] : memref<2048xi32, #tpu.memory_space<hbm>> -> memref<16xi32, #tpu.memory_space<hbm>>
    %dma_wait3A_36 = tpu.memref_slice %arg4[%add3A_7] : memref<2048xi32, #tpu.memory_space<hbm>> -> memref<16xi32, #tpu.memory_space<hbm>>
    tpu.wait_dma2 semaphore(%arg21 : memref<!tpu.dma_semaphore, #tpu.memory_space<semaphore_mem>>) src(%dma_wait3A_36 : memref<16xi32, #tpu.memory_space<hbm>>) dst(%arg8 : memref<16xi32, #tpu.memory_space<vmem>>)
    %dma_wait3A_37 = tpu.memref_slice %arg4[%add3A_11] : memref<2048xi32, #tpu.memory_space<hbm>> -> memref<16xi32, #tpu.memory_space<hbm>>
    %dma_wait3A_38 = tpu.memref_slice %arg4[%add3A_11] : memref<2048xi32, #tpu.memory_space<hbm>> -> memref<16xi32, #tpu.memory_space<hbm>>
    tpu.wait_dma2 semaphore(%arg21 : memref<!tpu.dma_semaphore, #tpu.memory_space<semaphore_mem>>) src(%dma_wait3A_38 : memref<16xi32, #tpu.memory_space<hbm>>) dst(%arg9 : memref<16xi32, #tpu.memory_space<vmem>>)
    %dma_wait3A_39 = tpu.memref_slice %arg4[%add3A_15] : memref<2048xi32, #tpu.memory_space<hbm>> -> memref<16xi32, #tpu.memory_space<hbm>>
    %dma_wait3A_40 = tpu.memref_slice %arg4[%add3A_15] : memref<2048xi32, #tpu.memory_space<hbm>> -> memref<16xi32, #tpu.memory_space<hbm>>
    tpu.wait_dma2 semaphore(%arg21 : memref<!tpu.dma_semaphore, #tpu.memory_space<semaphore_mem>>) src(%dma_wait3A_40 : memref<16xi32, #tpu.memory_space<hbm>>) dst(%arg10 : memref<16xi32, #tpu.memory_space<vmem>>)
    %dma_wait3A_41 = tpu.memref_slice %arg5[%add3A_19] : memref<2048xi32, #tpu.memory_space<hbm>> -> memref<16xi32, #tpu.memory_space<hbm>>
    %dma_wait3A_42 = tpu.memref_slice %arg5[%add3A_19] : memref<2048xi32, #tpu.memory_space<hbm>> -> memref<16xi32, #tpu.memory_space<hbm>>
    tpu.wait_dma2 semaphore(%arg21 : memref<!tpu.dma_semaphore, #tpu.memory_space<semaphore_mem>>) src(%dma_wait3A_42 : memref<16xi32, #tpu.memory_space<hbm>>) dst(%arg11 : memref<16xi32, #tpu.memory_space<vmem>>)
    %dma_wait3A_43 = tpu.memref_slice %arg5[%add3A_23] : memref<2048xi32, #tpu.memory_space<hbm>> -> memref<16xi32, #tpu.memory_space<hbm>>
    %dma_wait3A_44 = tpu.memref_slice %arg5[%add3A_23] : memref<2048xi32, #tpu.memory_space<hbm>> -> memref<16xi32, #tpu.memory_space<hbm>>
    tpu.wait_dma2 semaphore(%arg21 : memref<!tpu.dma_semaphore, #tpu.memory_space<semaphore_mem>>) src(%dma_wait3A_44 : memref<16xi32, #tpu.memory_space<hbm>>) dst(%arg12 : memref<16xi32, #tpu.memory_space<vmem>>)
    %dma_wait3A_45 = tpu.memref_slice %arg5[%add3A_27] : memref<2048xi32, #tpu.memory_space<hbm>> -> memref<16xi32, #tpu.memory_space<hbm>>
    %dma_wait3A_46 = tpu.memref_slice %arg5[%add3A_27] : memref<2048xi32, #tpu.memory_space<hbm>> -> memref<16xi32, #tpu.memory_space<hbm>>
    tpu.wait_dma2 semaphore(%arg21 : memref<!tpu.dma_semaphore, #tpu.memory_space<semaphore_mem>>) src(%dma_wait3A_46 : memref<16xi32, #tpu.memory_space<hbm>>) dst(%arg13 : memref<16xi32, #tpu.memory_space<vmem>>)
    %dma_wait3A_47 = tpu.memref_slice %arg5[%add3A_31] : memref<2048xi32, #tpu.memory_space<hbm>> -> memref<16xi32, #tpu.memory_space<hbm>>
    %dma_wait3A_48 = tpu.memref_slice %arg5[%add3A_31] : memref<2048xi32, #tpu.memory_space<hbm>> -> memref<16xi32, #tpu.memory_space<hbm>>
    tpu.wait_dma2 semaphore(%arg21 : memref<!tpu.dma_semaphore, #tpu.memory_space<semaphore_mem>>) src(%dma_wait3A_48 : memref<16xi32, #tpu.memory_space<hbm>>) dst(%arg14 : memref<16xi32, #tpu.memory_space<vmem>>)
    %dma_start3A_49 = arith.constant 0 : i32
    %dma_start3A_50 = arith.constant 0 : i32
    %dma_start3A_51 = tpu.memref_slice %arg2[%dma_start3A_49, %dma_start3A_50] : memref<8192x1024xf32, #tpu.memory_space<hbm>> -> memref<8192x1024xf32, #tpu.memory_space<hbm>>
    tpu.enqueue_indirect_dma source(%dma_start3A_51 : memref<8192x1024xf32, #tpu.memory_space<hbm>>) target(%arg15 : memref<16x1024xf32, #tpu.memory_space<vmem>>) offsets(%arg7 : memref<16xi32, #tpu.memory_space<vmem>>) semaphore(%arg22 : memref<!tpu.dma_semaphore, #tpu.memory_space<semaphore_mem>>)
    %dma_start3A_52 = arith.constant 0 : i32
    %dma_start3A_53 = arith.constant 0 : i32
    %dma_start3A_54 = tpu.memref_slice %arg2[%dma_start3A_52, %dma_start3A_53] : memref<8192x1024xf32, #tpu.memory_space<hbm>> -> memref<8192x1024xf32, #tpu.memory_space<hbm>>
    tpu.enqueue_indirect_dma source(%dma_start3A_54 : memref<8192x1024xf32, #tpu.memory_space<hbm>>) target(%arg17 : memref<16x1024xf32, #tpu.memory_space<vmem>>) offsets(%arg11 : memref<16xi32, #tpu.memory_space<vmem>>) semaphore(%arg22 : memref<!tpu.dma_semaphore, #tpu.memory_space<semaphore_mem>>)
    %add3A_55 = arith.constant 0 : i32
    %add3A_56 = arith.addi %mul3A_2, %add3A_55 : i32
    %dma_start3A_57 = arith.constant 0 : i32
    %dma_start3A_58 = tpu.memref_slice %arg3[%add3A_56, %dma_start3A_57] : memref<2048x1024xf32, #tpu.memory_space<hbm>> -> memref<16x1024xf32, #tpu.memory_space<hbm>>
    %dma_start3A_59 = arith.constant 0 : i32
    %dma_start3A_60 = tpu.memref_slice %arg3[%add3A_56, %dma_start3A_59] : memref<2048x1024xf32, #tpu.memory_space<hbm>> -> memref<16x1024xf32, #tpu.memory_space<hbm>>
    tpu.enqueue_dma source(%dma_start3A_60 : memref<16x1024xf32, #tpu.memory_space<hbm>>) target(%arg19 : memref<16x1024xf32, #tpu.memory_space<vmem>>) target_semaphore(%arg22 : memref<!tpu.dma_semaphore, #tpu.memory_space<semaphore_mem>>)
    %dma_wait3A_61 = arith.constant 0 : i32
    %dma_wait3A_62 = arith.constant 0 : i32
    %dma_wait3A_63 = tpu.memref_slice %arg2[%dma_wait3A_61, %dma_wait3A_62] : memref<8192x1024xf32, #tpu.memory_space<hbm>> -> memref<8192x1024xf32, #tpu.memory_space<hbm>>
    tpu.wait_indirect_dma semaphore(%arg22 : memref<!tpu.dma_semaphore, #tpu.memory_space<semaphore_mem>>) src(%dma_wait3A_63 : memref<8192x1024xf32, #tpu.memory_space<hbm>>) dst(%arg15 : memref<16x1024xf32, #tpu.memory_space<vmem>>)
    %dma_wait3A_64 = arith.constant 0 : i32
    %dma_wait3A_65 = arith.constant 0 : i32
    %dma_wait3A_66 = tpu.memref_slice %arg2[%dma_wait3A_64, %dma_wait3A_65] : memref<8192x1024xf32, #tpu.memory_space<hbm>> -> memref<8192x1024xf32, #tpu.memory_space<hbm>>
    tpu.wait_indirect_dma semaphore(%arg22 : memref<!tpu.dma_semaphore, #tpu.memory_space<semaphore_mem>>) src(%dma_wait3A_66 : memref<8192x1024xf32, #tpu.memory_space<hbm>>) dst(%arg17 : memref<16x1024xf32, #tpu.memory_space<vmem>>)
    %dma_wait3A_67 = arith.constant 0 : i32
    %dma_wait3A_68 = tpu.memref_slice %arg3[%add3A_56, %dma_wait3A_67] : memref<2048x1024xf32, #tpu.memory_space<hbm>> -> memref<16x1024xf32, #tpu.memory_space<hbm>>
    %dma_wait3A_69 = arith.constant 0 : i32
    %dma_wait3A_70 = tpu.memref_slice %arg3[%add3A_56, %dma_wait3A_69] : memref<2048x1024xf32, #tpu.memory_space<hbm>> -> memref<16x1024xf32, #tpu.memory_space<hbm>>
    tpu.wait_dma2 semaphore(%arg22 : memref<!tpu.dma_semaphore, #tpu.memory_space<semaphore_mem>>) src(%dma_wait3A_70 : memref<16x1024xf32, #tpu.memory_space<hbm>>) dst(%arg19 : memref<16x1024xf32, #tpu.memory_space<vmem>>)
    %dma_start3A_71 = arith.constant 0 : i32
    %dma_start3A_72 = arith.constant 0 : i32
    %dma_start3A_73 = tpu.memref_slice %arg2[%dma_start3A_71, %dma_start3A_72] : memref<8192x1024xf32, #tpu.memory_space<hbm>> -> memref<8192x1024xf32, #tpu.memory_space<hbm>>
    tpu.enqueue_indirect_dma source(%dma_start3A_73 : memref<8192x1024xf32, #tpu.memory_space<hbm>>) target(%arg16 : memref<16x1024xf32, #tpu.memory_space<vmem>>) offsets(%arg8 : memref<16xi32, #tpu.memory_space<vmem>>) semaphore(%arg23 : memref<!tpu.dma_semaphore, #tpu.memory_space<semaphore_mem>>)
    %dma_start3A_74 = arith.constant 0 : i32
    %dma_start3A_75 = arith.constant 0 : i32
    %dma_start3A_76 = tpu.memref_slice %arg2[%dma_start3A_74, %dma_start3A_75] : memref<8192x1024xf32, #tpu.memory_space<hbm>> -> memref<8192x1024xf32, #tpu.memory_space<hbm>>
    tpu.enqueue_indirect_dma source(%dma_start3A_76 : memref<8192x1024xf32, #tpu.memory_space<hbm>>) target(%arg18 : memref<16x1024xf32, #tpu.memory_space<vmem>>) offsets(%arg12 : memref<16xi32, #tpu.memory_space<vmem>>) semaphore(%arg23 : memref<!tpu.dma_semaphore, #tpu.memory_space<semaphore_mem>>)
    %add3A_77 = arith.constant 16 : i32
    %add3A_78 = arith.addi %mul3A_2, %add3A_77 : i32
    %dma_start3A_79 = arith.constant 0 : i32
    %dma_start3A_80 = tpu.memref_slice %arg3[%add3A_78, %dma_start3A_79] : memref<2048x1024xf32, #tpu.memory_space<hbm>> -> memref<16x1024xf32, #tpu.memory_space<hbm>>
    %dma_start3A_81 = arith.constant 0 : i32
    %dma_start3A_82 = tpu.memref_slice %arg3[%add3A_78, %dma_start3A_81] : memref<2048x1024xf32, #tpu.memory_space<hbm>> -> memref<16x1024xf32, #tpu.memory_space<hbm>>
    tpu.enqueue_dma source(%dma_start3A_82 : memref<16x1024xf32, #tpu.memory_space<hbm>>) target(%arg20 : memref<16x1024xf32, #tpu.memory_space<vmem>>) target_semaphore(%arg23 : memref<!tpu.dma_semaphore, #tpu.memory_space<semaphore_mem>>)
    %scan3A = arith.constant 0 : i32
    %scan3A_83 = arith.constant 0 : i32
    %scan3A_84 = arith.constant 16 : i32
    %scan3A_85 = arith.addi %scan3A_83, %scan3A_84 : i32
    %scan3A_86 = arith.constant 1 : i32
    scf.for %scan3A_200 = %scan3A_83 to %scan3A_85 step %scan3A_86  : i32 {
      %scan3A_201 = arith.constant 0 : i32
      %scan3A_202 = arith.constant 0 : i32
      %scan3A_203 = arith.constant 64 : i32
      %scan3A_204 = arith.addi %scan3A_202, %scan3A_203 : i32
      %scan3A_205 = arith.constant 1 : i32
      scf.for %scan3A_207 = %scan3A_202 to %scan3A_204 step %scan3A_205  : i32 {
        %mul3A_208 = arith.constant 16 : i32
        %mul3A_209 = arith.muli %scan3A_207, %mul3A_208 : i32
        %get3A = arith.index_cast %scan3A_200 : i32 to index
        %get3A_210 = arith.index_cast %mul3A_209 : i32 to index
        %get3A_211 = tpu.vector_load %arg15[%get3A, %get3A_210] {strides = array<i32>} : memref<16x1024xf32, #tpu.memory_space<vmem>>, vector<16xf32>,
        %get3A_212 = arith.index_cast %scan3A_200 : i32 to index
        %get3A_213 = arith.index_cast %mul3A_209 : i32 to index
        %get3A_214 = tpu.vector_load %arg17[%get3A_212, %get3A_213] {strides = array<i32>} : memref<16x1024xf32, #tpu.memory_space<vmem>>, vector<16xf32>,
        %add3A_215 = arith.addf %get3A_211, %get3A_214 : vector<16xf32>
        %get3A_216 = arith.index_cast %scan3A_200 : i32 to index
        %get3A_217 = arith.index_cast %mul3A_209 : i32 to index
        %get3A_218 = tpu.vector_load %arg19[%get3A_216, %get3A_217] {strides = array<i32>} : memref<16x1024xf32, #tpu.memory_space<vmem>>, vector<16xf32>,
        %add3A_219 = arith.addf %add3A_215, %get3A_218 : vector<16xf32>
        %swap3A = arith.index_cast %scan3A_200 : i32 to index
        %swap3A_220 = arith.index_cast %mul3A_209 : i32 to index
        %swap3A_221 = tpu.vector_load %arg15[%swap3A, %swap3A_220] {strides = array<i32>} : memref<16x1024xf32, #tpu.memory_space<vmem>>, vector<16xf32>,
        tpu.vector_store %arg15[%swap3A, %swap3A_220], %add3A_219 {strides = array<i32>} : memref<16x1024xf32, #tpu.memory_space<vmem>>, vector<16xf32>,
      }
      %scan3A_206 = arith.constant 64 : i32
    }
    %scan3A_87 = arith.constant 16 : i32
    %add3A_88 = arith.constant 0 : i32
    %add3A_89 = arith.addi %mul3A_2, %add3A_88 : i32
    %dma_start3A_90 = arith.constant 0 : i32
    %dma_start3A_91 = tpu.memref_slice %arg6[%add3A_89, %dma_start3A_90] : memref<2048x1024xf32, #tpu.memory_space<hbm>> -> memref<16x1024xf32, #tpu.memory_space<hbm>>
    %dma_start3A_92 = arith.constant 0 : i32
    %dma_start3A_93 = tpu.memref_slice %arg6[%add3A_89, %dma_start3A_92] : memref<2048x1024xf32, #tpu.memory_space<hbm>> -> memref<16x1024xf32, #tpu.memory_space<hbm>>
    tpu.enqueue_dma source(%arg15 : memref<16x1024xf32, #tpu.memory_space<vmem>>) target(%dma_start3A_93 : memref<16x1024xf32, #tpu.memory_space<hbm>>) target_semaphore(%arg24 : memref<!tpu.dma_semaphore, #tpu.memory_space<semaphore_mem>>)
    %dma_wait3A_94 = arith.constant 0 : i32
    %dma_wait3A_95 = arith.constant 0 : i32
    %dma_wait3A_96 = tpu.memref_slice %arg2[%dma_wait3A_94, %dma_wait3A_95] : memref<8192x1024xf32, #tpu.memory_space<hbm>> -> memref<8192x1024xf32, #tpu.memory_space<hbm>>
    tpu.wait_indirect_dma semaphore(%arg23 : memref<!tpu.dma_semaphore, #tpu.memory_space<semaphore_mem>>) src(%dma_wait3A_96 : memref<8192x1024xf32, #tpu.memory_space<hbm>>) dst(%arg16 : memref<16x1024xf32, #tpu.memory_space<vmem>>)
    %dma_wait3A_97 = arith.constant 0 : i32
    %dma_wait3A_98 = arith.constant 0 : i32
    %dma_wait3A_99 = tpu.memref_slice %arg2[%dma_wait3A_97, %dma_wait3A_98] : memref<8192x1024xf32, #tpu.memory_space<hbm>> -> memref<8192x1024xf32, #tpu.memory_space<hbm>>
    tpu.wait_indirect_dma semaphore(%arg23 : memref<!tpu.dma_semaphore, #tpu.memory_space<semaphore_mem>>) src(%dma_wait3A_99 : memref<8192x1024xf32, #tpu.memory_space<hbm>>) dst(%arg18 : memref<16x1024xf32, #tpu.memory_space<vmem>>)
    %dma_wait3A_100 = arith.constant 0 : i32
    %dma_wait3A_101 = tpu.memref_slice %arg3[%add3A_78, %dma_wait3A_100] : memref<2048x1024xf32, #tpu.memory_space<hbm>> -> memref<16x1024xf32, #tpu.memory_space<hbm>>
    %dma_wait3A_102 = arith.constant 0 : i32
    %dma_wait3A_103 = tpu.memref_slice %arg3[%add3A_78, %dma_wait3A_102] : memref<2048x1024xf32, #tpu.memory_space<hbm>> -> memref<16x1024xf32, #tpu.memory_space<hbm>>
    tpu.wait_dma2 semaphore(%arg23 : memref<!tpu.dma_semaphore, #tpu.memory_space<semaphore_mem>>) src(%dma_wait3A_103 : memref<16x1024xf32, #tpu.memory_space<hbm>>) dst(%arg20 : memref<16x1024xf32, #tpu.memory_space<vmem>>)
    %dma_wait3A_104 = arith.constant 0 : i32
    %dma_wait3A_105 = tpu.memref_slice %arg6[%add3A_89, %dma_wait3A_104] : memref<2048x1024xf32, #tpu.memory_space<hbm>> -> memref<16x1024xf32, #tpu.memory_space<hbm>>
    %dma_wait3A_106 = arith.constant 0 : i32
    %dma_wait3A_107 = tpu.memref_slice %arg6[%add3A_89, %dma_wait3A_106] : memref<2048x1024xf32, #tpu.memory_space<hbm>> -> memref<16x1024xf32, #tpu.memory_space<hbm>>
    tpu.wait_dma2 semaphore(%arg24 : memref<!tpu.dma_semaphore, #tpu.memory_space<semaphore_mem>>) src(%arg15 : memref<16x1024xf32, #tpu.memory_space<vmem>>) dst(%dma_wait3A_107 : memref<16x1024xf32, #tpu.memory_space<hbm>>)
    %dma_start3A_108 = arith.constant 0 : i32
    %dma_start3A_109 = arith.constant 0 : i32
    %dma_start3A_110 = tpu.memref_slice %arg2[%dma_start3A_108, %dma_start3A_109] : memref<8192x1024xf32, #tpu.memory_space<hbm>> -> memref<8192x1024xf32, #tpu.memory_space<hbm>>
    tpu.enqueue_indirect_dma source(%dma_start3A_110 : memref<8192x1024xf32, #tpu.memory_space<hbm>>) target(%arg15 : memref<16x1024xf32, #tpu.memory_space<vmem>>) offsets(%arg9 : memref<16xi32, #tpu.memory_space<vmem>>) semaphore(%arg22 : memref<!tpu.dma_semaphore, #tpu.memory_space<semaphore_mem>>)
    %dma_start3A_111 = arith.constant 0 : i32
    %dma_start3A_112 = arith.constant 0 : i32
    %dma_start3A_113 = tpu.memref_slice %arg2[%dma_start3A_111, %dma_start3A_112] : memref<8192x1024xf32, #tpu.memory_space<hbm>> -> memref<8192x1024xf32, #tpu.memory_space<hbm>>
    tpu.enqueue_indirect_dma source(%dma_start3A_113 : memref<8192x1024xf32, #tpu.memory_space<hbm>>) target(%arg17 : memref<16x1024xf32, #tpu.memory_space<vmem>>) offsets(%arg13 : memref<16xi32, #tpu.memory_space<vmem>>) semaphore(%arg22 : memref<!tpu.dma_semaphore, #tpu.memory_space<semaphore_mem>>)
    %add3A_114 = arith.constant 32 : i32
    %add3A_115 = arith.addi %mul3A_2, %add3A_114 : i32
    %dma_start3A_116 = arith.constant 0 : i32
    %dma_start3A_117 = tpu.memref_slice %arg3[%add3A_115, %dma_start3A_116] : memref<2048x1024xf32, #tpu.memory_space<hbm>> -> memref<16x1024xf32, #tpu.memory_space<hbm>>
    %dma_start3A_118 = arith.constant 0 : i32
    %dma_start3A_119 = tpu.memref_slice %arg3[%add3A_115, %dma_start3A_118] : memref<2048x1024xf32, #tpu.memory_space<hbm>> -> memref<16x1024xf32, #tpu.memory_space<hbm>>
    tpu.enqueue_dma source(%dma_start3A_119 : memref<16x1024xf32, #tpu.memory_space<hbm>>) target(%arg19 : memref<16x1024xf32, #tpu.memory_space<vmem>>) target_semaphore(%arg22 : memref<!tpu.dma_semaphore, #tpu.memory_space<semaphore_mem>>)
    %scan3A_120 = arith.constant 0 : i32
    %scan3A_121 = arith.constant 0 : i32
    %scan3A_122 = arith.constant 16 : i32
    %scan3A_123 = arith.addi %scan3A_121, %scan3A_122 : i32
    %scan3A_124 = arith.constant 1 : i32
    scf.for %scan3A_200 = %scan3A_121 to %scan3A_123 step %scan3A_124  : i32 {
      %scan3A_201 = arith.constant 0 : i32
      %scan3A_202 = arith.constant 0 : i32
      %scan3A_203 = arith.constant 64 : i32
      %scan3A_204 = arith.addi %scan3A_202, %scan3A_203 : i32
      %scan3A_205 = arith.constant 1 : i32
      scf.for %scan3A_207 = %scan3A_202 to %scan3A_204 step %scan3A_205  : i32 {
        %mul3A_208 = arith.constant 16 : i32
        %mul3A_209 = arith.muli %scan3A_207, %mul3A_208 : i32
        %get3A = arith.index_cast %scan3A_200 : i32 to index
        %get3A_210 = arith.index_cast %mul3A_209 : i32 to index
        %get3A_211 = tpu.vector_load %arg16[%get3A, %get3A_210] {strides = array<i32>} : memref<16x1024xf32, #tpu.memory_space<vmem>>, vector<16xf32>,
        %get3A_212 = arith.index_cast %scan3A_200 : i32 to index
        %get3A_213 = arith.index_cast %mul3A_209 : i32 to index
        %get3A_214 = tpu.vector_load %arg18[%get3A_212, %get3A_213] {strides = array<i32>} : memref<16x1024xf32, #tpu.memory_space<vmem>>, vector<16xf32>,
        %add3A_215 = arith.addf %get3A_211, %get3A_214 : vector<16xf32>
        %get3A_216 = arith.index_cast %scan3A_200 : i32 to index
        %get3A_217 = arith.index_cast %mul3A_209 : i32 to index
        %get3A_218 = tpu.vector_load %arg20[%get3A_216, %get3A_217] {strides = array<i32>} : memref<16x1024xf32, #tpu.memory_space<vmem>>, vector<16xf32>,
        %add3A_219 = arith.addf %add3A_215, %get3A_218 : vector<16xf32>
        %swap3A = arith.index_cast %scan3A_200 : i32 to index
        %swap3A_220 = arith.index_cast %mul3A_209 : i32 to index
        %swap3A_221 = tpu.vector_load %arg16[%swap3A, %swap3A_220] {strides = array<i32>} : memref<16x1024xf32, #tpu.memory_space<vmem>>, vector<16xf32>,
        tpu.vector_store %arg16[%swap3A, %swap3A_220], %add3A_219 {strides = array<i32>} : memref<16x1024xf32, #tpu.memory_space<vmem>>, vector<16xf32>,
      }
      %scan3A_206 = arith.constant 64 : i32
    }
    %scan3A_125 = arith.constant 16 : i32
    %add3A_126 = arith.constant 16 : i32
    %add3A_127 = arith.addi %mul3A_2, %add3A_126 : i32
    %dma_start3A_128 = arith.constant 0 : i32
    %dma_start3A_129 = tpu.memref_slice %arg6[%add3A_127, %dma_start3A_128] : memref<2048x1024xf32, #tpu.memory_space<hbm>> -> memref<16x1024xf32, #tpu.memory_space<hbm>>
    %dma_start3A_130 = arith.constant 0 : i32
    %dma_start3A_131 = tpu.memref_slice %arg6[%add3A_127, %dma_start3A_130] : memref<2048x1024xf32, #tpu.memory_space<hbm>> -> memref<16x1024xf32, #tpu.memory_space<hbm>>
    tpu.enqueue_dma source(%arg16 : memref<16x1024xf32, #tpu.memory_space<vmem>>) target(%dma_start3A_131 : memref<16x1024xf32, #tpu.memory_space<hbm>>) target_semaphore(%arg25 : memref<!tpu.dma_semaphore, #tpu.memory_space<semaphore_mem>>)
    %dma_wait3A_132 = arith.constant 0 : i32
    %dma_wait3A_133 = arith.constant 0 : i32
    %dma_wait3A_134 = tpu.memref_slice %arg2[%dma_wait3A_132, %dma_wait3A_133] : memref<8192x1024xf32, #tpu.memory_space<hbm>> -> memref<8192x1024xf32, #tpu.memory_space<hbm>>
    tpu.wait_indirect_dma semaphore(%arg22 : memref<!tpu.dma_semaphore, #tpu.memory_space<semaphore_mem>>) src(%dma_wait3A_134 : memref<8192x1024xf32, #tpu.memory_space<hbm>>) dst(%arg15 : memref<16x1024xf32, #tpu.memory_space<vmem>>)
    %dma_wait3A_135 = arith.constant 0 : i32
    %dma_wait3A_136 = arith.constant 0 : i32
    %dma_wait3A_137 = tpu.memref_slice %arg2[%dma_wait3A_135, %dma_wait3A_136] : memref<8192x1024xf32, #tpu.memory_space<hbm>> -> memref<8192x1024xf32, #tpu.memory_space<hbm>>
    tpu.wait_indirect_dma semaphore(%arg22 : memref<!tpu.dma_semaphore, #tpu.memory_space<semaphore_mem>>) src(%dma_wait3A_137 : memref<8192x1024xf32, #tpu.memory_space<hbm>>) dst(%arg17 : memref<16x1024xf32, #tpu.memory_space<vmem>>)
    %dma_wait3A_138 = arith.constant 0 : i32
    %dma_wait3A_139 = tpu.memref_slice %arg3[%add3A_115, %dma_wait3A_138] : memref<2048x1024xf32, #tpu.memory_space<hbm>> -> memref<16x1024xf32, #tpu.memory_space<hbm>>
    %dma_wait3A_140 = arith.constant 0 : i32
    %dma_wait3A_141 = tpu.memref_slice %arg3[%add3A_115, %dma_wait3A_140] : memref<2048x1024xf32, #tpu.memory_space<hbm>> -> memref<16x1024xf32, #tpu.memory_space<hbm>>
    tpu.wait_dma2 semaphore(%arg22 : memref<!tpu.dma_semaphore, #tpu.memory_space<semaphore_mem>>) src(%dma_wait3A_141 : memref<16x1024xf32, #tpu.memory_space<hbm>>) dst(%arg19 : memref<16x1024xf32, #tpu.memory_space<vmem>>)
    %dma_wait3A_142 = arith.constant 0 : i32
    %dma_wait3A_143 = tpu.memref_slice %arg6[%add3A_127, %dma_wait3A_142] : memref<2048x1024xf32, #tpu.memory_space<hbm>> -> memref<16x1024xf32, #tpu.memory_space<hbm>>
    %dma_wait3A_144 = arith.constant 0 : i32
    %dma_wait3A_145 = tpu.memref_slice %arg6[%add3A_127, %dma_wait3A_144] : memref<2048x1024xf32, #tpu.memory_space<hbm>> -> memref<16x1024xf32, #tpu.memory_space<hbm>>
    tpu.wait_dma2 semaphore(%arg25 : memref<!tpu.dma_semaphore, #tpu.memory_space<semaphore_mem>>) src(%arg16 : memref<16x1024xf32, #tpu.memory_space<vmem>>) dst(%dma_wait3A_145 : memref<16x1024xf32, #tpu.memory_space<hbm>>)
    %dma_start3A_146 = arith.constant 0 : i32
    %dma_start3A_147 = arith.constant 0 : i32
    %dma_start3A_148 = tpu.memref_slice %arg2[%dma_start3A_146, %dma_start3A_147] : memref<8192x1024xf32, #tpu.memory_space<hbm>> -> memref<8192x1024xf32, #tpu.memory_space<hbm>>
    tpu.enqueue_indirect_dma source(%dma_start3A_148 : memref<8192x1024xf32, #tpu.memory_space<hbm>>) target(%arg16 : memref<16x1024xf32, #tpu.memory_space<vmem>>) offsets(%arg10 : memref<16xi32, #tpu.memory_space<vmem>>) semaphore(%arg23 : memref<!tpu.dma_semaphore, #tpu.memory_space<semaphore_mem>>)
    %dma_start3A_149 = arith.constant 0 : i32
    %dma_start3A_150 = arith.constant 0 : i32
    %dma_start3A_151 = tpu.memref_slice %arg2[%dma_start3A_149, %dma_start3A_150] : memref<8192x1024xf32, #tpu.memory_space<hbm>> -> memref<8192x1024xf32, #tpu.memory_space<hbm>>
    tpu.enqueue_indirect_dma source(%dma_start3A_151 : memref<8192x1024xf32, #tpu.memory_space<hbm>>) target(%arg18 : memref<16x1024xf32, #tpu.memory_space<vmem>>) offsets(%arg14 : memref<16xi32, #tpu.memory_space<vmem>>) semaphore(%arg23 : memref<!tpu.dma_semaphore, #tpu.memory_space<semaphore_mem>>)
    %add3A_152 = arith.constant 48 : i32
    %add3A_153 = arith.addi %mul3A_2, %add3A_152 : i32
    %dma_start3A_154 = arith.constant 0 : i32
    %dma_start3A_155 = tpu.memref_slice %arg3[%add3A_153, %dma_start3A_154] : memref<2048x1024xf32, #tpu.memory_space<hbm>> -> memref<16x1024xf32, #tpu.memory_space<hbm>>
    %dma_start3A_156 = arith.constant 0 : i32
    %dma_start3A_157 = tpu.memref_slice %arg3[%add3A_153, %dma_start3A_156] : memref<2048x1024xf32, #tpu.memory_space<hbm>> -> memref<16x1024xf32, #tpu.memory_space<hbm>>
    tpu.enqueue_dma source(%dma_start3A_157 : memref<16x1024xf32, #tpu.memory_space<hbm>>) target(%arg20 : memref<16x1024xf32, #tpu.memory_space<vmem>>) target_semaphore(%arg23 : memref<!tpu.dma_semaphore, #tpu.memory_space<semaphore_mem>>)
    %scan3A_158 = arith.constant 0 : i32
    %scan3A_159 = arith.constant 0 : i32
    %scan3A_160 = arith.constant 16 : i32
    %scan3A_161 = arith.addi %scan3A_159, %scan3A_160 : i32
    %scan3A_162 = arith.constant 1 : i32
    scf.for %scan3A_200 = %scan3A_159 to %scan3A_161 step %scan3A_162  : i32 {
      %scan3A_201 = arith.constant 0 : i32
      %scan3A_202 = arith.constant 0 : i32
      %scan3A_203 = arith.constant 64 : i32
      %scan3A_204 = arith.addi %scan3A_202, %scan3A_203 : i32
      %scan3A_205 = arith.constant 1 : i32
      scf.for %scan3A_207 = %scan3A_202 to %scan3A_204 step %scan3A_205  : i32 {
        %mul3A_208 = arith.constant 16 : i32
        %mul3A_209 = arith.muli %scan3A_207, %mul3A_208 : i32
        %get3A = arith.index_cast %scan3A_200 : i32 to index
        %get3A_210 = arith.index_cast %mul3A_209 : i32 to index
        %get3A_211 = tpu.vector_load %arg15[%get3A, %get3A_210] {strides = array<i32>} : memref<16x1024xf32, #tpu.memory_space<vmem>>, vector<16xf32>,
        %get3A_212 = arith.index_cast %scan3A_200 : i32 to index
        %get3A_213 = arith.index_cast %mul3A_209 : i32 to index
        %get3A_214 = tpu.vector_load %arg17[%get3A_212, %get3A_213] {strides = array<i32>} : memref<16x1024xf32, #tpu.memory_space<vmem>>, vector<16xf32>,
        %add3A_215 = arith.addf %get3A_211, %get3A_214 : vector<16xf32>
        %get3A_216 = arith.index_cast %scan3A_200 : i32 to index
        %get3A_217 = arith.index_cast %mul3A_209 : i32 to index
        %get3A_218 = tpu.vector_load %arg19[%get3A_216, %get3A_217] {strides = array<i32>} : memref<16x1024xf32, #tpu.memory_space<vmem>>, vector<16xf32>,
        %add3A_219 = arith.addf %add3A_215, %get3A_218 : vector<16xf32>
        %swap3A = arith.index_cast %scan3A_200 : i32 to index
        %swap3A_220 = arith.index_cast %mul3A_209 : i32 to index
        %swap3A_221 = tpu.vector_load %arg15[%swap3A, %swap3A_220] {strides = array<i32>} : memref<16x1024xf32, #tpu.memory_space<vmem>>, vector<16xf32>,
        tpu.vector_store %arg15[%swap3A, %swap3A_220], %add3A_219 {strides = array<i32>} : memref<16x1024xf32, #tpu.memory_space<vmem>>, vector<16xf32>,
      }
      %scan3A_206 = arith.constant 64 : i32
    }
    %scan3A_163 = arith.constant 16 : i32
    %add3A_164 = arith.constant 32 : i32
    %add3A_165 = arith.addi %mul3A_2, %add3A_164 : i32
    %dma_start3A_166 = arith.constant 0 : i32
    %dma_start3A_167 = tpu.memref_slice %arg6[%add3A_165, %dma_start3A_166] : memref<2048x1024xf32, #tpu.memory_space<hbm>> -> memref<16x1024xf32, #tpu.memory_space<hbm>>
    %dma_start3A_168 = arith.constant 0 : i32
    %dma_start3A_169 = tpu.memref_slice %arg6[%add3A_165, %dma_start3A_168] : memref<2048x1024xf32, #tpu.memory_space<hbm>> -> memref<16x1024xf32, #tpu.memory_space<hbm>>
    tpu.enqueue_dma source(%arg15 : memref<16x1024xf32, #tpu.memory_space<vmem>>) target(%dma_start3A_169 : memref<16x1024xf32, #tpu.memory_space<hbm>>) target_semaphore(%arg24 : memref<!tpu.dma_semaphore, #tpu.memory_space<semaphore_mem>>)
    %dma_wait3A_170 = arith.constant 0 : i32
    %dma_wait3A_171 = arith.constant 0 : i32
    %dma_wait3A_172 = tpu.memref_slice %arg2[%dma_wait3A_170, %dma_wait3A_171] : memref<8192x1024xf32, #tpu.memory_space<hbm>> -> memref<8192x1024xf32, #tpu.memory_space<hbm>>
    tpu.wait_indirect_dma semaphore(%arg23 : memref<!tpu.dma_semaphore, #tpu.memory_space<semaphore_mem>>) src(%dma_wait3A_172 : memref<8192x1024xf32, #tpu.memory_space<hbm>>) dst(%arg16 : memref<16x1024xf32, #tpu.memory_space<vmem>>)
    %dma_wait3A_173 = arith.constant 0 : i32
    %dma_wait3A_174 = arith.constant 0 : i32
    %dma_wait3A_175 = tpu.memref_slice %arg2[%dma_wait3A_173, %dma_wait3A_174] : memref<8192x1024xf32, #tpu.memory_space<hbm>> -> memref<8192x1024xf32, #tpu.memory_space<hbm>>
    tpu.wait_indirect_dma semaphore(%arg23 : memref<!tpu.dma_semaphore, #tpu.memory_space<semaphore_mem>>) src(%dma_wait3A_175 : memref<8192x1024xf32, #tpu.memory_space<hbm>>) dst(%arg18 : memref<16x1024xf32, #tpu.memory_space<vmem>>)
    %dma_wait3A_176 = arith.constant 0 : i32
    %dma_wait3A_177 = tpu.memref_slice %arg3[%add3A_153, %dma_wait3A_176] : memref<2048x1024xf32, #tpu.memory_space<hbm>> -> memref<16x1024xf32, #tpu.memory_space<hbm>>
    %dma_wait3A_178 = arith.constant 0 : i32
    %dma_wait3A_179 = tpu.memref_slice %arg3[%add3A_153, %dma_wait3A_178] : memref<2048x1024xf32, #tpu.memory_space<hbm>> -> memref<16x1024xf32, #tpu.memory_space<hbm>>
    tpu.wait_dma2 semaphore(%arg23 : memref<!tpu.dma_semaphore, #tpu.memory_space<semaphore_mem>>) src(%dma_wait3A_179 : memref<16x1024xf32, #tpu.memory_space<hbm>>) dst(%arg20 : memref<16x1024xf32, #tpu.memory_space<vmem>>)
    %scan3A_180 = arith.constant 0 : i32
    %scan3A_181 = arith.constant 0 : i32
    %scan3A_182 = arith.constant 16 : i32
    %scan3A_183 = arith.addi %scan3A_181, %scan3A_182 : i32
    %scan3A_184 = arith.constant 1 : i32
    scf.for %scan3A_200 = %scan3A_181 to %scan3A_183 step %scan3A_184  : i32 {
      %scan3A_201 = arith.constant 0 : i32
      %scan3A_202 = arith.constant 0 : i32
      %scan3A_203 = arith.constant 64 : i32
      %scan3A_204 = arith.addi %scan3A_202, %scan3A_203 : i32
      %scan3A_205 = arith.constant 1 : i32
      scf.for %scan3A_207 = %scan3A_202 to %scan3A_204 step %scan3A_205  : i32 {
        %mul3A_208 = arith.constant 16 : i32
        %mul3A_209 = arith.muli %scan3A_207, %mul3A_208 : i32
        %get3A = arith.index_cast %scan3A_200 : i32 to index
        %get3A_210 = arith.index_cast %mul3A_209 : i32 to index
        %get3A_211 = tpu.vector_load %arg16[%get3A, %get3A_210] {strides = array<i32>} : memref<16x1024xf32, #tpu.memory_space<vmem>>, vector<16xf32>,
        %get3A_212 = arith.index_cast %scan3A_200 : i32 to index
        %get3A_213 = arith.index_cast %mul3A_209 : i32 to index
        %get3A_214 = tpu.vector_load %arg18[%get3A_212, %get3A_213] {strides = array<i32>} : memref<16x1024xf32, #tpu.memory_space<vmem>>, vector<16xf32>,
        %add3A_215 = arith.addf %get3A_211, %get3A_214 : vector<16xf32>
        %get3A_216 = arith.index_cast %scan3A_200 : i32 to index
        %get3A_217 = arith.index_cast %mul3A_209 : i32 to index
        %get3A_218 = tpu.vector_load %arg20[%get3A_216, %get3A_217] {strides = array<i32>} : memref<16x1024xf32, #tpu.memory_space<vmem>>, vector<16xf32>,
        %add3A_219 = arith.addf %add3A_215, %get3A_218 : vector<16xf32>
        %swap3A = arith.index_cast %scan3A_200 : i32 to index
        %swap3A_220 = arith.index_cast %mul3A_209 : i32 to index
        %swap3A_221 = tpu.vector_load %arg16[%swap3A, %swap3A_220] {strides = array<i32>} : memref<16x1024xf32, #tpu.memory_space<vmem>>, vector<16xf32>,
        tpu.vector_store %arg16[%swap3A, %swap3A_220], %add3A_219 {strides = array<i32>} : memref<16x1024xf32, #tpu.memory_space<vmem>>, vector<16xf32>,
      }
      %scan3A_206 = arith.constant 64 : i32
    }
    %scan3A_185 = arith.constant 16 : i32
    %add3A_186 = arith.constant 48 : i32
    %add3A_187 = arith.addi %mul3A_2, %add3A_186 : i32
    %dma_start3A_188 = arith.constant 0 : i32
    %dma_start3A_189 = tpu.memref_slice %arg6[%add3A_187, %dma_start3A_188] : memref<2048x1024xf32, #tpu.memory_space<hbm>> -> memref<16x1024xf32, #tpu.memory_space<hbm>>
    %dma_start3A_190 = arith.constant 0 : i32
    %dma_start3A_191 = tpu.memref_slice %arg6[%add3A_187, %dma_start3A_190] : memref<2048x1024xf32, #tpu.memory_space<hbm>> -> memref<16x1024xf32, #tpu.memory_space<hbm>>
    tpu.enqueue_dma source(%arg16 : memref<16x1024xf32, #tpu.memory_space<vmem>>) target(%dma_start3A_191 : memref<16x1024xf32, #tpu.memory_space<hbm>>) target_semaphore(%arg25 : memref<!tpu.dma_semaphore, #tpu.memory_space<semaphore_mem>>)
    %dma_wait3A_192 = arith.constant 0 : i32
    %dma_wait3A_193 = tpu.memref_slice %arg6[%add3A_165, %dma_wait3A_192] : memref<2048x1024xf32, #tpu.memory_space<hbm>> -> memref<16x1024xf32, #tpu.memory_space<hbm>>
    %dma_wait3A_194 = arith.constant 0 : i32
    %dma_wait3A_195 = tpu.memref_slice %arg6[%add3A_165, %dma_wait3A_194] : memref<2048x1024xf32, #tpu.memory_space<hbm>> -> memref<16x1024xf32, #tpu.memory_space<hbm>>
    tpu.wait_dma2 semaphore(%arg24 : memref<!tpu.dma_semaphore, #tpu.memory_space<semaphore_mem>>) src(%arg15 : memref<16x1024xf32, #tpu.memory_space<vmem>>) dst(%dma_wait3A_195 : memref<16x1024xf32, #tpu.memory_space<hbm>>)
    %dma_wait3A_196 = arith.constant 0 : i32
    %dma_wait3A_197 = tpu.memref_slice %arg6[%add3A_187, %dma_wait3A_196] : memref<2048x1024xf32, #tpu.memory_space<hbm>> -> memref<16x1024xf32, #tpu.memory_space<hbm>>
    %dma_wait3A_198 = arith.constant 0 : i32
    %dma_wait3A_199 = tpu.memref_slice %arg6[%add3A_187, %dma_wait3A_198] : memref<2048x1024xf32, #tpu.memory_space<hbm>> -> memref<16x1024xf32, #tpu.memory_space<hbm>>
    tpu.wait_dma2 semaphore(%arg25 : memref<!tpu.dma_semaphore, #tpu.memory_space<semaphore_mem>>) src(%arg16 : memref<16x1024xf32, #tpu.memory_space<vmem>>) dst(%dma_wait3A_199 : memref<16x1024xf32, #tpu.memory_space<hbm>>)
    return
  }
}

#map = affine_map<(d0, d1) -> (0, 0)>
#map1 = affine_map<(d0, d1) -> (0)>
module attributes {stable_mosaic.version = 14 : i64} {
  func.func @_sc_dispatch_body(%arg0: i32, %arg1: i32, %arg2: memref<2048x1024xf32, #tpu.memory_space<hbm>>, %arg3: memref<2048xi32, #tpu.memory_space<hbm>>, %arg4: memref<2048xi32, #tpu.memory_space<hbm>>, %arg5: memref<2048xf32, #tpu.memory_space<hbm>>, %arg6: memref<2048xf32, #tpu.memory_space<hbm>>, %arg7: memref<8192x1024xf32, #tpu.memory_space<hbm>>, %arg8: memref<8192xf32, #tpu.memory_space<hbm>>, %arg9: memref<16xi32, #tpu.memory_space<vmem>>, %arg10: memref<16xi32, #tpu.memory_space<vmem>>, %arg11: memref<16xi32, #tpu.memory_space<vmem>>, %arg12: memref<16xi32, #tpu.memory_space<vmem>>, %arg13: memref<16xi32, #tpu.memory_space<vmem>>, %arg14: memref<16xi32, #tpu.memory_space<vmem>>, %arg15: memref<16xi32, #tpu.memory_space<vmem>>, %arg16: memref<16xi32, #tpu.memory_space<vmem>>, %arg17: memref<16x1024xf32, #tpu.memory_space<vmem>>, %arg18: memref<16x1024xf32, #tpu.memory_space<vmem>>, %arg19: memref<8192xf32, #tpu.memory_space<vmem>>, %arg20: memref<2048xi32, #tpu.memory_space<vmem>>, %arg21: memref<2048xi32, #tpu.memory_space<vmem>>, %arg22: memref<2048xf32, #tpu.memory_space<vmem>>, %arg23: memref<2048xf32, #tpu.memory_space<vmem>>, %arg24: memref<!tpu.dma_semaphore, #tpu.memory_space<semaphore_mem>>, %arg25: memref<!tpu.dma_semaphore, #tpu.memory_space<semaphore_mem>>, %arg26: memref<!tpu.dma_semaphore, #tpu.memory_space<semaphore_mem>>, %arg27: memref<!tpu.dma_semaphore, #tpu.memory_space<semaphore_mem>>, %arg28: memref<!tpu.dma_semaphore, #tpu.memory_space<semaphore_mem>>) attributes {dimension_semantics = [#tpu.dimension_semantics<core_parallel>, #tpu.dimension_semantics<subcore_parallel>], iteration_bounds = array<i64: 2, 16>, scalar_prefetch = 0 : i64, scratch_operands = 20 : i64, tpu.core_type = #tpu.core_type<sc_vector_subcore>, window_params = [{transform_indices = #map}, {transform_indices = #map1}, {transform_indices = #map1}, {transform_indices = #map1}, {transform_indices = #map1}, {transform_indices = #map}, {transform_indices = #map1}]} {
    %mul3A = arith.constant 2 : i32
    %mul3A_0 = arith.muli %arg1, %mul3A : i32
    %add3A = arith.addi %mul3A_0, %arg0 : i32
    %mul3A_1 = arith.constant 64 : i32
    %mul3A_2 = arith.muli %add3A, %mul3A_1 : i32
    %eq3A = arith.constant 0 : i32
    %eq3A_3 = arith.cmpi eq, %add3A, %eq3A : i32
    %convert_element_type3A = arith.extui %eq3A_3 : i1 to i32
    %cond3A = arith.constant 0 : i32
    %cond3A_4 = arith.cmpi ne, %convert_element_type3A, %cond3A : i32
    scf.if %cond3A_4 {
      tpu.enqueue_dma source(%arg3 : memref<2048xi32, #tpu.memory_space<hbm>>) target(%arg20 : memref<2048xi32, #tpu.memory_space<vmem>>) target_semaphore(%arg24 : memref<!tpu.dma_semaphore, #tpu.memory_space<semaphore_mem>>)
      tpu.enqueue_dma source(%arg4 : memref<2048xi32, #tpu.memory_space<hbm>>) target(%arg21 : memref<2048xi32, #tpu.memory_space<vmem>>) target_semaphore(%arg24 : memref<!tpu.dma_semaphore, #tpu.memory_space<semaphore_mem>>)
      tpu.enqueue_dma source(%arg5 : memref<2048xf32, #tpu.memory_space<hbm>>) target(%arg22 : memref<2048xf32, #tpu.memory_space<vmem>>) target_semaphore(%arg24 : memref<!tpu.dma_semaphore, #tpu.memory_space<semaphore_mem>>)
      tpu.enqueue_dma source(%arg6 : memref<2048xf32, #tpu.memory_space<hbm>>) target(%arg23 : memref<2048xf32, #tpu.memory_space<vmem>>) target_semaphore(%arg24 : memref<!tpu.dma_semaphore, #tpu.memory_space<semaphore_mem>>)
      %broadcast_in_dim3A = arith.constant 1.000000e+00 : f32
      %broadcast_in_dim3A_139 = vector.broadcast %broadcast_in_dim3A : f32 to vector<16xf32>
      %scan3A = arith.constant 0 : i32
      %scan3A_140 = arith.constant 0 : i32
      %scan3A_141 = arith.constant 512 : i32
      %scan3A_142 = arith.addi %scan3A_140, %scan3A_141 : i32
      %scan3A_143 = arith.constant 1 : i32
      scf.for %scan3A_151 = %scan3A_140 to %scan3A_142 step %scan3A_143  : i32 {
        %mul3A_152 = arith.constant 16 : i32
        %mul3A_153 = arith.muli %scan3A_151, %mul3A_152 : i32
        %swap3A = arith.index_cast %mul3A_153 : i32 to index
        %swap3A_154 = tpu.vector_load %arg19[%swap3A] {strides = array<i32>} : memref<8192xf32, #tpu.memory_space<vmem>>, vector<16xf32>,
        tpu.vector_store %arg19[%swap3A], %broadcast_in_dim3A_139 {strides = array<i32>} : memref<8192xf32, #tpu.memory_space<vmem>>, vector<16xf32>,
      }
      %scan3A_144 = arith.constant 512 : i32
      tpu.wait_dma2 semaphore(%arg24 : memref<!tpu.dma_semaphore, #tpu.memory_space<semaphore_mem>>) src(%arg3 : memref<2048xi32, #tpu.memory_space<hbm>>) dst(%arg20 : memref<2048xi32, #tpu.memory_space<vmem>>)
      tpu.wait_dma2 semaphore(%arg24 : memref<!tpu.dma_semaphore, #tpu.memory_space<semaphore_mem>>) src(%arg4 : memref<2048xi32, #tpu.memory_space<hbm>>) dst(%arg21 : memref<2048xi32, #tpu.memory_space<vmem>>)
      tpu.wait_dma2 semaphore(%arg24 : memref<!tpu.dma_semaphore, #tpu.memory_space<semaphore_mem>>) src(%arg5 : memref<2048xf32, #tpu.memory_space<hbm>>) dst(%arg22 : memref<2048xf32, #tpu.memory_space<vmem>>)
      tpu.wait_dma2 semaphore(%arg24 : memref<!tpu.dma_semaphore, #tpu.memory_space<semaphore_mem>>) src(%arg6 : memref<2048xf32, #tpu.memory_space<hbm>>) dst(%arg23 : memref<2048xf32, #tpu.memory_space<vmem>>)
      %scan3A_145 = arith.constant 0 : i32
      %scan3A_146 = arith.constant 0 : i32
      %scan3A_147 = arith.constant 128 : i32
      %scan3A_148 = arith.addi %scan3A_146, %scan3A_147 : i32
      %scan3A_149 = arith.constant 1 : i32
      scf.for %scan3A_151 = %scan3A_146 to %scan3A_148 step %scan3A_149  : i32 {
        %mul3A_152 = arith.constant 16 : i32
        %mul3A_153 = arith.muli %scan3A_151, %mul3A_152 : i32
        %get3A = arith.index_cast %mul3A_153 : i32 to index
        %get3A_154 = tpu.vector_load %arg20[%get3A] {strides = array<i32>} : memref<2048xi32, #tpu.memory_space<vmem>>, vector<16xi32>,
        %get3A_155 = arith.index_cast %mul3A_153 : i32 to index
        %get3A_156 = tpu.vector_load %arg22[%get3A_155] {strides = array<i32>} : memref<2048xf32, #tpu.memory_space<vmem>>, vector<16xf32>,
        tpu.vector_store_idx %arg19[%get3A_154], %get3A_156 : memref<8192xf32, #tpu.memory_space<vmem>>[vector<16xi32>], vector<16xf32>,
        %get3A_157 = arith.index_cast %mul3A_153 : i32 to index
        %get3A_158 = tpu.vector_load %arg21[%get3A_157] {strides = array<i32>} : memref<2048xi32, #tpu.memory_space<vmem>>, vector<16xi32>,
        %get3A_159 = arith.index_cast %mul3A_153 : i32 to index
        %get3A_160 = tpu.vector_load %arg23[%get3A_159] {strides = array<i32>} : memref<2048xf32, #tpu.memory_space<vmem>>, vector<16xf32>,
        tpu.vector_store_idx %arg19[%get3A_158], %get3A_160 : memref<8192xf32, #tpu.memory_space<vmem>>[vector<16xi32>], vector<16xf32>,
      }
      %scan3A_150 = arith.constant 128 : i32
      "tpu.region"() ({
        %run_scoped3A = tpu.sem_alloc : memref<!tpu.dma_semaphore, #tpu.memory_space<semaphore_mem>>
        tpu.enqueue_dma source(%arg19 : memref<8192xf32, #tpu.memory_space<vmem>>) target(%arg8 : memref<8192xf32, #tpu.memory_space<hbm>>) target_semaphore(%run_scoped3A : memref<!tpu.dma_semaphore, #tpu.memory_space<semaphore_mem>>)
        tpu.wait_dma2 semaphore(%run_scoped3A : memref<!tpu.dma_semaphore, #tpu.memory_space<semaphore_mem>>) src(%arg19 : memref<8192xf32, #tpu.memory_space<vmem>>) dst(%arg8 : memref<8192xf32, #tpu.memory_space<hbm>>)
        tpu.yield
      }) : () -> ()
    } else {
    }
    %add3A_5 = arith.constant 0 : i32
    %add3A_6 = arith.addi %mul3A_2, %add3A_5 : i32
    %dma_start3A = tpu.memref_slice %arg3[%add3A_6] : memref<2048xi32, #tpu.memory_space<hbm>> -> memref<16xi32, #tpu.memory_space<hbm>>
    %dma_start3A_7 = tpu.memref_slice %arg3[%add3A_6] : memref<2048xi32, #tpu.memory_space<hbm>> -> memref<16xi32, #tpu.memory_space<hbm>>
    tpu.enqueue_dma source(%dma_start3A_7 : memref<16xi32, #tpu.memory_space<hbm>>) target(%arg9 : memref<16xi32, #tpu.memory_space<vmem>>) target_semaphore(%arg24 : memref<!tpu.dma_semaphore, #tpu.memory_space<semaphore_mem>>)
    %add3A_8 = arith.constant 16 : i32
    %add3A_9 = arith.addi %mul3A_2, %add3A_8 : i32
    %dma_start3A_10 = tpu.memref_slice %arg3[%add3A_9] : memref<2048xi32, #tpu.memory_space<hbm>> -> memref<16xi32, #tpu.memory_space<hbm>>
    %dma_start3A_11 = tpu.memref_slice %arg3[%add3A_9] : memref<2048xi32, #tpu.memory_space<hbm>> -> memref<16xi32, #tpu.memory_space<hbm>>
    tpu.enqueue_dma source(%dma_start3A_11 : memref<16xi32, #tpu.memory_space<hbm>>) target(%arg10 : memref<16xi32, #tpu.memory_space<vmem>>) target_semaphore(%arg24 : memref<!tpu.dma_semaphore, #tpu.memory_space<semaphore_mem>>)
    %add3A_12 = arith.constant 32 : i32
    %add3A_13 = arith.addi %mul3A_2, %add3A_12 : i32
    %dma_start3A_14 = tpu.memref_slice %arg3[%add3A_13] : memref<2048xi32, #tpu.memory_space<hbm>> -> memref<16xi32, #tpu.memory_space<hbm>>
    %dma_start3A_15 = tpu.memref_slice %arg3[%add3A_13] : memref<2048xi32, #tpu.memory_space<hbm>> -> memref<16xi32, #tpu.memory_space<hbm>>
    tpu.enqueue_dma source(%dma_start3A_15 : memref<16xi32, #tpu.memory_space<hbm>>) target(%arg11 : memref<16xi32, #tpu.memory_space<vmem>>) target_semaphore(%arg24 : memref<!tpu.dma_semaphore, #tpu.memory_space<semaphore_mem>>)
    %add3A_16 = arith.constant 48 : i32
    %add3A_17 = arith.addi %mul3A_2, %add3A_16 : i32
    %dma_start3A_18 = tpu.memref_slice %arg3[%add3A_17] : memref<2048xi32, #tpu.memory_space<hbm>> -> memref<16xi32, #tpu.memory_space<hbm>>
    %dma_start3A_19 = tpu.memref_slice %arg3[%add3A_17] : memref<2048xi32, #tpu.memory_space<hbm>> -> memref<16xi32, #tpu.memory_space<hbm>>
    tpu.enqueue_dma source(%dma_start3A_19 : memref<16xi32, #tpu.memory_space<hbm>>) target(%arg12 : memref<16xi32, #tpu.memory_space<vmem>>) target_semaphore(%arg24 : memref<!tpu.dma_semaphore, #tpu.memory_space<semaphore_mem>>)
    %add3A_20 = arith.constant 0 : i32
    %add3A_21 = arith.addi %mul3A_2, %add3A_20 : i32
    %dma_start3A_22 = tpu.memref_slice %arg4[%add3A_21] : memref<2048xi32, #tpu.memory_space<hbm>> -> memref<16xi32, #tpu.memory_space<hbm>>
    %dma_start3A_23 = tpu.memref_slice %arg4[%add3A_21] : memref<2048xi32, #tpu.memory_space<hbm>> -> memref<16xi32, #tpu.memory_space<hbm>>
    tpu.enqueue_dma source(%dma_start3A_23 : memref<16xi32, #tpu.memory_space<hbm>>) target(%arg13 : memref<16xi32, #tpu.memory_space<vmem>>) target_semaphore(%arg24 : memref<!tpu.dma_semaphore, #tpu.memory_space<semaphore_mem>>)
    %add3A_24 = arith.constant 16 : i32
    %add3A_25 = arith.addi %mul3A_2, %add3A_24 : i32
    %dma_start3A_26 = tpu.memref_slice %arg4[%add3A_25] : memref<2048xi32, #tpu.memory_space<hbm>> -> memref<16xi32, #tpu.memory_space<hbm>>
    %dma_start3A_27 = tpu.memref_slice %arg4[%add3A_25] : memref<2048xi32, #tpu.memory_space<hbm>> -> memref<16xi32, #tpu.memory_space<hbm>>
    tpu.enqueue_dma source(%dma_start3A_27 : memref<16xi32, #tpu.memory_space<hbm>>) target(%arg14 : memref<16xi32, #tpu.memory_space<vmem>>) target_semaphore(%arg24 : memref<!tpu.dma_semaphore, #tpu.memory_space<semaphore_mem>>)
    %add3A_28 = arith.constant 32 : i32
    %add3A_29 = arith.addi %mul3A_2, %add3A_28 : i32
    %dma_start3A_30 = tpu.memref_slice %arg4[%add3A_29] : memref<2048xi32, #tpu.memory_space<hbm>> -> memref<16xi32, #tpu.memory_space<hbm>>
    %dma_start3A_31 = tpu.memref_slice %arg4[%add3A_29] : memref<2048xi32, #tpu.memory_space<hbm>> -> memref<16xi32, #tpu.memory_space<hbm>>
    tpu.enqueue_dma source(%dma_start3A_31 : memref<16xi32, #tpu.memory_space<hbm>>) target(%arg15 : memref<16xi32, #tpu.memory_space<vmem>>) target_semaphore(%arg24 : memref<!tpu.dma_semaphore, #tpu.memory_space<semaphore_mem>>)
    %add3A_32 = arith.constant 48 : i32
    %add3A_33 = arith.addi %mul3A_2, %add3A_32 : i32
    %dma_start3A_34 = tpu.memref_slice %arg4[%add3A_33] : memref<2048xi32, #tpu.memory_space<hbm>> -> memref<16xi32, #tpu.memory_space<hbm>>
    %dma_start3A_35 = tpu.memref_slice %arg4[%add3A_33] : memref<2048xi32, #tpu.memory_space<hbm>> -> memref<16xi32, #tpu.memory_space<hbm>>
    tpu.enqueue_dma source(%dma_start3A_35 : memref<16xi32, #tpu.memory_space<hbm>>) target(%arg16 : memref<16xi32, #tpu.memory_space<vmem>>) target_semaphore(%arg24 : memref<!tpu.dma_semaphore, #tpu.memory_space<semaphore_mem>>)
    %dma_wait3A = tpu.memref_slice %arg3[%add3A_6] : memref<2048xi32, #tpu.memory_space<hbm>> -> memref<16xi32, #tpu.memory_space<hbm>>
    %dma_wait3A_36 = tpu.memref_slice %arg3[%add3A_6] : memref<2048xi32, #tpu.memory_space<hbm>> -> memref<16xi32, #tpu.memory_space<hbm>>
    tpu.wait_dma2 semaphore(%arg24 : memref<!tpu.dma_semaphore, #tpu.memory_space<semaphore_mem>>) src(%dma_wait3A_36 : memref<16xi32, #tpu.memory_space<hbm>>) dst(%arg9 : memref<16xi32, #tpu.memory_space<vmem>>)
    %dma_wait3A_37 = tpu.memref_slice %arg3[%add3A_9] : memref<2048xi32, #tpu.memory_space<hbm>> -> memref<16xi32, #tpu.memory_space<hbm>>
    %dma_wait3A_38 = tpu.memref_slice %arg3[%add3A_9] : memref<2048xi32, #tpu.memory_space<hbm>> -> memref<16xi32, #tpu.memory_space<hbm>>
    tpu.wait_dma2 semaphore(%arg24 : memref<!tpu.dma_semaphore, #tpu.memory_space<semaphore_mem>>) src(%dma_wait3A_38 : memref<16xi32, #tpu.memory_space<hbm>>) dst(%arg10 : memref<16xi32, #tpu.memory_space<vmem>>)
    %dma_wait3A_39 = tpu.memref_slice %arg3[%add3A_13] : memref<2048xi32, #tpu.memory_space<hbm>> -> memref<16xi32, #tpu.memory_space<hbm>>
    %dma_wait3A_40 = tpu.memref_slice %arg3[%add3A_13] : memref<2048xi32, #tpu.memory_space<hbm>> -> memref<16xi32, #tpu.memory_space<hbm>>
    tpu.wait_dma2 semaphore(%arg24 : memref<!tpu.dma_semaphore, #tpu.memory_space<semaphore_mem>>) src(%dma_wait3A_40 : memref<16xi32, #tpu.memory_space<hbm>>) dst(%arg11 : memref<16xi32, #tpu.memory_space<vmem>>)
    %dma_wait3A_41 = tpu.memref_slice %arg3[%add3A_17] : memref<2048xi32, #tpu.memory_space<hbm>> -> memref<16xi32, #tpu.memory_space<hbm>>
    %dma_wait3A_42 = tpu.memref_slice %arg3[%add3A_17] : memref<2048xi32, #tpu.memory_space<hbm>> -> memref<16xi32, #tpu.memory_space<hbm>>
    tpu.wait_dma2 semaphore(%arg24 : memref<!tpu.dma_semaphore, #tpu.memory_space<semaphore_mem>>) src(%dma_wait3A_42 : memref<16xi32, #tpu.memory_space<hbm>>) dst(%arg12 : memref<16xi32, #tpu.memory_space<vmem>>)
    %dma_wait3A_43 = tpu.memref_slice %arg4[%add3A_21] : memref<2048xi32, #tpu.memory_space<hbm>> -> memref<16xi32, #tpu.memory_space<hbm>>
    %dma_wait3A_44 = tpu.memref_slice %arg4[%add3A_21] : memref<2048xi32, #tpu.memory_space<hbm>> -> memref<16xi32, #tpu.memory_space<hbm>>
    tpu.wait_dma2 semaphore(%arg24 : memref<!tpu.dma_semaphore, #tpu.memory_space<semaphore_mem>>) src(%dma_wait3A_44 : memref<16xi32, #tpu.memory_space<hbm>>) dst(%arg13 : memref<16xi32, #tpu.memory_space<vmem>>)
    %dma_wait3A_45 = tpu.memref_slice %arg4[%add3A_25] : memref<2048xi32, #tpu.memory_space<hbm>> -> memref<16xi32, #tpu.memory_space<hbm>>
    %dma_wait3A_46 = tpu.memref_slice %arg4[%add3A_25] : memref<2048xi32, #tpu.memory_space<hbm>> -> memref<16xi32, #tpu.memory_space<hbm>>
    tpu.wait_dma2 semaphore(%arg24 : memref<!tpu.dma_semaphore, #tpu.memory_space<semaphore_mem>>) src(%dma_wait3A_46 : memref<16xi32, #tpu.memory_space<hbm>>) dst(%arg14 : memref<16xi32, #tpu.memory_space<vmem>>)
    %dma_wait3A_47 = tpu.memref_slice %arg4[%add3A_29] : memref<2048xi32, #tpu.memory_space<hbm>> -> memref<16xi32, #tpu.memory_space<hbm>>
    %dma_wait3A_48 = tpu.memref_slice %arg4[%add3A_29] : memref<2048xi32, #tpu.memory_space<hbm>> -> memref<16xi32, #tpu.memory_space<hbm>>
    tpu.wait_dma2 semaphore(%arg24 : memref<!tpu.dma_semaphore, #tpu.memory_space<semaphore_mem>>) src(%dma_wait3A_48 : memref<16xi32, #tpu.memory_space<hbm>>) dst(%arg15 : memref<16xi32, #tpu.memory_space<vmem>>)
    %dma_wait3A_49 = tpu.memref_slice %arg4[%add3A_33] : memref<2048xi32, #tpu.memory_space<hbm>> -> memref<16xi32, #tpu.memory_space<hbm>>
    %dma_wait3A_50 = tpu.memref_slice %arg4[%add3A_33] : memref<2048xi32, #tpu.memory_space<hbm>> -> memref<16xi32, #tpu.memory_space<hbm>>
    tpu.wait_dma2 semaphore(%arg24 : memref<!tpu.dma_semaphore, #tpu.memory_space<semaphore_mem>>) src(%dma_wait3A_50 : memref<16xi32, #tpu.memory_space<hbm>>) dst(%arg16 : memref<16xi32, #tpu.memory_space<vmem>>)
    %add3A_51 = arith.constant 0 : i32
    %add3A_52 = arith.addi %mul3A_2, %add3A_51 : i32
    %dma_start3A_53 = arith.constant 0 : i32
    %dma_start3A_54 = tpu.memref_slice %arg2[%add3A_52, %dma_start3A_53] : memref<2048x1024xf32, #tpu.memory_space<hbm>> -> memref<16x1024xf32, #tpu.memory_space<hbm>>
    %dma_start3A_55 = arith.constant 0 : i32
    %dma_start3A_56 = tpu.memref_slice %arg2[%add3A_52, %dma_start3A_55] : memref<2048x1024xf32, #tpu.memory_space<hbm>> -> memref<16x1024xf32, #tpu.memory_space<hbm>>
    tpu.enqueue_dma source(%dma_start3A_56 : memref<16x1024xf32, #tpu.memory_space<hbm>>) target(%arg17 : memref<16x1024xf32, #tpu.memory_space<vmem>>) target_semaphore(%arg25 : memref<!tpu.dma_semaphore, #tpu.memory_space<semaphore_mem>>)
    %dma_wait3A_57 = arith.constant 0 : i32
    %dma_wait3A_58 = tpu.memref_slice %arg2[%add3A_52, %dma_wait3A_57] : memref<2048x1024xf32, #tpu.memory_space<hbm>> -> memref<16x1024xf32, #tpu.memory_space<hbm>>
    %dma_wait3A_59 = arith.constant 0 : i32
    %dma_wait3A_60 = tpu.memref_slice %arg2[%add3A_52, %dma_wait3A_59] : memref<2048x1024xf32, #tpu.memory_space<hbm>> -> memref<16x1024xf32, #tpu.memory_space<hbm>>
    tpu.wait_dma2 semaphore(%arg25 : memref<!tpu.dma_semaphore, #tpu.memory_space<semaphore_mem>>) src(%dma_wait3A_60 : memref<16x1024xf32, #tpu.memory_space<hbm>>) dst(%arg17 : memref<16x1024xf32, #tpu.memory_space<vmem>>)
    %add3A_61 = arith.constant 16 : i32
    %add3A_62 = arith.addi %mul3A_2, %add3A_61 : i32
    %dma_start3A_63 = arith.constant 0 : i32
    %dma_start3A_64 = tpu.memref_slice %arg2[%add3A_62, %dma_start3A_63] : memref<2048x1024xf32, #tpu.memory_space<hbm>> -> memref<16x1024xf32, #tpu.memory_space<hbm>>
    %dma_start3A_65 = arith.constant 0 : i32
    %dma_start3A_66 = tpu.memref_slice %arg2[%add3A_62, %dma_start3A_65] : memref<2048x1024xf32, #tpu.memory_space<hbm>> -> memref<16x1024xf32, #tpu.memory_space<hbm>>
    tpu.enqueue_dma source(%dma_start3A_66 : memref<16x1024xf32, #tpu.memory_space<hbm>>) target(%arg18 : memref<16x1024xf32, #tpu.memory_space<vmem>>) target_semaphore(%arg26 : memref<!tpu.dma_semaphore, #tpu.memory_space<semaphore_mem>>)
    %dma_start3A_67 = arith.constant 0 : i32
    %dma_start3A_68 = arith.constant 0 : i32
    %dma_start3A_69 = tpu.memref_slice %arg7[%dma_start3A_67, %dma_start3A_68] : memref<8192x1024xf32, #tpu.memory_space<hbm>> -> memref<8192x1024xf32, #tpu.memory_space<hbm>>
    tpu.enqueue_indirect_dma source(%arg17 : memref<16x1024xf32, #tpu.memory_space<vmem>>) target(%dma_start3A_69 : memref<8192x1024xf32, #tpu.memory_space<hbm>>) offsets(%arg9 : memref<16xi32, #tpu.memory_space<vmem>>) semaphore(%arg27 : memref<!tpu.dma_semaphore, #tpu.memory_space<semaphore_mem>>)
    %dma_start3A_70 = arith.constant 0 : i32
    %dma_start3A_71 = arith.constant 0 : i32
    %dma_start3A_72 = tpu.memref_slice %arg7[%dma_start3A_70, %dma_start3A_71] : memref<8192x1024xf32, #tpu.memory_space<hbm>> -> memref<8192x1024xf32, #tpu.memory_space<hbm>>
    tpu.enqueue_indirect_dma source(%arg17 : memref<16x1024xf32, #tpu.memory_space<vmem>>) target(%dma_start3A_72 : memref<8192x1024xf32, #tpu.memory_space<hbm>>) offsets(%arg13 : memref<16xi32, #tpu.memory_space<vmem>>) semaphore(%arg27 : memref<!tpu.dma_semaphore, #tpu.memory_space<semaphore_mem>>)
    %dma_wait3A_73 = arith.constant 0 : i32
    %dma_wait3A_74 = tpu.memref_slice %arg2[%add3A_62, %dma_wait3A_73] : memref<2048x1024xf32, #tpu.memory_space<hbm>> -> memref<16x1024xf32, #tpu.memory_space<hbm>>
    %dma_wait3A_75 = arith.constant 0 : i32
    %dma_wait3A_76 = tpu.memref_slice %arg2[%add3A_62, %dma_wait3A_75] : memref<2048x1024xf32, #tpu.memory_space<hbm>> -> memref<16x1024xf32, #tpu.memory_space<hbm>>
    tpu.wait_dma2 semaphore(%arg26 : memref<!tpu.dma_semaphore, #tpu.memory_space<semaphore_mem>>) src(%dma_wait3A_76 : memref<16x1024xf32, #tpu.memory_space<hbm>>) dst(%arg18 : memref<16x1024xf32, #tpu.memory_space<vmem>>)
    %dma_wait3A_77 = arith.constant 0 : i32
    %dma_wait3A_78 = arith.constant 0 : i32
    %dma_wait3A_79 = tpu.memref_slice %arg7[%dma_wait3A_77, %dma_wait3A_78] : memref<8192x1024xf32, #tpu.memory_space<hbm>> -> memref<8192x1024xf32, #tpu.memory_space<hbm>>
    tpu.wait_indirect_dma semaphore(%arg27 : memref<!tpu.dma_semaphore, #tpu.memory_space<semaphore_mem>>) src(%arg17 : memref<16x1024xf32, #tpu.memory_space<vmem>>) dst(%dma_wait3A_79 : memref<8192x1024xf32, #tpu.memory_space<hbm>>)
    %dma_wait3A_80 = arith.constant 0 : i32
    %dma_wait3A_81 = arith.constant 0 : i32
    %dma_wait3A_82 = tpu.memref_slice %arg7[%dma_wait3A_80, %dma_wait3A_81] : memref<8192x1024xf32, #tpu.memory_space<hbm>> -> memref<8192x1024xf32, #tpu.memory_space<hbm>>
    tpu.wait_indirect_dma semaphore(%arg27 : memref<!tpu.dma_semaphore, #tpu.memory_space<semaphore_mem>>) src(%arg17 : memref<16x1024xf32, #tpu.memory_space<vmem>>) dst(%dma_wait3A_82 : memref<8192x1024xf32, #tpu.memory_space<hbm>>)
    %add3A_83 = arith.constant 32 : i32
    %add3A_84 = arith.addi %mul3A_2, %add3A_83 : i32
    %dma_start3A_85 = arith.constant 0 : i32
    %dma_start3A_86 = tpu.memref_slice %arg2[%add3A_84, %dma_start3A_85] : memref<2048x1024xf32, #tpu.memory_space<hbm>> -> memref<16x1024xf32, #tpu.memory_space<hbm>>
    %dma_start3A_87 = arith.constant 0 : i32
    %dma_start3A_88 = tpu.memref_slice %arg2[%add3A_84, %dma_start3A_87] : memref<2048x1024xf32, #tpu.memory_space<hbm>> -> memref<16x1024xf32, #tpu.memory_space<hbm>>
    tpu.enqueue_dma source(%dma_start3A_88 : memref<16x1024xf32, #tpu.memory_space<hbm>>) target(%arg17 : memref<16x1024xf32, #tpu.memory_space<vmem>>) target_semaphore(%arg25 : memref<!tpu.dma_semaphore, #tpu.memory_space<semaphore_mem>>)
    %dma_start3A_89 = arith.constant 0 : i32
    %dma_start3A_90 = arith.constant 0 : i32
    %dma_start3A_91 = tpu.memref_slice %arg7[%dma_start3A_89, %dma_start3A_90] : memref<8192x1024xf32, #tpu.memory_space<hbm>> -> memref<8192x1024xf32, #tpu.memory_space<hbm>>
    tpu.enqueue_indirect_dma source(%arg18 : memref<16x1024xf32, #tpu.memory_space<vmem>>) target(%dma_start3A_91 : memref<8192x1024xf32, #tpu.memory_space<hbm>>) offsets(%arg10 : memref<16xi32, #tpu.memory_space<vmem>>) semaphore(%arg28 : memref<!tpu.dma_semaphore, #tpu.memory_space<semaphore_mem>>)
    %dma_start3A_92 = arith.constant 0 : i32
    %dma_start3A_93 = arith.constant 0 : i32
    %dma_start3A_94 = tpu.memref_slice %arg7[%dma_start3A_92, %dma_start3A_93] : memref<8192x1024xf32, #tpu.memory_space<hbm>> -> memref<8192x1024xf32, #tpu.memory_space<hbm>>
    tpu.enqueue_indirect_dma source(%arg18 : memref<16x1024xf32, #tpu.memory_space<vmem>>) target(%dma_start3A_94 : memref<8192x1024xf32, #tpu.memory_space<hbm>>) offsets(%arg14 : memref<16xi32, #tpu.memory_space<vmem>>) semaphore(%arg28 : memref<!tpu.dma_semaphore, #tpu.memory_space<semaphore_mem>>)
    %dma_wait3A_95 = arith.constant 0 : i32
    %dma_wait3A_96 = tpu.memref_slice %arg2[%add3A_84, %dma_wait3A_95] : memref<2048x1024xf32, #tpu.memory_space<hbm>> -> memref<16x1024xf32, #tpu.memory_space<hbm>>
    %dma_wait3A_97 = arith.constant 0 : i32
    %dma_wait3A_98 = tpu.memref_slice %arg2[%add3A_84, %dma_wait3A_97] : memref<2048x1024xf32, #tpu.memory_space<hbm>> -> memref<16x1024xf32, #tpu.memory_space<hbm>>
    tpu.wait_dma2 semaphore(%arg25 : memref<!tpu.dma_semaphore, #tpu.memory_space<semaphore_mem>>) src(%dma_wait3A_98 : memref<16x1024xf32, #tpu.memory_space<hbm>>) dst(%arg17 : memref<16x1024xf32, #tpu.memory_space<vmem>>)
    %dma_wait3A_99 = arith.constant 0 : i32
    %dma_wait3A_100 = arith.constant 0 : i32
    %dma_wait3A_101 = tpu.memref_slice %arg7[%dma_wait3A_99, %dma_wait3A_100] : memref<8192x1024xf32, #tpu.memory_space<hbm>> -> memref<8192x1024xf32, #tpu.memory_space<hbm>>
    tpu.wait_indirect_dma semaphore(%arg28 : memref<!tpu.dma_semaphore, #tpu.memory_space<semaphore_mem>>) src(%arg18 : memref<16x1024xf32, #tpu.memory_space<vmem>>) dst(%dma_wait3A_101 : memref<8192x1024xf32, #tpu.memory_space<hbm>>)
    %dma_wait3A_102 = arith.constant 0 : i32
    %dma_wait3A_103 = arith.constant 0 : i32
    %dma_wait3A_104 = tpu.memref_slice %arg7[%dma_wait3A_102, %dma_wait3A_103] : memref<8192x1024xf32, #tpu.memory_space<hbm>> -> memref<8192x1024xf32, #tpu.memory_space<hbm>>
    tpu.wait_indirect_dma semaphore(%arg28 : memref<!tpu.dma_semaphore, #tpu.memory_space<semaphore_mem>>) src(%arg18 : memref<16x1024xf32, #tpu.memory_space<vmem>>) dst(%dma_wait3A_104 : memref<8192x1024xf32, #tpu.memory_space<hbm>>)
    %add3A_105 = arith.constant 48 : i32
    %add3A_106 = arith.addi %mul3A_2, %add3A_105 : i32
    %dma_start3A_107 = arith.constant 0 : i32
    %dma_start3A_108 = tpu.memref_slice %arg2[%add3A_106, %dma_start3A_107] : memref<2048x1024xf32, #tpu.memory_space<hbm>> -> memref<16x1024xf32, #tpu.memory_space<hbm>>
    %dma_start3A_109 = arith.constant 0 : i32
    %dma_start3A_110 = tpu.memref_slice %arg2[%add3A_106, %dma_start3A_109] : memref<2048x1024xf32, #tpu.memory_space<hbm>> -> memref<16x1024xf32, #tpu.memory_space<hbm>>
    tpu.enqueue_dma source(%dma_start3A_110 : memref<16x1024xf32, #tpu.memory_space<hbm>>) target(%arg18 : memref<16x1024xf32, #tpu.memory_space<vmem>>) target_semaphore(%arg26 : memref<!tpu.dma_semaphore, #tpu.memory_space<semaphore_mem>>)
    %dma_start3A_111 = arith.constant 0 : i32
    %dma_start3A_112 = arith.constant 0 : i32
    %dma_start3A_113 = tpu.memref_slice %arg7[%dma_start3A_111, %dma_start3A_112] : memref<8192x1024xf32, #tpu.memory_space<hbm>> -> memref<8192x1024xf32, #tpu.memory_space<hbm>>
    tpu.enqueue_indirect_dma source(%arg17 : memref<16x1024xf32, #tpu.memory_space<vmem>>) target(%dma_start3A_113 : memref<8192x1024xf32, #tpu.memory_space<hbm>>) offsets(%arg11 : memref<16xi32, #tpu.memory_space<vmem>>) semaphore(%arg27 : memref<!tpu.dma_semaphore, #tpu.memory_space<semaphore_mem>>)
    %dma_start3A_114 = arith.constant 0 : i32
    %dma_start3A_115 = arith.constant 0 : i32
    %dma_start3A_116 = tpu.memref_slice %arg7[%dma_start3A_114, %dma_start3A_115] : memref<8192x1024xf32, #tpu.memory_space<hbm>> -> memref<8192x1024xf32, #tpu.memory_space<hbm>>
    tpu.enqueue_indirect_dma source(%arg17 : memref<16x1024xf32, #tpu.memory_space<vmem>>) target(%dma_start3A_116 : memref<8192x1024xf32, #tpu.memory_space<hbm>>) offsets(%arg15 : memref<16xi32, #tpu.memory_space<vmem>>) semaphore(%arg27 : memref<!tpu.dma_semaphore, #tpu.memory_space<semaphore_mem>>)
    %dma_wait3A_117 = arith.constant 0 : i32
    %dma_wait3A_118 = tpu.memref_slice %arg2[%add3A_106, %dma_wait3A_117] : memref<2048x1024xf32, #tpu.memory_space<hbm>> -> memref<16x1024xf32, #tpu.memory_space<hbm>>
    %dma_wait3A_119 = arith.constant 0 : i32
    %dma_wait3A_120 = tpu.memref_slice %arg2[%add3A_106, %dma_wait3A_119] : memref<2048x1024xf32, #tpu.memory_space<hbm>> -> memref<16x1024xf32, #tpu.memory_space<hbm>>
    tpu.wait_dma2 semaphore(%arg26 : memref<!tpu.dma_semaphore, #tpu.memory_space<semaphore_mem>>) src(%dma_wait3A_120 : memref<16x1024xf32, #tpu.memory_space<hbm>>) dst(%arg18 : memref<16x1024xf32, #tpu.memory_space<vmem>>)
    %dma_start3A_121 = arith.constant 0 : i32
    %dma_start3A_122 = arith.constant 0 : i32
    %dma_start3A_123 = tpu.memref_slice %arg7[%dma_start3A_121, %dma_start3A_122] : memref<8192x1024xf32, #tpu.memory_space<hbm>> -> memref<8192x1024xf32, #tpu.memory_space<hbm>>
    tpu.enqueue_indirect_dma source(%arg18 : memref<16x1024xf32, #tpu.memory_space<vmem>>) target(%dma_start3A_123 : memref<8192x1024xf32, #tpu.memory_space<hbm>>) offsets(%arg12 : memref<16xi32, #tpu.memory_space<vmem>>) semaphore(%arg28 : memref<!tpu.dma_semaphore, #tpu.memory_space<semaphore_mem>>)
    %dma_start3A_124 = arith.constant 0 : i32
    %dma_start3A_125 = arith.constant 0 : i32
    %dma_start3A_126 = tpu.memref_slice %arg7[%dma_start3A_124, %dma_start3A_125] : memref<8192x1024xf32, #tpu.memory_space<hbm>> -> memref<8192x1024xf32, #tpu.memory_space<hbm>>
    tpu.enqueue_indirect_dma source(%arg18 : memref<16x1024xf32, #tpu.memory_space<vmem>>) target(%dma_start3A_126 : memref<8192x1024xf32, #tpu.memory_space<hbm>>) offsets(%arg16 : memref<16xi32, #tpu.memory_space<vmem>>) semaphore(%arg28 : memref<!tpu.dma_semaphore, #tpu.memory_space<semaphore_mem>>)
    %dma_wait3A_127 = arith.constant 0 : i32
    %dma_wait3A_128 = arith.constant 0 : i32
    %dma_wait3A_129 = tpu.memref_slice %arg7[%dma_wait3A_127, %dma_wait3A_128] : memref<8192x1024xf32, #tpu.memory_space<hbm>> -> memref<8192x1024xf32, #tpu.memory_space<hbm>>
    tpu.wait_indirect_dma semaphore(%arg27 : memref<!tpu.dma_semaphore, #tpu.memory_space<semaphore_mem>>) src(%arg17 : memref<16x1024xf32, #tpu.memory_space<vmem>>) dst(%dma_wait3A_129 : memref<8192x1024xf32, #tpu.memory_space<hbm>>)
    %dma_wait3A_130 = arith.constant 0 : i32
    %dma_wait3A_131 = arith.constant 0 : i32
    %dma_wait3A_132 = tpu.memref_slice %arg7[%dma_wait3A_130, %dma_wait3A_131] : memref<8192x1024xf32, #tpu.memory_space<hbm>> -> memref<8192x1024xf32, #tpu.memory_space<hbm>>
    tpu.wait_indirect_dma semaphore(%arg27 : memref<!tpu.dma_semaphore, #tpu.memory_space<semaphore_mem>>) src(%arg17 : memref<16x1024xf32, #tpu.memory_space<vmem>>) dst(%dma_wait3A_132 : memref<8192x1024xf32, #tpu.memory_space<hbm>>)
    %dma_wait3A_133 = arith.constant 0 : i32
    %dma_wait3A_134 = arith.constant 0 : i32
    %dma_wait3A_135 = tpu.memref_slice %arg7[%dma_wait3A_133, %dma_wait3A_134] : memref<8192x1024xf32, #tpu.memory_space<hbm>> -> memref<8192x1024xf32, #tpu.memory_space<hbm>>
    tpu.wait_indirect_dma semaphore(%arg28 : memref<!tpu.dma_semaphore, #tpu.memory_space<semaphore_mem>>) src(%arg18 : memref<16x1024xf32, #tpu.memory_space<vmem>>) dst(%dma_wait3A_135 : memref<8192x1024xf32, #tpu.memory_space<hbm>>)
    %dma_wait3A_136 = arith.constant 0 : i32
    %dma_wait3A_137 = arith.constant 0 : i32
    %dma_wait3A_138 = tpu.memref_slice %arg7[%dma_wait3A_136, %dma_wait3A_137] : memref<8192x1024xf32, #tpu.memory_space<hbm>> -> memref<8192x1024xf32, #tpu.memory_space<hbm>>
    tpu.wait_indirect_dma semaphore(%arg28 : memref<!tpu.dma_semaphore, #tpu.memory_space<semaphore_mem>>) src(%arg18 : memref<16x1024xf32, #tpu.memory_space<vmem>>) dst(%dma_wait3A_138 : memref<8192x1024xf32, #tpu.memory_space<hbm>>)
    return
  }
}

module attributes {stable_mosaic.version = 14 : i64} {
  func.func @_router_body(%arg0: i32, %arg1: memref<2048x1024xf32, #tpu.memory_space<vmem>>, %arg2: memref<16x1024xf32, #tpu.memory_space<vmem>>, %arg3: memref<1x16xf32, #tpu.memory_space<vmem>>, %arg4: memref<2048x1xi32, #tpu.memory_space<vmem>>, %arg5: memref<2048x1xi32, #tpu.memory_space<vmem>>, %arg6: memref<2048x1xf32, #tpu.memory_space<vmem>>, %arg7: memref<2048x1xf32, #tpu.memory_space<vmem>>, %arg8: memref<32x1xi32, #tpu.memory_space<vmem>>, %arg9: memref<2048x16xf32, #tpu.memory_space<vmem>>) attributes {dimension_semantics = [#tpu.dimension_semantics<arbitrary>], iteration_bounds = array<i64: 1>, scalar_prefetch = 0 : i64, scratch_operands = 1 : i64, tpu.core_type = #tpu.core_type<tc>, window_params = [{pipeline_mode = #tpu.pipeline_mode<synchronous>, transform_indices = @transform_0, window_bounds = array<i64: 2048, 1024>}, {pipeline_mode = #tpu.pipeline_mode<synchronous>, transform_indices = @transform_1, window_bounds = array<i64: 16, 1024>}, {pipeline_mode = #tpu.pipeline_mode<synchronous>, transform_indices = @transform_2, window_bounds = array<i64: 1, 16>}, {pipeline_mode = #tpu.pipeline_mode<synchronous>, transform_indices = @transform_3, window_bounds = array<i64: 2048, 1>}, {pipeline_mode = #tpu.pipeline_mode<synchronous>, transform_indices = @transform_4, window_bounds = array<i64: 2048, 1>}, {pipeline_mode = #tpu.pipeline_mode<synchronous>, transform_indices = @transform_5, window_bounds = array<i64: 2048, 1>}, {pipeline_mode = #tpu.pipeline_mode<synchronous>, transform_indices = @transform_6, window_bounds = array<i64: 2048, 1>}, {pipeline_mode = #tpu.pipeline_mode<synchronous>, transform_indices = @transform_7, window_bounds = array<i64: 32, 1>}]} {
    %scan3A = arith.constant 0 : i32
    %scan3A_0 = arith.constant 8 : i32
    %scan3A_1 = arith.addi %scan3A, %scan3A_0 : i32
    %scan3A_2 = arith.constant 1 : i32
    scf.for %scan3A_39 = %scan3A to %scan3A_1 step %scan3A_2  : i32 {
      %mul3A_40 = arith.constant 256 : i32
      %mul3A_41 = arith.muli %scan3A_39, %mul3A_40 : i32
      %get3A = arith.index_cast %mul3A_41 : i32 to index
      %get3A_42 = arith.constant 0 : index
      %get3A_43 = vector.load %arg1[%get3A, %get3A_42] : memref<2048x1024xf32, #tpu.memory_space<vmem>>, vector<256x1024xf32>
      %get3A_44 = arith.constant 0 : index
      %get3A_45 = arith.constant 0 : index
      %get3A_46 = vector.load %arg2[%get3A_44, %get3A_45] : memref<16x1024xf32, #tpu.memory_space<vmem>>, vector<16x1024xf32>
      %get3A_47 = arith.constant 0 : index
      %get3A_48 = arith.constant 0 : index
      %get3A_49 = vector.load %arg3[%get3A_47, %get3A_48] : memref<1x16xf32, #tpu.memory_space<vmem>>, vector<1x16xf32>
      %transpose3A = tpu.transpose %get3A_46, [1, 0] : vector<16x1024xf32> -> vector<1024x16xf32>
      %dot_general3A_50 = arith.constant dense<0.000000e+00> : vector<256x16xf32>
      %dot_general3A_51 = tpu.matmul %get3A_43, %transpose3A, %dot_general3A_50 {dimension_numbers = #tpu.dot_dimension_numbers<[1], [0], [0], [1], [0, 0, 1, 1], [], []>, transpose_lhs_hint = false} : vector<256x1024xf32>, vector<1024x16xf32>, vector<256x16xf32> -> vector<256x16xf32>
      %logistic3A = arith.negf %dot_general3A_51 : vector<256x16xf32>
      %logistic3A_52 = math.exp %logistic3A : vector<256x16xf32>
      %logistic3A_53 = arith.constant 1.000000e+00 : f32
      %logistic3A_54 = vector.broadcast %logistic3A_53 : f32 to vector<256x16xf32>
      %logistic3A_55 = arith.addf %logistic3A_54, %logistic3A_52 : vector<256x16xf32>
      %logistic3A_56 = arith.divf %logistic3A_54, %logistic3A_55 : vector<256x16xf32>
      %add3A_57 = vector.broadcast %get3A_49 : vector<1x16xf32> to vector<256x16xf32>
      %add3A_58 = arith.addf %logistic3A_56, %add3A_57 : vector<256x16xf32>
      %iota3A_59 = tpu.iota {dimensions = array<i32: 1>} : vector<256x16xi32>
      %jit3A = arith.constant 8 : i32
      %div3A_60 = vector.broadcast %jit3A : i32 to vector<256x16xi32>
      %div3A_61 = arith.divsi %iota3A_59, %div3A_60 : vector<256x16xi32>
      %sign3A = arith.constant 0 : i32
      %sign3A_62 = vector.broadcast %sign3A : i32 to vector<256x16xi32>
      %sign3A_63 = arith.cmpi sgt, %iota3A_59, %sign3A_62 : vector<256x16xi32>
      %sign3A_64 = arith.extui %sign3A_63 : vector<256x16xi1> to vector<256x16xi32>
      %sign3A_65 = arith.constant 0 : i32
      %sign3A_66 = vector.broadcast %sign3A_65 : i32 to vector<256x16xi32>
      %sign3A_67 = arith.cmpi slt, %iota3A_59, %sign3A_66 : vector<256x16xi32>
      %sign3A_68 = arith.extui %sign3A_67 : vector<256x16xi1> to vector<256x16xi32>
      %sign3A_69 = arith.subi %sign3A_64, %sign3A_68 : vector<256x16xi32>
      %sign3A_70 = arith.constant 0 : i32
      %sign3A_71 = arith.cmpi sgt, %jit3A, %sign3A_70 : i32
      %sign3A_72 = arith.extui %sign3A_71 : i1 to i32
      %sign3A_73 = arith.constant 0 : i32
      %sign3A_74 = arith.cmpi slt, %jit3A, %sign3A_73 : i32
      %sign3A_75 = arith.extui %sign3A_74 : i1 to i32
      %sign3A_76 = arith.subi %sign3A_72, %sign3A_75 : i32
      %ne3A = vector.broadcast %sign3A_76 : i32 to vector<256x16xi32>
      %ne3A_77 = arith.cmpi ne, %sign3A_69, %ne3A : vector<256x16xi32>
      %rem3A = vector.broadcast %jit3A : i32 to vector<256x16xi32>
      %rem3A_78 = arith.remsi %iota3A_59, %rem3A : vector<256x16xi32>
      %ne3A_79 = arith.constant 0 : i32
      %ne3A_80 = vector.broadcast %ne3A_79 : i32 to vector<256x16xi32>
      %ne3A_81 = arith.cmpi ne, %rem3A_78, %ne3A_80 : vector<256x16xi32>
      %and3A = arith.andi %ne3A_77, %ne3A_81 : vector<256x16xi1>
      %sub3A = arith.constant 1 : i32
      %sub3A_82 = vector.broadcast %sub3A : i32 to vector<256x16xi32>
      %sub3A_83 = arith.subi %div3A_61, %sub3A_82 : vector<256x16xi32>
      %select_n3A = arith.select %and3A, %sub3A_83, %div3A_61 : vector<256x16xi1>, vector<256x16xi32>
      %eq3A = arith.constant 0 : i32
      %eq3A_84 = vector.broadcast %eq3A : i32 to vector<256x16xi32>
      %eq3A_85 = arith.cmpi eq, %select_n3A, %eq3A_84 : vector<256x16xi32>
      %jit3A_86 = arith.constant -1.000000e+30 : f32
      %broadcast_in_dim3A_87 = vector.broadcast %jit3A_86 : f32 to vector<256x16xf32>
      %select_n3A_88 = arith.select %eq3A_85, %add3A_58, %broadcast_in_dim3A_87 : vector<256x16xi1>, vector<256x16xf32>
      %reduce_max3A = arith.constant dense<0xFF800000> : vector<256xf32>
      %reduce_max3A_89 = vector.multi_reduction <maximumf>, %select_n3A_88, %reduce_max3A [1] : vector<256x16xf32> to vector<256xf32>
      %broadcast_in_dim3A_90 = vector.shape_cast %reduce_max3A_89 : vector<256xf32> to vector<256x1xf32>
      %eq3A_91 = vector.broadcast %broadcast_in_dim3A_90 : vector<256x1xf32> to vector<256x16xf32>
      %eq3A_92 = arith.cmpf oeq, %select_n3A_88, %eq3A_91 : vector<256x16xf32>
      %jit3A_93 = arith.constant 17 : i32
      %broadcast_in_dim3A_94 = vector.broadcast %jit3A_93 : i32 to vector<256x16xi32>
      %select_n3A_95 = arith.select %eq3A_92, %iota3A_59, %broadcast_in_dim3A_94 : vector<256x16xi1>, vector<256x16xi32>
      %reduce_min3A = arith.constant dense<2147483647> : vector<256xi32>
      %reduce_min3A_96 = vector.multi_reduction <minsi>, %select_n3A_95, %reduce_min3A [1] : vector<256x16xi32> to vector<256xi32>
      %broadcast_in_dim3A_97 = vector.shape_cast %reduce_min3A_96 : vector<256xi32> to vector<256x1xi32>
      %eq3A_98 = vector.broadcast %broadcast_in_dim3A_97 : vector<256x1xi32> to vector<256x16xi32>
      %eq3A_99 = arith.cmpi eq, %iota3A_59, %eq3A_98 : vector<256x16xi32>
      %jit3A_100 = arith.constant -1.000000e+30 : f32
      %broadcast_in_dim3A_101 = vector.broadcast %jit3A_100 : f32 to vector<256x16xf32>
      %select_n3A_102 = arith.select %eq3A_99, %broadcast_in_dim3A_101, %select_n3A_88 : vector<256x16xi1>, vector<256x16xf32>
      %reduce_max3A_103 = arith.constant dense<0xFF800000> : vector<256xf32>
      %reduce_max3A_104 = vector.multi_reduction <maximumf>, %select_n3A_102, %reduce_max3A_103 [1] : vector<256x16xf32> to vector<256xf32>
      %broadcast_in_dim3A_105 = vector.shape_cast %reduce_max3A_104 : vector<256xf32> to vector<256x1xf32>
      %eq3A_106 = arith.constant 1 : i32
      %eq3A_107 = vector.broadcast %eq3A_106 : i32 to vector<256x16xi32>
      %eq3A_108 = arith.cmpi eq, %select_n3A, %eq3A_107 : vector<256x16xi32>
      %jit3A_109 = arith.constant -1.000000e+30 : f32
      %broadcast_in_dim3A_110 = vector.broadcast %jit3A_109 : f32 to vector<256x16xf32>
      %select_n3A_111 = arith.select %eq3A_108, %add3A_58, %broadcast_in_dim3A_110 : vector<256x16xi1>, vector<256x16xf32>
      %reduce_max3A_112 = arith.constant dense<0xFF800000> : vector<256xf32>
      %reduce_max3A_113 = vector.multi_reduction <maximumf>, %select_n3A_111, %reduce_max3A_112 [1] : vector<256x16xf32> to vector<256xf32>
      %broadcast_in_dim3A_114 = vector.shape_cast %reduce_max3A_113 : vector<256xf32> to vector<256x1xf32>
      %eq3A_115 = vector.broadcast %broadcast_in_dim3A_114 : vector<256x1xf32> to vector<256x16xf32>
      %eq3A_116 = arith.cmpf oeq, %select_n3A_111, %eq3A_115 : vector<256x16xf32>
      %jit3A_117 = arith.constant 17 : i32
      %broadcast_in_dim3A_118 = vector.broadcast %jit3A_117 : i32 to vector<256x16xi32>
      %select_n3A_119 = arith.select %eq3A_116, %iota3A_59, %broadcast_in_dim3A_118 : vector<256x16xi1>, vector<256x16xi32>
      %reduce_min3A_120 = arith.constant dense<2147483647> : vector<256xi32>
      %reduce_min3A_121 = vector.multi_reduction <minsi>, %select_n3A_119, %reduce_min3A_120 [1] : vector<256x16xi32> to vector<256xi32>
      %broadcast_in_dim3A_122 = vector.shape_cast %reduce_min3A_121 : vector<256xi32> to vector<256x1xi32>
      %eq3A_123 = vector.broadcast %broadcast_in_dim3A_122 : vector<256x1xi32> to vector<256x16xi32>
      %eq3A_124 = arith.cmpi eq, %iota3A_59, %eq3A_123 : vector<256x16xi32>
      %jit3A_125 = arith.constant -1.000000e+30 : f32
      %broadcast_in_dim3A_126 = vector.broadcast %jit3A_125 : f32 to vector<256x16xf32>
      %select_n3A_127 = arith.select %eq3A_124, %broadcast_in_dim3A_126, %select_n3A_111 : vector<256x16xi1>, vector<256x16xf32>
      %reduce_max3A_128 = arith.constant dense<0xFF800000> : vector<256xf32>
      %reduce_max3A_129 = vector.multi_reduction <maximumf>, %select_n3A_127, %reduce_max3A_128 [1] : vector<256x16xf32> to vector<256xf32>
      %broadcast_in_dim3A_130 = vector.shape_cast %reduce_max3A_129 : vector<256xf32> to vector<256x1xf32>
      %add3A_131 = arith.addf %broadcast_in_dim3A_90, %broadcast_in_dim3A_105 : vector<256x1xf32>
      %add3A_132 = arith.addf %broadcast_in_dim3A_114, %broadcast_in_dim3A_130 : vector<256x1xf32>
      %ge3A = arith.cmpf oge, %add3A_131, %add3A_132 : vector<256x1xf32>
      %jit3A_133 = arith.constant 0 : i32
      %jit3A_134 = arith.constant 1 : i32
      %broadcast_in_dim3A_135 = vector.broadcast %jit3A_133 : i32 to vector<256x1xi32>
      %broadcast_in_dim3A_136 = vector.broadcast %jit3A_134 : i32 to vector<256x1xi32>
      %select_n3A_137 = arith.select %ge3A, %broadcast_in_dim3A_135, %broadcast_in_dim3A_136 : vector<256x1xi1>, vector<256x1xi32>
      %eq3A_138 = vector.broadcast %select_n3A_137 : vector<256x1xi32> to vector<256x16xi32>
      %eq3A_139 = arith.cmpi eq, %select_n3A, %eq3A_138 : vector<256x16xi32>
      %jit3A_140 = arith.constant -1.000000e+30 : f32
      %broadcast_in_dim3A_141 = vector.broadcast %jit3A_140 : f32 to vector<256x16xf32>
      %select_n3A_142 = arith.select %eq3A_139, %add3A_58, %broadcast_in_dim3A_141 : vector<256x16xi1>, vector<256x16xf32>
      %reduce_max3A_143 = arith.constant dense<0xFF800000> : vector<256xf32>
      %reduce_max3A_144 = vector.multi_reduction <maximumf>, %select_n3A_142, %reduce_max3A_143 [1] : vector<256x16xf32> to vector<256xf32>
      %broadcast_in_dim3A_145 = vector.shape_cast %reduce_max3A_144 : vector<256xf32> to vector<256x1xf32>
      %eq3A_146 = vector.broadcast %broadcast_in_dim3A_145 : vector<256x1xf32> to vector<256x16xf32>
      %eq3A_147 = arith.cmpf oeq, %select_n3A_142, %eq3A_146 : vector<256x16xf32>
      %jit3A_148 = arith.constant 17 : i32
      %broadcast_in_dim3A_149 = vector.broadcast %jit3A_148 : i32 to vector<256x16xi32>
      %select_n3A_150 = arith.select %eq3A_147, %iota3A_59, %broadcast_in_dim3A_149 : vector<256x16xi1>, vector<256x16xi32>
      %reduce_min3A_151 = arith.constant dense<2147483647> : vector<256xi32>
      %reduce_min3A_152 = vector.multi_reduction <minsi>, %select_n3A_150, %reduce_min3A_151 [1] : vector<256x16xi32> to vector<256xi32>
      %broadcast_in_dim3A_153 = vector.shape_cast %reduce_min3A_152 : vector<256xi32> to vector<256x1xi32>
      %eq3A_154 = vector.broadcast %broadcast_in_dim3A_153 : vector<256x1xi32> to vector<256x16xi32>
      %eq3A_155 = arith.cmpi eq, %iota3A_59, %eq3A_154 : vector<256x16xi32>
      %jit3A_156 = arith.constant -1.000000e+30 : f32
      %broadcast_in_dim3A_157 = vector.broadcast %jit3A_156 : f32 to vector<256x16xf32>
      %select_n3A_158 = arith.select %eq3A_155, %broadcast_in_dim3A_157, %select_n3A_142 : vector<256x16xi1>, vector<256x16xf32>
      %reduce_max3A_159 = arith.constant dense<0xFF800000> : vector<256xf32>
      %reduce_max3A_160 = vector.multi_reduction <maximumf>, %select_n3A_158, %reduce_max3A_159 [1] : vector<256x16xf32> to vector<256xf32>
      %broadcast_in_dim3A_161 = vector.shape_cast %reduce_max3A_160 : vector<256xf32> to vector<256x1xf32>
      %eq3A_162 = vector.broadcast %broadcast_in_dim3A_161 : vector<256x1xf32> to vector<256x16xf32>
      %eq3A_163 = arith.cmpf oeq, %select_n3A_158, %eq3A_162 : vector<256x16xf32>
      %jit3A_164 = arith.constant 17 : i32
      %broadcast_in_dim3A_165 = vector.broadcast %jit3A_164 : i32 to vector<256x16xi32>
      %select_n3A_166 = arith.select %eq3A_163, %iota3A_59, %broadcast_in_dim3A_165 : vector<256x16xi1>, vector<256x16xi32>
      %reduce_min3A_167 = arith.constant dense<2147483647> : vector<256xi32>
      %reduce_min3A_168 = vector.multi_reduction <minsi>, %select_n3A_166, %reduce_min3A_167 [1] : vector<256x16xi32> to vector<256xi32>
      %broadcast_in_dim3A_169 = vector.shape_cast %reduce_min3A_168 : vector<256xi32> to vector<256x1xi32>
      %eq3A_170 = vector.broadcast %broadcast_in_dim3A_153 : vector<256x1xi32> to vector<256x16xi32>
      %eq3A_171 = arith.cmpi eq, %iota3A_59, %eq3A_170 : vector<256x16xi32>
      %jit3A_172 = arith.constant 0.000000e+00 : f32
      %broadcast_in_dim3A_173 = vector.broadcast %jit3A_172 : f32 to vector<256x16xf32>
      %select_n3A_174 = arith.select %eq3A_171, %logistic3A_56, %broadcast_in_dim3A_173 : vector<256x16xi1>, vector<256x16xf32>
      %reduce_sum3A_175 = arith.constant dense<0.000000e+00> : vector<256xf32>
      %reduce_sum3A_176 = vector.multi_reduction <add>, %select_n3A_174, %reduce_sum3A_175 [1] : vector<256x16xf32> to vector<256xf32>
      %broadcast_in_dim3A_177 = vector.shape_cast %reduce_sum3A_176 : vector<256xf32> to vector<256x1xf32>
      %eq3A_178 = vector.broadcast %broadcast_in_dim3A_169 : vector<256x1xi32> to vector<256x16xi32>
      %eq3A_179 = arith.cmpi eq, %iota3A_59, %eq3A_178 : vector<256x16xi32>
      %jit3A_180 = arith.constant 0.000000e+00 : f32
      %broadcast_in_dim3A_181 = vector.broadcast %jit3A_180 : f32 to vector<256x16xf32>
      %select_n3A_182 = arith.select %eq3A_179, %logistic3A_56, %broadcast_in_dim3A_181 : vector<256x16xi1>, vector<256x16xf32>
      %reduce_sum3A_183 = arith.constant dense<0.000000e+00> : vector<256xf32>
      %reduce_sum3A_184 = vector.multi_reduction <add>, %select_n3A_182, %reduce_sum3A_183 [1] : vector<256x16xf32> to vector<256xf32>
      %broadcast_in_dim3A_185 = vector.shape_cast %reduce_sum3A_184 : vector<256xf32> to vector<256x1xf32>
      %add3A_186 = arith.addf %broadcast_in_dim3A_177, %broadcast_in_dim3A_185 : vector<256x1xf32>
      %add3A_187 = arith.constant 9.99999968E-21 : f32
      %add3A_188 = vector.broadcast %add3A_187 : f32 to vector<256x1xf32>
      %add3A_189 = arith.addf %add3A_186, %add3A_188 : vector<256x1xf32>
      %eq3A_190 = vector.broadcast %broadcast_in_dim3A_153 : vector<256x1xi32> to vector<256x16xi32>
      %eq3A_191 = arith.cmpi eq, %iota3A_59, %eq3A_190 : vector<256x16xi32>
      %eq3A_192 = vector.broadcast %broadcast_in_dim3A_169 : vector<256x1xi32> to vector<256x16xi32>
      %eq3A_193 = arith.cmpi eq, %iota3A_59, %eq3A_192 : vector<256x16xi32>
      %or3A = arith.ori %eq3A_191, %eq3A_193 : vector<256x16xi1>
      %convert_element_type3A_194 = arith.extui %or3A : vector<256x16xi1> to vector<256x16xi32>
      %convert_element_type3A_195 = arith.sitofp %convert_element_type3A_194 : vector<256x16xi32> to vector<256x16xf32>
      %div3A_196 = arith.divf %broadcast_in_dim3A_177, %add3A_189 : vector<256x1xf32>
      %mul3A_197 = arith.constant 2.500000e+00 : f32
      %mul3A_198 = vector.broadcast %mul3A_197 : f32 to vector<256x1xf32>
      %mul3A_199 = arith.mulf %div3A_196, %mul3A_198 : vector<256x1xf32>
      %div3A_200 = arith.divf %broadcast_in_dim3A_185, %add3A_189 : vector<256x1xf32>
      %mul3A_201 = arith.constant 2.500000e+00 : f32
      %mul3A_202 = vector.broadcast %mul3A_201 : f32 to vector<256x1xf32>
      %mul3A_203 = arith.mulf %div3A_200, %mul3A_202 : vector<256x1xf32>
      %swap3A_204 = arith.index_cast %mul3A_41 : i32 to index
      %swap3A_205 = arith.constant 0 : index
      %swap3A_206 = vector.load %arg4[%swap3A_204, %swap3A_205] : memref<2048x1xi32, #tpu.memory_space<vmem>>, vector<256x1xi32>
      tpu.vector_store %arg4[%swap3A_204, %swap3A_205], %broadcast_in_dim3A_153 {strides = array<i32>} : memref<2048x1xi32, #tpu.memory_space<vmem>>, vector<256x1xi32>,
      %swap3A_207 = arith.index_cast %mul3A_41 : i32 to index
      %swap3A_208 = arith.constant 0 : index
      %swap3A_209 = vector.load %arg5[%swap3A_207, %swap3A_208] : memref<2048x1xi32, #tpu.memory_space<vmem>>, vector<256x1xi32>
      tpu.vector_store %arg5[%swap3A_207, %swap3A_208], %broadcast_in_dim3A_169 {strides = array<i32>} : memref<2048x1xi32, #tpu.memory_space<vmem>>, vector<256x1xi32>,
      %swap3A_210 = arith.index_cast %mul3A_41 : i32 to index
      %swap3A_211 = arith.constant 0 : index
      %swap3A_212 = vector.load %arg6[%swap3A_210, %swap3A_211] : memref<2048x1xf32, #tpu.memory_space<vmem>>, vector<256x1xf32>
      tpu.vector_store %arg6[%swap3A_210, %swap3A_211], %mul3A_199 {strides = array<i32>} : memref<2048x1xf32, #tpu.memory_space<vmem>>, vector<256x1xf32>,
      %swap3A_213 = arith.index_cast %mul3A_41 : i32 to index
      %swap3A_214 = arith.constant 0 : index
      %swap3A_215 = vector.load %arg7[%swap3A_213, %swap3A_214] : memref<2048x1xf32, #tpu.memory_space<vmem>>, vector<256x1xf32>
      tpu.vector_store %arg7[%swap3A_213, %swap3A_214], %mul3A_203 {strides = array<i32>} : memref<2048x1xf32, #tpu.memory_space<vmem>>, vector<256x1xf32>,
      %swap3A_216 = arith.index_cast %mul3A_41 : i32 to index
      %swap3A_217 = arith.constant 0 : index
      %swap3A_218 = vector.load %arg9[%swap3A_216, %swap3A_217] : memref<2048x16xf32, #tpu.memory_space<vmem>>, vector<256x16xf32>
      tpu.vector_store %arg9[%swap3A_216, %swap3A_217], %convert_element_type3A_195 {strides = array<i32>} : memref<2048x16xf32, #tpu.memory_space<vmem>>, vector<256x16xf32>,
    }
    %scan3A_3 = arith.constant 8 : i32
    %iota3A = tpu.iota {dimensions = array<i32: 0>} : vector<128x128xi32>
    %iota3A_4 = tpu.iota {dimensions = array<i32: 1>} : vector<128x128xi32>
    %gt3A = arith.cmpi sgt, %iota3A, %iota3A_4 : vector<128x128xi32>
    %convert_element_type3A = arith.extui %gt3A : vector<128x128xi1> to vector<128x128xi32>
    %convert_element_type3A_5 = arith.sitofp %convert_element_type3A : vector<128x128xi32> to vector<128x128xf32>
    %broadcast_in_dim3A = arith.constant 0.000000e+00 : f32
    %broadcast_in_dim3A_6 = vector.broadcast %broadcast_in_dim3A : f32 to vector<1x16xf32>
    %scan3A_7 = arith.constant 0 : i32
    %scan3A_8 = arith.constant 16 : i32
    %scan3A_9 = arith.addi %scan3A_7, %scan3A_8 : i32
    %scan3A_10 = arith.constant 1 : i32
    %scan3A_11 = scf.for %scan3A_39 = %scan3A_7 to %scan3A_9 step %scan3A_10 iter_args(%scan3A_40 = %broadcast_in_dim3A_6) -> (vector<1x16xf32>)  : i32 {
      %mul3A_41 = arith.constant 128 : i32
      %mul3A_42 = arith.muli %scan3A_39, %mul3A_41 : i32
      %get3A = arith.index_cast %mul3A_42 : i32 to index
      %get3A_43 = arith.constant 0 : index
      %get3A_44 = vector.load %arg9[%get3A, %get3A_43] : memref<2048x16xf32, #tpu.memory_space<vmem>>, vector<128x16xf32>
      %dot_general3A_45 = arith.constant dense<0.000000e+00> : vector<128x16xf32>
      %dot_general3A_46 = tpu.matmul %convert_element_type3A_5, %get3A_44, %dot_general3A_45 {dimension_numbers = #tpu.dot_dimension_numbers<[1], [0], [0], [1], [0, 0, 1, 1], [], []>, transpose_lhs_hint = false} : vector<128x128xf32>, vector<128x16xf32>, vector<128x16xf32> -> vector<128x16xf32>
      %add3A_47 = vector.broadcast %scan3A_40 : vector<1x16xf32> to vector<128x16xf32>
      %add3A_48 = arith.addf %dot_general3A_46, %add3A_47 : vector<128x16xf32>
      %swap3A_49 = arith.index_cast %mul3A_42 : i32 to index
      %swap3A_50 = arith.constant 0 : index
      %swap3A_51 = vector.load %arg9[%swap3A_49, %swap3A_50] : memref<2048x16xf32, #tpu.memory_space<vmem>>, vector<128x16xf32>
      tpu.vector_store %arg9[%swap3A_49, %swap3A_50], %add3A_48 {strides = array<i32>} : memref<2048x16xf32, #tpu.memory_space<vmem>>, vector<128x16xf32>,
      %reduce_sum3A_52 = arith.constant dense<0.000000e+00> : vector<16xf32>
      %reduce_sum3A_53 = vector.multi_reduction <add>, %get3A_44, %reduce_sum3A_52 [0] : vector<128x16xf32> to vector<16xf32>
      %broadcast_in_dim3A_54 = vector.shape_cast %reduce_sum3A_53 : vector<16xf32> to vector<1x16xf32>
      %add3A_55 = arith.addf %scan3A_40, %broadcast_in_dim3A_54 : vector<1x16xf32>
      scf.yield %add3A_55 : vector<1x16xf32>
    }
    %scan3A_12 = arith.constant 16 : i32
    %div3A = arith.constant 2.560000e+02 : f32
    %div3A_13 = vector.broadcast %div3A : f32 to vector<1x16xf32>
    %div3A_14 = arith.divf %scan3A_11, %div3A_13 : vector<1x16xf32>
    %ceil3A = math.ceil %div3A_14 : vector<1x16xf32>
    %mul3A = arith.constant 2.560000e+02 : f32
    %mul3A_15 = vector.broadcast %mul3A : f32 to vector<1x16xf32>
    %mul3A_16 = arith.mulf %ceil3A, %mul3A_15 : vector<1x16xf32>
    %iota3A_17 = tpu.iota {dimensions = array<i32: 0>} : vector<16x16xi32>
    %iota3A_18 = tpu.iota {dimensions = array<i32: 1>} : vector<16x16xi32>
    %lt3A = arith.cmpi slt, %iota3A_17, %iota3A_18 : vector<16x16xi32>
    %convert_element_type3A_19 = arith.extui %lt3A : vector<16x16xi1> to vector<16x16xi32>
    %convert_element_type3A_20 = arith.sitofp %convert_element_type3A_19 : vector<16x16xi32> to vector<16x16xf32>
    %dot_general3A = arith.constant dense<0.000000e+00> : vector<1x16xf32>
    %dot_general3A_21 = tpu.matmul %mul3A_16, %convert_element_type3A_20, %dot_general3A {dimension_numbers = #tpu.dot_dimension_numbers<[1], [0], [0], [1], [0, 0, 1, 1], [], []>, transpose_lhs_hint = false} : vector<1x16xf32>, vector<16x16xf32>, vector<1x16xf32> -> vector<1x16xf32>
    %add3A = arith.addf %dot_general3A_21, %mul3A_16 : vector<1x16xf32>
    %iota3A_22 = tpu.iota {dimensions = array<i32: 0>} : vector<32x16xi32>
    %mul3A_23 = arith.constant 256 : i32
    %mul3A_24 = vector.broadcast %mul3A_23 : i32 to vector<32x16xi32>
    %mul3A_25 = arith.muli %iota3A_22, %mul3A_24 : vector<32x16xi32>
    %convert_element_type3A_26 = arith.sitofp %mul3A_25 : vector<32x16xi32> to vector<32x16xf32>
    %le3A = vector.broadcast %add3A : vector<1x16xf32> to vector<32x16xf32>
    %le3A_27 = arith.cmpf ole, %le3A, %convert_element_type3A_26 : vector<32x16xf32>
    %convert_element_type3A_28 = arith.extui %le3A_27 : vector<32x16xi1> to vector<32x16xi32>
    %reduce_sum3A = arith.constant dense<0> : vector<32xi32>
    %reduce_sum3A_29 = vector.multi_reduction <add>, %convert_element_type3A_28, %reduce_sum3A [1] : vector<32x16xi32> to vector<32xi32>
    %broadcast_in_dim3A_30 = vector.shape_cast %reduce_sum3A_29 : vector<32xi32> to vector<32x1xi32>
    %swap3A = arith.constant 0 : index
    %swap3A_31 = arith.constant 0 : index
    %swap3A_32 = vector.load %arg8[%swap3A, %swap3A_31] : memref<32x1xi32, #tpu.memory_space<vmem>>, vector<32x1xi32>
    tpu.vector_store %arg8[%swap3A, %swap3A_31], %broadcast_in_dim3A_30 {strides = array<i32>} : memref<32x1xi32, #tpu.memory_space<vmem>>, vector<32x1xi32>,
    %iota3A_33 = tpu.iota {dimensions = array<i32: 1>} : vector<256x16xi32>
    %scan3A_34 = arith.constant 0 : i32
    %scan3A_35 = arith.constant 8 : i32
    %scan3A_36 = arith.addi %scan3A_34, %scan3A_35 : i32
    %scan3A_37 = arith.constant 1 : i32
    scf.for %scan3A_39 = %scan3A_34 to %scan3A_36 step %scan3A_37  : i32 {
      %mul3A_40 = arith.constant 256 : i32
      %mul3A_41 = arith.muli %scan3A_39, %mul3A_40 : i32
      %get3A = arith.index_cast %mul3A_41 : i32 to index
      %get3A_42 = arith.constant 0 : index
      %get3A_43 = vector.load %arg9[%get3A, %get3A_42] : memref<2048x16xf32, #tpu.memory_space<vmem>>, vector<256x16xf32>
      %add3A_44 = vector.broadcast %dot_general3A_21 : vector<1x16xf32> to vector<256x16xf32>
      %add3A_45 = arith.addf %add3A_44, %get3A_43 : vector<256x16xf32>
      %get3A_46 = arith.index_cast %mul3A_41 : i32 to index
      %get3A_47 = arith.constant 0 : index
      %get3A_48 = vector.load %arg4[%get3A_46, %get3A_47] : memref<2048x1xi32, #tpu.memory_space<vmem>>, vector<256x1xi32>
      %eq3A = vector.broadcast %get3A_48 : vector<256x1xi32> to vector<256x16xi32>
      %eq3A_49 = arith.cmpi eq, %iota3A_33, %eq3A : vector<256x16xi32>
      %jit3A = arith.constant 0.000000e+00 : f32
      %broadcast_in_dim3A_50 = vector.broadcast %jit3A : f32 to vector<256x16xf32>
      %select_n3A = arith.select %eq3A_49, %add3A_45, %broadcast_in_dim3A_50 : vector<256x16xi1>, vector<256x16xf32>
      %reduce_sum3A_51 = arith.constant dense<0.000000e+00> : vector<256xf32>
      %reduce_sum3A_52 = vector.multi_reduction <add>, %select_n3A, %reduce_sum3A_51 [1] : vector<256x16xf32> to vector<256xf32>
      %broadcast_in_dim3A_53 = vector.shape_cast %reduce_sum3A_52 : vector<256xf32> to vector<256x1xf32>
      %convert_element_type3A_54 = arith.fptosi %broadcast_in_dim3A_53 : vector<256x1xf32> to vector<256x1xi32>
      %swap3A_55 = arith.index_cast %mul3A_41 : i32 to index
      %swap3A_56 = arith.constant 0 : index
      %swap3A_57 = vector.load %arg4[%swap3A_55, %swap3A_56] : memref<2048x1xi32, #tpu.memory_space<vmem>>, vector<256x1xi32>
      tpu.vector_store %arg4[%swap3A_55, %swap3A_56], %convert_element_type3A_54 {strides = array<i32>} : memref<2048x1xi32, #tpu.memory_space<vmem>>, vector<256x1xi32>,
      %get3A_58 = arith.index_cast %mul3A_41 : i32 to index
      %get3A_59 = arith.constant 0 : index
      %get3A_60 = vector.load %arg5[%get3A_58, %get3A_59] : memref<2048x1xi32, #tpu.memory_space<vmem>>, vector<256x1xi32>
      %eq3A_61 = vector.broadcast %get3A_60 : vector<256x1xi32> to vector<256x16xi32>
      %eq3A_62 = arith.cmpi eq, %iota3A_33, %eq3A_61 : vector<256x16xi32>
      %jit3A_63 = arith.constant 0.000000e+00 : f32
      %broadcast_in_dim3A_64 = vector.broadcast %jit3A_63 : f32 to vector<256x16xf32>
      %select_n3A_65 = arith.select %eq3A_62, %add3A_45, %broadcast_in_dim3A_64 : vector<256x16xi1>, vector<256x16xf32>
      %reduce_sum3A_66 = arith.constant dense<0.000000e+00> : vector<256xf32>
      %reduce_sum3A_67 = vector.multi_reduction <add>, %select_n3A_65, %reduce_sum3A_66 [1] : vector<256x16xf32> to vector<256xf32>
      %broadcast_in_dim3A_68 = vector.shape_cast %reduce_sum3A_67 : vector<256xf32> to vector<256x1xf32>
      %convert_element_type3A_69 = arith.fptosi %broadcast_in_dim3A_68 : vector<256x1xf32> to vector<256x1xi32>
      %swap3A_70 = arith.index_cast %mul3A_41 : i32 to index
      %swap3A_71 = arith.constant 0 : index
      %swap3A_72 = vector.load %arg5[%swap3A_70, %swap3A_71] : memref<2048x1xi32, #tpu.memory_space<vmem>>, vector<256x1xi32>
      tpu.vector_store %arg5[%swap3A_70, %swap3A_71], %convert_element_type3A_69 {strides = array<i32>} : memref<2048x1xi32, #tpu.memory_space<vmem>>, vector<256x1xi32>,
    }
    %scan3A_38 = arith.constant 8 : i32
    return
  }
  func.func @transform_0(%arg0: i32) -> (i32, i32) {
    %c0_i32 = arith.constant 0 : i32
    %c0_i32_0 = arith.constant 0 : i32
    %c0_i32_1 = arith.constant 0 : i32
    return %c0_i32, %c0_i32_0 : i32, i32
  }
  func.func @transform_1(%arg0: i32) -> (i32, i32) {
    %c0_i32 = arith.constant 0 : i32
    %c0_i32_0 = arith.constant 0 : i32
    %c0_i32_1 = arith.constant 0 : i32
    return %c0_i32, %c0_i32_0 : i32, i32
  }
  func.func @transform_2(%arg0: i32) -> (i32, i32) {
    %c0_i32 = arith.constant 0 : i32
    %c0_i32_0 = arith.constant 0 : i32
    %c0_i32_1 = arith.constant 0 : i32
    return %c0_i32, %c0_i32_0 : i32, i32
  }
  func.func @transform_3(%arg0: i32) -> (i32, i32) {
    %c0_i32 = arith.constant 0 : i32
    %c0_i32_0 = arith.constant 0 : i32
    %c0_i32_1 = arith.constant 0 : i32
    return %c0_i32, %c0_i32_0 : i32, i32
  }
  func.func @transform_4(%arg0: i32) -> (i32, i32) {
    %c0_i32 = arith.constant 0 : i32
    %c0_i32_0 = arith.constant 0 : i32
    %c0_i32_1 = arith.constant 0 : i32
    return %c0_i32, %c0_i32_0 : i32, i32
  }
  func.func @transform_5(%arg0: i32) -> (i32, i32) {
    %c0_i32 = arith.constant 0 : i32
    %c0_i32_0 = arith.constant 0 : i32
    %c0_i32_1 = arith.constant 0 : i32
    return %c0_i32, %c0_i32_0 : i32, i32
  }
  func.func @transform_6(%arg0: i32) -> (i32, i32) {
    %c0_i32 = arith.constant 0 : i32
    %c0_i32_0 = arith.constant 0 : i32
    %c0_i32_1 = arith.constant 0 : i32
    return %c0_i32, %c0_i32_0 : i32, i32
  }
  func.func @transform_7(%arg0: i32) -> (i32, i32) {
    %c0_i32 = arith.constant 0 : i32
    %c0_i32_0 = arith.constant 0 : i32
    %c0_i32_1 = arith.constant 0 : i32
    return %c0_i32, %c0_i32_0 : i32, i32
  }
}

module attributes {stable_mosaic.version = 14 : i64} {
  func.func @_shared_body(%arg0: i32, %arg1: memref<256x1024xf32, #tpu.memory_space<vmem>>, %arg2: memref<1024x1024xf32, #tpu.memory_space<vmem>>, %arg3: memref<1024x512xf32, #tpu.memory_space<vmem>>, %arg4: memref<256x1024xf32, #tpu.memory_space<vmem>>) attributes {dimension_semantics = [#tpu.dimension_semantics<arbitrary>], iteration_bounds = array<i64: 8>, scalar_prefetch = 0 : i64, scratch_operands = 0 : i64, tpu.core_type = #tpu.core_type<tc>, window_params = [{transform_indices = @transform_0, window_bounds = array<i64: 256, 1024>}, {pipeline_mode = #tpu.pipeline_mode<synchronous>, transform_indices = @transform_1, window_bounds = array<i64: 1024, 1024>}, {pipeline_mode = #tpu.pipeline_mode<synchronous>, transform_indices = @transform_2, window_bounds = array<i64: 1024, 512>}, {transform_indices = @transform_3, window_bounds = array<i64: 256, 1024>}]} {
    %get3A = arith.constant 0 : index
    %get3A_0 = arith.constant 0 : index
    %get3A_1 = vector.load %arg1[%get3A, %get3A_0] : memref<256x1024xf32, #tpu.memory_space<vmem>>, vector<256x1024xf32>
    %get3A_2 = arith.constant 0 : index
    %get3A_3 = arith.constant 0 : index
    %get3A_4 = vector.load %arg2[%get3A_2, %get3A_3] : memref<1024x1024xf32, #tpu.memory_space<vmem>>, vector<1024x1024xf32>
    %transpose3A = tpu.transpose %get3A_4, [1, 0] : vector<1024x1024xf32> -> vector<1024x1024xf32>
    %dot_general3A = arith.constant dense<0.000000e+00> : vector<256x1024xf32>
    %dot_general3A_5 = tpu.matmul %get3A_1, %transpose3A, %dot_general3A {dimension_numbers = #tpu.dot_dimension_numbers<[1], [0], [0], [1], [0, 0, 1, 1], [], []>, transpose_lhs_hint = false} : vector<256x1024xf32>, vector<1024x1024xf32>, vector<256x1024xf32> -> vector<256x1024xf32>
    %slice3A = vector.extract_strided_slice %dot_general3A_5 {offsets = [0, 0], sizes = [256, 512], strides = [1, 1]} : vector<256x1024xf32> to vector<256x512xf32>
    %logistic3A = arith.negf %slice3A : vector<256x512xf32>
    %logistic3A_6 = math.exp %logistic3A : vector<256x512xf32>
    %logistic3A_7 = arith.constant 1.000000e+00 : f32
    %logistic3A_8 = vector.broadcast %logistic3A_7 : f32 to vector<256x512xf32>
    %logistic3A_9 = arith.addf %logistic3A_8, %logistic3A_6 : vector<256x512xf32>
    %logistic3A_10 = arith.divf %logistic3A_8, %logistic3A_9 : vector<256x512xf32>
    %mul3A = arith.mulf %slice3A, %logistic3A_10 : vector<256x512xf32>
    %slice3A_11 = vector.extract_strided_slice %dot_general3A_5 {offsets = [0, 512], sizes = [256, 512], strides = [1, 1]} : vector<256x1024xf32> to vector<256x512xf32>
    %mul3A_12 = arith.mulf %mul3A, %slice3A_11 : vector<256x512xf32>
    %get3A_13 = arith.constant 0 : index
    %get3A_14 = arith.constant 0 : index
    %get3A_15 = vector.load %arg3[%get3A_13, %get3A_14] : memref<1024x512xf32, #tpu.memory_space<vmem>>, vector<1024x512xf32>
    %transpose3A_16 = tpu.transpose %get3A_15, [1, 0] : vector<1024x512xf32> -> vector<512x1024xf32>
    %dot_general3A_17 = arith.constant dense<0.000000e+00> : vector<256x1024xf32>
    %dot_general3A_18 = tpu.matmul %mul3A_12, %transpose3A_16, %dot_general3A_17 {dimension_numbers = #tpu.dot_dimension_numbers<[1], [0], [0], [1], [0, 0, 1, 1], [], []>, transpose_lhs_hint = false} : vector<256x512xf32>, vector<512x1024xf32>, vector<256x1024xf32> -> vector<256x1024xf32>
    %swap3A = arith.constant 0 : index
    %swap3A_19 = arith.constant 0 : index
    %swap3A_20 = vector.load %arg4[%swap3A, %swap3A_19] : memref<256x1024xf32, #tpu.memory_space<vmem>>, vector<256x1024xf32>
    tpu.vector_store %arg4[%swap3A, %swap3A_19], %dot_general3A_18 {strides = array<i32>} : memref<256x1024xf32, #tpu.memory_space<vmem>>, vector<256x1024xf32>,
    return
  }
  func.func @transform_0(%arg0: i32) -> (i32, i32) {
    %c0_i32 = arith.constant 0 : i32
    %c0_i32_0 = arith.constant 0 : i32
    return %arg0, %c0_i32 : i32, i32
  }
  func.func @transform_1(%arg0: i32) -> (i32, i32) {
    %c0_i32 = arith.constant 0 : i32
    %c0_i32_0 = arith.constant 0 : i32
    %c0_i32_1 = arith.constant 0 : i32
    return %c0_i32, %c0_i32_0 : i32, i32
  }
  func.func @transform_2(%arg0: i32) -> (i32, i32) {
    %c0_i32 = arith.constant 0 : i32
    %c0_i32_0 = arith.constant 0 : i32
    %c0_i32_1 = arith.constant 0 : i32
    return %c0_i32, %c0_i32_0 : i32, i32
  }
  func.func @transform_3(%arg0: i32) -> (i32, i32) {
    %c0_i32 = arith.constant 0 : i32
    %c0_i32_0 = arith.constant 0 : i32
    return %arg0, %c0_i32 : i32, i32
  }
}

module attributes {stable_mosaic.version = 14 : i64} {
  func.func @_gmm_body(%arg0: i32, %arg1: memref<32xi32, #tpu.memory_space<smem>>, %arg2: memref<256x1024xf32, #tpu.memory_space<vmem>>, %arg3: memref<256x1xf32, #tpu.memory_space<vmem>>, %arg4: memref<1x1024x1024xf32, #tpu.memory_space<vmem>>, %arg5: memref<1x1024x512xf32, #tpu.memory_space<vmem>>, %arg6: memref<256x1024xf32, #tpu.memory_space<vmem>>) attributes {dimension_semantics = [#tpu.dimension_semantics<arbitrary>], iteration_bounds = array<i64: 32>, scalar_prefetch = 1 : i64, scratch_operands = 0 : i64, tpu.core_type = #tpu.core_type<tc>, window_params = [{transform_indices = @transform_0, window_bounds = array<i64: 256, 1024>}, {transform_indices = @transform_1, window_bounds = array<i64: 256, 1>}, {transform_indices = @transform_2, window_bounds = array<i64: 1, 1024, 1024>}, {transform_indices = @transform_3, window_bounds = array<i64: 1, 1024, 512>}, {transform_indices = @transform_4, window_bounds = array<i64: 256, 1024>}]} {
    %get3A = arith.index_cast %arg0 : i32 to index
    %get3A_0 = memref.load %arg1[%get3A] : memref<32xi32, #tpu.memory_space<smem>>
    %lt3A = arith.constant 16 : i32
    %lt3A_1 = arith.cmpi slt, %get3A_0, %lt3A : i32
    %convert_element_type3A = arith.extui %lt3A_1 : i1 to i32
    %cond3A = arith.constant 0 : i32
    %cond3A_2 = arith.cmpi ne, %convert_element_type3A, %cond3A : i32
    scf.if %cond3A_2 {
      %get3A_3 = arith.constant 0 : index
      %get3A_4 = arith.constant 0 : index
      %get3A_5 = vector.load %arg2[%get3A_3, %get3A_4] : memref<256x1024xf32, #tpu.memory_space<vmem>>, vector<256x1024xf32>
      %get3A_6 = arith.constant 0 : index
      %get3A_7 = arith.constant 0 : index
      %get3A_8 = arith.constant 0 : index
      %get3A_9 = vector.load %arg4[%get3A_6, %get3A_7, %get3A_8] : memref<1x1024x1024xf32, #tpu.memory_space<vmem>>, vector<1x1024x1024xf32>
      %get3A_10 = vector.shape_cast %get3A_9 : vector<1x1024x1024xf32> to vector<1024x1024xf32>
      %transpose3A = tpu.transpose %get3A_10, [1, 0] : vector<1024x1024xf32> -> vector<1024x1024xf32>
      %dot_general3A = arith.constant dense<0.000000e+00> : vector<256x1024xf32>
      %dot_general3A_11 = tpu.matmul %get3A_5, %transpose3A, %dot_general3A {dimension_numbers = #tpu.dot_dimension_numbers<[1], [0], [0], [1], [0, 0, 1, 1], [], []>, transpose_lhs_hint = false} : vector<256x1024xf32>, vector<1024x1024xf32>, vector<256x1024xf32> -> vector<256x1024xf32>
      %slice3A = vector.extract_strided_slice %dot_general3A_11 {offsets = [0, 0], sizes = [256, 512], strides = [1, 1]} : vector<256x1024xf32> to vector<256x512xf32>
      %logistic3A = arith.negf %slice3A : vector<256x512xf32>
      %logistic3A_12 = math.exp %logistic3A : vector<256x512xf32>
      %logistic3A_13 = arith.constant 1.000000e+00 : f32
      %logistic3A_14 = vector.broadcast %logistic3A_13 : f32 to vector<256x512xf32>
      %logistic3A_15 = arith.addf %logistic3A_14, %logistic3A_12 : vector<256x512xf32>
      %logistic3A_16 = arith.divf %logistic3A_14, %logistic3A_15 : vector<256x512xf32>
      %mul3A = arith.mulf %slice3A, %logistic3A_16 : vector<256x512xf32>
      %slice3A_17 = vector.extract_strided_slice %dot_general3A_11 {offsets = [0, 512], sizes = [256, 512], strides = [1, 1]} : vector<256x1024xf32> to vector<256x512xf32>
      %mul3A_18 = arith.mulf %mul3A, %slice3A_17 : vector<256x512xf32>
      %get3A_19 = arith.constant 0 : index
      %get3A_20 = arith.constant 0 : index
      %get3A_21 = vector.load %arg3[%get3A_19, %get3A_20] : memref<256x1xf32, #tpu.memory_space<vmem>>, vector<256x1xf32>
      %mul3A_22 = vector.broadcast %get3A_21 : vector<256x1xf32> to vector<256x512xf32>
      %mul3A_23 = arith.mulf %mul3A_18, %mul3A_22 : vector<256x512xf32>
      %get3A_24 = arith.constant 0 : index
      %get3A_25 = arith.constant 0 : index
      %get3A_26 = arith.constant 0 : index
      %get3A_27 = vector.load %arg5[%get3A_24, %get3A_25, %get3A_26] : memref<1x1024x512xf32, #tpu.memory_space<vmem>>, vector<1x1024x512xf32>
      %get3A_28 = vector.shape_cast %get3A_27 : vector<1x1024x512xf32> to vector<1024x512xf32>
      %transpose3A_29 = tpu.transpose %get3A_28, [1, 0] : vector<1024x512xf32> -> vector<512x1024xf32>
      %dot_general3A_30 = arith.constant dense<0.000000e+00> : vector<256x1024xf32>
      %dot_general3A_31 = tpu.matmul %mul3A_23, %transpose3A_29, %dot_general3A_30 {dimension_numbers = #tpu.dot_dimension_numbers<[1], [0], [0], [1], [0, 0, 1, 1], [], []>, transpose_lhs_hint = false} : vector<256x512xf32>, vector<512x1024xf32>, vector<256x1024xf32> -> vector<256x1024xf32>
      %swap3A = arith.constant 0 : index
      %swap3A_32 = arith.constant 0 : index
      %swap3A_33 = vector.load %arg6[%swap3A, %swap3A_32] : memref<256x1024xf32, #tpu.memory_space<vmem>>, vector<256x1024xf32>
      tpu.vector_store %arg6[%swap3A, %swap3A_32], %dot_general3A_31 {strides = array<i32>} : memref<256x1024xf32, #tpu.memory_space<vmem>>, vector<256x1024xf32>,
    } else {
    }
    return
  }
  func.func @transform_0(%arg0: i32, %arg1: memref<32xi32, #tpu.memory_space<smem>>) -> (i32, i32) {
    %c0_i32 = arith.constant 0 : i32
    %c0_i32_0 = arith.constant 0 : i32
    return %arg0, %c0_i32 : i32, i32
  }
  func.func @transform_1(%arg0: i32, %arg1: memref<32xi32, #tpu.memory_space<smem>>) -> (i32, i32) {
    %c0_i32 = arith.constant 0 : i32
    %c0_i32_0 = arith.constant 0 : i32
    return %arg0, %c0_i32 : i32, i32
  }
  func.func @transform_2(%arg0: i32, %arg1: memref<32xi32, #tpu.memory_space<smem>>) -> (i32, i32, i32) {
    %get3A = arith.index_cast %arg0 : i32 to index
    %get3A_0 = memref.load %arg1[%get3A] : memref<32xi32, #tpu.memory_space<smem>>
    %min3A = arith.constant 15 : i32
    %min3A_1 = arith.minsi %get3A_0, %min3A : i32
    %c0_i32 = arith.constant 0 : i32
    %c0_i32_2 = arith.constant 0 : i32
    %c0_i32_3 = arith.constant 0 : i32
    return %min3A_1, %c0_i32, %c0_i32_2 : i32, i32, i32
  }
  func.func @transform_3(%arg0: i32, %arg1: memref<32xi32, #tpu.memory_space<smem>>) -> (i32, i32, i32) {
    %get3A = arith.index_cast %arg0 : i32 to index
    %get3A_0 = memref.load %arg1[%get3A] : memref<32xi32, #tpu.memory_space<smem>>
    %min3A = arith.constant 15 : i32
    %min3A_1 = arith.minsi %get3A_0, %min3A : i32
    %c0_i32 = arith.constant 0 : i32
    %c0_i32_2 = arith.constant 0 : i32
    %c0_i32_3 = arith.constant 0 : i32
    return %min3A_1, %c0_i32, %c0_i32_2 : i32, i32, i32
  }
  func.func @transform_4(%arg0: i32, %arg1: memref<32xi32, #tpu.memory_space<smem>>) -> (i32, i32) {
    %c0_i32 = arith.constant 0 : i32
    %c0_i32_0 = arith.constant 0 : i32
    return %arg0, %c0_i32 : i32, i32
  }
}

</mosaic_0001>

<sc_bundles>
// kernel: kernel.10.cloned.1.call-start
scs
__scs_entry_jumppad:
0x0: {  	(pc) =	sbr.rel $0x88, $3  }
0x1: {  	(tag) =	ssettag $0x0;
	lr =	simm.s32 $0x1  }
0x2: {  	[smem:$0x3F9A] =	sst lr;
	_ =	strace $0xD0000000  }
0x3: {  	_ = 	snop  }
0x4: {  	_ = 	snop  }
0x5: {  	_ = 	snop  }
0x6: {  	_ = 	snop  }
0x7: {  	_ = 	snop  }
__scs_overlays_trampoline_lowered:
0x8: {  	[smem:$0x3FA9] =	sst s0  }
0x9: {  	[smem:$0x3FAA] =	sst s1  }
0xa: {  	[smem:$0x3FAB] =	sst s2  }
0xb: {  	[smem:$0x3FAC] =	sst s3  }
0xc: {  	[smem:$0x3FAD] =	sst s4  }
0xd: {  	[smem:$0x3FAE] =	sst s5  }
0xe: {  	[smem:$0x3FAF] =	sst s6  }
0xf: {  	[smem:$0x3FB0] =	sst s7  }
0x10: {  	[smem:$0x3FB1] =	sst s8  }
0x11: {  	[smem:$0x3FB2] =	sst s9;
	s0 =	simm.s32 @!p0 $0x0  }
0x12: {  	s1 =	sld [smem:$0x3F98];
	s0 =	simm.s32 @p0 $0x1  }
0x13: {  	[smem:$0x3FB3] =	sst s0;
	s0 =	simm.s32 @!p1 $0x0  }
0x14: {  	s2 =	sld [smem:$0x3F97];
	s0 =	simm.s32 @p1 $0x1  }
0x15: {  	[smem:$0x3FB4] =	sst s0;
	s0 =	simm.s32 @!p2 $0x0  }
0x16: {  	s3 =	sld [smem:$0x3FDB];
	s0 =	simm.s32 @p2 $0x1  }
0x17: {  	s4 =	simm.s32 $0x1BF5;
	[smem:$0x3FB6] =	sst s0  }
0x18: {  	s0 =	sld [smem:$0x3F99];
	_ =	swait.ge [sflag:s4], $0x0  }
0x19: {  	s7 =	sld [smem:$0x3F9A]  }
0x1a: {  	s8 =	sadd.s32 $0xFFFFE003, lr  }
0x1b: {  	s9 =	sadd.s32 $0xFFFFFEF7, lr;
	s5 =	simm.s32 $0xFFFFFFFF;
	p2 =	slt.u32 s8, $0xFFFFF086  }
0x1c: {  	p1 =	slt.u32 s9, $0xF7A;
	s5 =	simm.s32 @!p2 $0x0  }
0x1d: {  	s5 =	simm.s32 @p1 $0x1;
	p0 =	seq.s32 s7, s2  }
0x1e: {  	s7 =	smul.u32 @!p0 $0xF7A, s2;
	p2 =	seq.s32 @!p0 s5, $0x0  }
0x1f: {  	s9 =	smul.u32 $0xF7A, s1;
	s8 =	simm.s32 @!p0 $0x1BF5;
	p2 =	por !p2, p0  }
0x20: {  	[sflag:s8] =	ssyncset.s32 @!p0 $0xFFFFF086;
	s6 =	sadd.s32 @!p0 s3, s7;
	s7 =	simm.s32 @!p0 $0x108  }
0x21: {  	s3 =	sadd.s32 s3, s9;
	s6 =	sadd.s32 @!p0 $0x88, s6;
	s7 =	simm.s32 @p2 $0x1082  }
0x22: {  	[simem:s7], [sflag:s8] =	dma.local @!p0 [hbm:s6], $0xF7A  }
0x23: {  	s9 =	sor.u32 $0xD0000000, s2;
	s6 =	simm.s32 $0x108;
	_ =	swait.ge @!p0 [sflag:s8], $0x0  }
0x24: {  	s3 =	sadd.s32 $0x88, s3;
	s6 =	simm.s32 @!p1 $0x1082;
	[sflag:s4] =	ssyncset.s32 $0xFFFFF086  }
0x25: {  	[simem:s6], [sflag:s4] =	dma.local [hbm:s3], $0xF7A  }
0x26: {  	[smem:$0x3F9A] =	sst s1;
	(tag) =	ssettag s2;
	_ =	strace s9  }
0x27: {  	s1 =	sld [smem:$0x3FAA]  }
0x28: {  	s2 =	sld [smem:$0x3FAB]  }
0x29: {  	s4 =	sld [smem:$0x3FAD]  }
0x2a: {  	p0 =	seq.s32 s5, $0x0;
	s5 =	sld [smem:$0x3FAE]  }
0x2b: {  	s6 =	sld [smem:$0x3FAF]  }
0x2c: {  	s7 =	sld [smem:$0x3FB0]  }
0x2d: {  	s3 =	simm.s32 $0x108;
	s8 =	sld [smem:$0x3FB1]  }
0x2e: {  	s3 =	simm.s32 @!p0 $0x1082;
	s9 =	sld [smem:$0x3FB2]  }
0x2f: {  	lr =	sadd.s32 s0, s3;
	s0 =	sld [smem:$0x3FA9]  }
0x30: {  	s3 =	sld [smem:$0x3FAC]  }
0x31: {  	[smem:$0x3FB5] =	sst s10  }
0x32: {  	s10 =	sld [smem:$0x3FB3];
	_ =	sdelay $0x3  }
0x33: {  	p0 =	seq.s32 s10, $0x1;
	s10 =	sld [smem:$0x3FB5];
	_ =	sdelay $0x3  }
0x34: {  	[smem:$0x3FB5] =	sst s10  }
0x35: {  	s10 =	sld [smem:$0x3FB4];
	_ =	sdelay $0x3  }
0x36: {  	p1 =	seq.s32 s10, $0x1;
	s10 =	sld [smem:$0x3FB5];
	_ =	sdelay $0x3  }
0x37: {  	[smem:$0x3FB5] =	sst s10  }
0x38: {  	s10 =	sld [smem:$0x3FB6]  }
0x39: {  	_ = 	snop;
	(pc) =	sbr.ind lr, $3  }
0x3a: {  	_ = 	snop  }
0x3b: {  	_ = 	snop  }
0x3c: {  	p2 =	seq.s32 s10, $0x1;
	s10 =	sld [smem:$0x3FB5]  }
0x3d: {  	_ =	shalt  }
0x3e: {  	_ =	shalt  }
0x3f: {  	_ =	shalt  }
0x40: {  	_ =	shalt  }
0x41: {  	_ =	shalt  }
0x42: {  	_ =	shalt  }
0x43: {  	_ =	shalt  }
0x44: {  	_ =	shalt  }
0x45: {  	_ =	shalt  }
0x46: {  	_ =	shalt  }
0x47: {  	_ =	shalt  }
0x48: {  	_ =	shalt  }
0x49: {  	_ =	shalt  }
0x4a: {  	_ =	shalt  }
0x4b: {  	_ =	shalt  }
0x4c: {  	_ =	shalt  }
0x4d: {  	_ =	shalt  }
0x4e: {  	_ =	shalt  }
0x4f: {  	_ =	shalt  }
0x50: {  	_ =	shalt  }
0x51: {  	_ =	shalt  }
0x52: {  	_ =	shalt  }
0x53: {  	_ =	shalt  }
0x54: {  	_ =	shalt  }
0x55: {  	_ =	shalt  }
0x56: {  	_ =	shalt  }
0x57: {  	_ =	shalt  }
0x58: {  	_ =	shalt  }
0x59: {  	_ =	shalt  }
0x5a: {  	_ =	shalt  }
0x5b: {  	_ =	shalt  }
0x5c: {  	_ =	shalt  }
0x5d: {  	_ =	shalt  }
0x5e: {  	_ =	shalt  }
0x5f: {  	_ =	shalt  }
0x60: {  	_ =	shalt  }
0x61: {  	_ =	shalt  }
0x62: {  	_ =	shalt  }
0x63: {  	_ =	shalt  }
0x64: {  	_ =	shalt  }
0x65: {  	_ =	shalt  }
0x66: {  	_ =	shalt  }
0x67: {  	_ =	shalt  }
0x68: {  	_ =	shalt  }
0x69: {  	_ =	shalt  }
0x6a: {  	_ =	shalt  }
0x6b: {  	_ =	shalt  }
0x6c: {  	_ =	shalt  }
0x6d: {  	_ =	shalt  }
0x6e: {  	_ =	shalt  }
0x6f: {  	_ =	shalt  }
0x70: {  	_ =	shalt  }
0x71: {  	_ =	shalt  }
0x72: {  	_ =	shalt  }
0x73: {  	_ =	shalt  }
0x74: {  	_ =	shalt  }
0x75: {  	_ =	shalt  }
0x76: {  	_ =	shalt  }
0x77: {  	_ =	shalt  }
0x78: {  	_ =	shalt  }
0x79: {  	_ =	shalt  }
0x7a: {  	_ =	shalt  }
0x7b: {  	_ =	shalt  }
0x7c: {  	_ =	shalt  }
0x7d: {  	_ =	shalt  }
0x7e: {  	_ =	shalt  }
0x7f: {  	_ =	shalt  }
0x80: {  	_ =	shalt  }
0x81: {  	_ =	shalt  }
0x82: {  	_ =	shalt  }
0x83: {  	_ =	shalt  }
0x84: {  	_ =	shalt  }
0x85: {  	_ =	shalt  }
0x86: {  	_ =	shalt  }
0x87: {  	_ =	shalt  }
.Lfunc_end0:
.L_simem_size_0:
called_computation.1_lowered:
.L_overlay_start_0:
0x88: {  	s2 =	sld [smem:$0x3FD9]  }
0x89: {  	s3 =	sld [smem:$0x3FFE];
	_ =	sdelay $0x1  }
0x8a: {  	s1 =	srdreg.scid  }
0x8b: {  	s0 =	sand.u32 $0x1, s1  }
0x8c: {  	s17 =	sshll.u32 s0, $0xA;
	s2 =	sadd.s32 s3, s2  }
0x8d: {  	s2 =	sadd.s32 s2, s17  }
0x8e: {  	[smem:$0x3FC1] =	sst s2  }
0x8f: {  	_ = 	snop  }
0x90: {  	s2 =	sld [smem:$0x3FD0];
	(tm) =	ssettm $0x1  }
0x91: {  	s18 =	sld [smem:$0x3FFB];
	_ =	sdelay $0x3  }
0x92: {  	_ =	strace s18  }
0x93: {  	s3 =	sld [smem:$0x3FFC];
	_ =	sdelay $0x3  }
0x94: {  	_ =	strace s3  }
0x95: {  	s3 =	sld [smem:$0x3FFD];
	_ =	sdelay $0x3  }
0x96: {  	_ =	strace s3  }
0x97: {  	_ =	strace $0x8FFFFFFF  }
0x98: {  	s19 =	sld [smem:$0x3FDB];
	_ =	sdelay $0x1  }
0x99: {  	s4 =	simm.s32 $_scs_section_size  }
0x9a: {  	s5 =	simm.s32 $_size__tile_overlayer_lowered;
	s6 =	simm.s32 $_tile_overlayer_lowered  }
0x9b: {  	s22 =	simm.s32 $0x1BFF;
	s21 =	sshll.u32 s6, $0x1;
	s3 =	sadd.s32 s4, s19  }
0x9c: {  	s7 =	simm.s32 $0x0;
	s20 =	sshll.u32 s5, $0x1;
	s5 =	sadd.s32 s21, s3  }
0x9d: {  	[timem:s7], [sflag:s22] =	dma.local [hbm:s5], s20  }
0x9e: {  	_ =	swait.ge [sflag:s22], s20  }
0x9f: {  	s4 =	ssub.s32 $0x0, s20;
	[sflag:s22] =	ssyncset.done $0x0  }
0xa0: {  	[sflag:s22] =	ssyncadd.s32 s4;
	_ =	sdelay $0x1  }
0xa1: {  	s23 =	simm.s32 $0x1B8B  }
0xa2: {  	_ =	swait.ge [sflag:s23], $0x1  }
0xa3: {  	[sflag:s23] =	ssyncset.done $0x0  }
0xa4: {  	s25 =	simm.s32 $0x1B8E;
	s24 =	sld [smem:$0x3FFE];
	[sflag:s23] =	ssyncadd.s32 $0xFFFFFFFF  }
0xa5: {  	s26 =	simm.s32 $execute0_lowered;
	[smem:$0x3FD2] =	sst s25  }
0xa6: {  	s5 =	sshll.u32 s26, $0x1;
	_ =	strace $0x80000049;
	[dreg:$0x1] =	wrdreg $0xFFFFFFFF  }
0xa7: {  	s28 =	simm.s32 $_size_execute0_lowered;
	s3 =	sadd.s32 s3, s5;
	[dreg:$0x0] =	wrdreg $0x0  }
0xa8: {  	s5 =	sshll.u32 s28, $0x1;
	[dreg:$0x2] =	wrdreg s3  }
0xa9: {  	[dreg:$0x3] =	wrdreg s5  }
0xaa: {  	[dreg:$0x4] =	wrdreg $0xC0  }
0xab: {  	_ =	task [dreg:s7], $0x5FFFF  }
0xac: {  	[dreg:$0x1] =	wrdreg $0xFFFFFFFF  }
0xad: {  	[dreg:$0x0] =	wrdreg $0x60  }
0xae: {  	[dreg:$0x2] =	wrdreg s24  }
0xaf: {  	[dreg:$0x3] =	wrdreg s2  }
0xb0: {  	[dreg:$0x4] =	wrdreg $0x9  }
0xb1: {  	_ =	task.clear_ibuf [dreg:s7], $0x5FFFF;
	_ =	strace $0x90000049  }
0xb2: {  	s29 =	simm.s32 $0x9;
	_ =	strace $0x8000004B  }
0xb3: {  	_ =	swait.ge [sflag:s29], $0x1  }
0xb4: {  	[sflag:s29] =	ssyncadd.s32 $0xFFFFFFFF  }
0xb5: {  	_ =	strace $0x9000004B  }
0xb6: {  	_ =	sfence  }
0xb7: {  	s30 =	sld [smem:$0x0];
	_ =	sdelay $0x2  }
0xb8: {  	s31 =	sshll.u32 s1, $0xD;
	s1 =	sshrl.u32 s1, $0x2  }
0xb9: {  	s3 =	sand.u32 $0x4000, s31;
	s1 =	sadd.s32 s1, s30  }
0xba: {  	s0 =	sor.u32 s3, s0;
	s1 =	sshll.u32 s1, $0x11  }
0xbb: {  	s0 =	sor.u32 s1, s0  }
0xbc: {  	s0 =	sadd.s32 $0x8F2B, s0  }
0xbd: {  	[sflag:s0] =	ssyncadd.remote.s32 $0x1  }
0xbe: {  	_ =	sfence.sel $0xFFFF  }
0xbf: {  	[dreg:$0x0] =	wrdreg $0xFFFFFFFF;
	(pc) =	sbr.abs _section_cstart, $3  }
0xc0: {  	[dreg:$0x1] =	wrdreg $0xFFFFFFFF  }
0xc1: {  	_ =	task.clear_ibuf [dreg:s7], $0x2FFFF;
	_ =	strace $0x9FFFFFFF  }
0xc2: {  	(tm) =	ssettm $0x7FFFFFFF  }
0xc3: {  	_ =	shalt  }
tec
execute0_lowered:
.L_overlay_start_1:
0x0: {  	(tag) =	ssettag $0x1  }
0x1: {  	s0 =	rddreg [dreg:$0x0]  }
0x2: {  	s1 =	rddreg [dreg:$0x1];
	s2 =	simm.s32 $0x0  }
0x3: {  	s3 =	srdreg.scid;
	s5 =	stileid.u32;
	s28 =	simm.s32 $0xD400  }
0x4: {  	s29 =	simm.s32 $0xDC00;
	s30 =	simm.s32 $0xE400;
	s31 =	simm.s32 $0xEC00  }
0x5: {  	[smem:$0x7FF] =	sst s2;
	s4 =	sand.u32 $0x1, s3;
	s3 =	sadd.s32 $0x140800, s0  }
0x6: {  	s5 =	sshll.u32 s5, $0x7;
	s7 =	sadd.s32 $0x100800, s0;
	s6 =	sshll.u32 s4, $0x6  }
0x7: {  	s23 =	sadd.s32 $0x200, s0;
	s4 =	ssub.s32 $0x2, s4;
	s5 =	sor.u32 s6, s5  }
0x8: {  	_ =	strace $0x8000004A;
	s8 =	sshrl.u32 s4, $0x1;
	s9 =	sshrl.u32 s5, $0x3  }
0x9: {  	s4 =	ssub.s32 s4, s8;
	s25 =	sor.u32 $0x10, s5;
	s11 =	sor.u32 $0x20, s5  }
0xa: {  	s15 =	sor.u32 $0x30, s5;
	s5 =	sshll.u32 s5, $0x7;
	s24 =	sadd.s32 s0, s9  }
0xb: {  	s8 =	simm.s32 $0x4;
	s9 =	sadd.s32 s23, s9;
	[dreg:$0x3] =	wrdreg s24  }
0xc: {  	s10 =	sshrl.u32 s25, $0x3;
	s19 =	sadd.s32 s7, s5;
	[dreg:$0x7] =	wrdreg s9  }
0xd: {  	s26 =	sshrl.u32 s11, $0x3;
	s5 =	sadd.s32 s1, s5;
	[dreg:$0xb] =	wrdreg s19  }
0xe: {  	s13 =	sshrl.u32 s15, $0x3;
	s12 =	sadd.s32 s0, s10;
	[dreg:$0xd] =	wrdreg s5  }
0xf: {  	s20 =	sshll.u32 s25, $0x7;
	s14 =	sadd.s32 s0, s26;
	[dreg:$0x4] =	wrdreg s12  }
0x10: {  	s22 =	sshll.u32 s11, $0x7;
	s16 =	sadd.s32 s0, s13;
	[dreg:$0x5] =	wrdreg s14  }
0x11: {  	s17 =	sadd.s32 s23, s10;
	s18 =	sadd.s32 s23, s26;
	[dreg:$0x6] =	wrdreg s16  }
0x12: {  	s6 =	sadd.s32 s23, s13;
	s13 =	sadd.s32 $0x140A00, s0;
	[dreg:$0x8] =	wrdreg s17  }
0x13: {  	s21 =	sadd.s32 s7, s20;
	s23 =	sadd.s32 s7, s22;
	[dreg:$0x9] =	wrdreg s18  }
0x14: {  	s24 =	sshll.u32 s15, $0x7;
	s5 =	sadd.s32 s1, s22;
	[dreg:$0xa] =	wrdreg s6  }
0x15: {  	s26 =	smax.u32 s4, $0x1;
	s4 =	simm.s32 $0xF400;
	[dreg:$0xc] =	wrdreg s21  }
0x16: {  	s9 =	simm.s32 $0x5;
	s10 =	simm.s32 $0x0;
	[dreg:$0xe] =	wrdreg s23  }
0x17: {  	s12 =	sadd.s32 $0x140900, s0;
	s14 =	sadd.s32 $0x140B00, s0;
	[dreg:$0x11] =	wrdreg s5  }
0x18: {  	s0 =	sadd.s32 s1, s20;
	s25 =	sadd.s32 s7, s24;
	[dreg:$0x13] =	wrdreg s26  }
0x19: {  	s23 =	simm.s32 $0xC00;
	s16 =	simm.s32 $0x2;
	s17 =	simm.s32 $0x4400  }
0x1a: {  	s26 =	simm.s32 $0xCC00;
	s5 =	simm.s32 $0xFC00;
	[dreg:$0xf] =	wrdreg s0  }
0x1b: {  	v2 =	vlaneseq.u32;
	s6 =	simm.s32 $0x14400;
	s7 =	simm.s32 $0x3;
	[dreg:$0x10] =	wrdreg s25  }
0x1c: {  	vm0 =	vmmov $0xffff;
	v1 =	vshrl.u32 v2, $0x3;
	s0 =	sadd.s32 s1, s24;
	s1 =	simm.s32 $0x400;
	s24 =	simm.s32 $0x7C00  }
0x1d: {  	v0 =	vand.u32 $0x7, v2;
	v2 =	vor.u32 $0x8, v2;
	v1 =	vmul.u32 $0x8, v1;
	s25 =	simm.s32 $0xC400;
	[dreg:$0x12] =	wrdreg s0;
	s0 =	simm.s32 $0x1  }
.LBB2_1:
0x1e: {  	s11 =	rddreg [dreg:$0x3]  }
0x1f: {  	[tilespmem:s2], [sflag:$0x1] =	stream.linear.gather [hbm4b:s11+s2], $0x10, $0x38;
	[tilespmem:$0x18400] =	vst v63  }
0x20: {  	s22 =	rddreg [dreg:$0x4];
	s15 =	simm.s32 $0x80  }
0x21: {  	[tilespmem:s15], [sflag:$0x1] =	stream.linear.gather [hbm4b:s22+s2], $0x10, $0x38;
	[tilespmem:$0x18400] =	vst v63  }
0x22: {  	s18 =	simm.s32 $0x100;
	s15 =	rddreg [dreg:$0x5]  }
0x23: {  	[tilespmem:s18], [sflag:$0x1] =	stream.linear.gather [hbm4b:s15+s2], $0x10, $0x38;
	[tilespmem:$0x18400] =	vst v63  }
0x24: {  	s19 =	rddreg [dreg:$0x6];
	s20 =	simm.s32 $0x180  }
0x25: {  	[tilespmem:s20], [sflag:$0x1] =	stream.linear.gather [hbm4b:s19+s2], $0x10, $0x38;
	[tilespmem:$0x18400] =	vst v63  }
0x26: {  	s21 =	rddreg [dreg:$0x7];
	s22 =	simm.s32 $0x200  }
0x27: {  	[tilespmem:s22], [sflag:$0x1] =	stream.linear.gather [hbm4b:s21+s2], $0x10, $0x38;
	[tilespmem:$0x18400] =	vst v63  }
0x28: {  	s15 =	rddreg [dreg:$0x8];
	s18 =	simm.s32 $0x280  }
0x29: {  	[tilespmem:s18], [sflag:$0x1] =	stream.linear.gather [hbm4b:s15+s2], $0x10, $0x38;
	[tilespmem:$0x18400] =	vst v63  }
0x2a: {  	s19 =	rddreg [dreg:$0x9];
	s20 =	simm.s32 $0x300  }
0x2b: {  	[tilespmem:s20], [sflag:$0x1] =	stream.linear.gather [hbm4b:s19+s2], $0x10, $0x38;
	[tilespmem:$0x18400] =	vst v63  }
0x2c: {  	s21 =	rddreg [dreg:$0xa];
	s22 =	simm.s32 $0x380  }
0x2d: {  	[tilespmem:s22], [sflag:$0x1] =	stream.linear.gather [hbm4b:s21+s2], $0x10, $0x38;
	[tilespmem:$0x18400] =	vst v63  }
0x2e: {  	_ =	swait.ge [sflag:s0], $0x10  }
0x2f: {  	[sflag:s0] =	ssyncset.done $0x0  }
0x30: {  	[sflag:s0] =	ssyncadd.s32 $0xFFFFFFF0  }
0x31: {  	_ =	swait.ge [sflag:s0], $0x10  }
0x32: {  	[sflag:s0] =	ssyncset.done $0x0  }
0x33: {  	[sflag:s0] =	ssyncadd.s32 $0xFFFFFFF0  }
0x34: {  	_ =	swait.ge [sflag:s0], $0x10  }
0x35: {  	[sflag:s0] =	ssyncset.done $0x0  }
0x36: {  	[sflag:s0] =	ssyncadd.s32 $0xFFFFFFF0  }
0x37: {  	_ =	swait.ge [sflag:s0], $0x10  }
0x38: {  	[sflag:s0] =	ssyncset.done $0x0  }
0x39: {  	[sflag:s0] =	ssyncadd.s32 $0xFFFFFFF0  }
0x3a: {  	_ =	swait.ge [sflag:s0], $0x10  }
0x3b: {  	[sflag:s0] =	ssyncset.done $0x0  }
0x3c: {  	[sflag:s0] =	ssyncadd.s32 $0xFFFFFFF0  }
0x3d: {  	_ =	swait.ge [sflag:s0], $0x10  }
0x3e: {  	[sflag:s0] =	ssyncset.done $0x0  }
0x3f: {  	[sflag:s0] =	ssyncadd.s32 $0xFFFFFFF0  }
0x40: {  	_ =	swait.ge [sflag:s0], $0x10  }
0x41: {  	[sflag:s0] =	ssyncset.done $0x0  }
0x42: {  	[sflag:s0] =	ssyncadd.s32 $0xFFFFFFF0  }
0x43: {  	_ =	swait.ge [sflag:s0], $0x10  }
0x44: {  	[sflag:s0] =	ssyncset.done $0x0  }
0x45: {  	[sflag:s0] =	ssyncadd.s32 $0xFFFFFFF0  }
0x46: {  	v3 =	vld [tilespmem:$0x0];
	_ =	sdelay $0x4  }
0x47: {  	v4 =	vshll.u32 v3, $0x3  }
0x48: {  	v3 =	vand.u32 $0x7, v3;
	v4 =	vand.u32 $0xFFFFFFC0, v4  }
0x49: {  	v3 =	vor.u32 v3, v4  }
0x4a: {  	v4 =	vperm.xlane v3, v0;
	_ =	sdelay $0x1  }
0x4b: {  	v4 =	vadd.s32 v1, v4;
	_ =	sdelay $0x4  }
0x4c: {  	[tilespmem:s1], [sflag:$0x2] =	stream.indirect_vreg.gather [hbm4b:s3+s2], $0x80, v4, vm0, $0xb8;
	[tilespmem:$0x18400] =	vst v63  }
0x4d: {  	v3 =	vperm.xlane v3, v2  }
0x4e: {  	[tilespmem:s23], [sflag:$0x2] =	stream.indirect_vreg.gather [hbm4b:s12+s2], $0x80, v4, vm0, $0xb8;
	[tilespmem:$0x18400] =	vst v63  }
0x4f: {  	s18 =	simm.s32 $0x1400;
	v3 =	vadd.s32 v1, v3  }
0x50: {  	[tilespmem:s18], [sflag:$0x2] =	stream.indirect_vreg.gather [hbm4b:s13+s2], $0x80, v4, vm0, $0xb8;
	[tilespmem:$0x18400] =	vst v63  }
0x51: {  	s19 =	simm.s32 $0x1C00  }
0x52: {  	[tilespmem:s19], [sflag:$0x2] =	stream.indirect_vreg.gather [hbm4b:s14+s2], $0x80, v4, vm0, $0xb8;
	[tilespmem:$0x18400] =	vst v63  }
0x53: {  	s20 =	simm.s32 $0x2400  }
0x54: {  	[tilespmem:s20], [sflag:$0x2] =	stream.indirect_vreg.gather [hbm4b:s3+s2], $0x80, v3, vm0, $0xb8;
	[tilespmem:$0x18400] =	vst v63  }
0x55: {  	s21 =	simm.s32 $0x2C00  }
0x56: {  	[tilespmem:s21], [sflag:$0x2] =	stream.indirect_vreg.gather [hbm4b:s12+s2], $0x80, v3, vm0, $0xb8;
	[tilespmem:$0x18400] =	vst v63  }
0x57: {  	s22 =	simm.s32 $0x3400  }
0x58: {  	[tilespmem:s22], [sflag:$0x2] =	stream.indirect_vreg.gather [hbm4b:s13+s2], $0x80, v3, vm0, $0xb8;
	[tilespmem:$0x18400] =	vst v63  }
0x59: {  	s15 =	simm.s32 $0x3C00  }
0x5a: {  	[tilespmem:s15], [sflag:$0x2] =	stream.indirect_vreg.gather [hbm4b:s14+s2], $0x80, v3, vm0, $0xb8;
	[tilespmem:$0x18400] =	vst v63  }
0x5b: {  	v3 =	vld [tilespmem:$0x200];
	_ =	sdelay $0x4  }
0x5c: {  	v61 =	vshll.u32 v3, $0x3  }
0x5d: {  	v3 =	vand.u32 $0x7, v3;
	v4 =	vand.u32 $0xFFFFFFC0, v61  }
0x5e: {  	v3 =	vor.u32 v3, v4  }
0x5f: {  	v4 =	vperm.xlane v3, v0;
	_ =	sdelay $0x1  }
0x60: {  	v4 =	vadd.s32 v1, v4;
	_ =	sdelay $0x3  }
0x61: {  	s18 =	simm.s32 $0x8400  }
0x62: {  	[tilespmem:s18], [sflag:$0x2] =	stream.indirect_vreg.gather [hbm4b:s3+s2], $0x80, v4, vm0, $0xb8;
	[tilespmem:$0x18400] =	vst v63  }
0x63: {  	s19 =	simm.s32 $0x8C00;
	v3 =	vperm.xlane v3, v2  }
0x64: {  	[tilespmem:s19], [sflag:$0x2] =	stream.indirect_vreg.gather [hbm4b:s12+s2], $0x80, v4, vm0, $0xb8;
	[tilespmem:$0x18400] =	vst v63  }
0x65: {  	s20 =	simm.s32 $0x9400;
	v3 =	vadd.s32 v1, v3  }
0x66: {  	[tilespmem:s20], [sflag:$0x2] =	stream.indirect_vreg.gather [hbm4b:s13+s2], $0x80, v4, vm0, $0xb8;
	[tilespmem:$0x18400] =	vst v63  }
0x67: {  	s21 =	simm.s32 $0x9C00  }
0x68: {  	[tilespmem:s21], [sflag:$0x2] =	stream.indirect_vreg.gather [hbm4b:s14+s2], $0x80, v4, vm0, $0xb8;
	[tilespmem:$0x18400] =	vst v63  }
0x69: {  	s22 =	simm.s32 $0xA400  }
0x6a: {  	[tilespmem:s22], [sflag:$0x2] =	stream.indirect_vreg.gather [hbm4b:s3+s2], $0x80, v3, vm0, $0xb8;
	[tilespmem:$0x18400] =	vst v63  }
0x6b: {  	s15 =	simm.s32 $0xAC00  }
0x6c: {  	[tilespmem:s15], [sflag:$0x2] =	stream.indirect_vreg.gather [hbm4b:s12+s2], $0x80, v3, vm0, $0xb8;
	[tilespmem:$0x18400] =	vst v63  }
0x6d: {  	s18 =	simm.s32 $0xB400  }
0x6e: {  	[tilespmem:s18], [sflag:$0x2] =	stream.indirect_vreg.gather [hbm4b:s13+s2], $0x80, v3, vm0, $0xb8;
	[tilespmem:$0x18400] =	vst v63  }
0x6f: {  	s19 =	simm.s32 $0xBC00  }
0x70: {  	[tilespmem:s19], [sflag:$0x2] =	stream.indirect_vreg.gather [hbm4b:s14+s2], $0x80, v3, vm0, $0xb8;
	[tilespmem:$0x18400] =	vst v63  }
0x71: {  	s20 =	rddreg [dreg:$0xb];
	s21 =	simm.s32 $0x10400  }
0x72: {  	[tilespmem:s21], [sflag:$0x2] =	stream.linear.gather [hbm4b:s20+s2], $0x4000, $0x38;
	[tilespmem:$0x18400] =	vst v63  }
0x73: {  	_ =	swait.ge [sflag:s16], $0x4000  }
0x74: {  	[sflag:s16] =	ssyncset.done $0x0  }
0x75: {  	[sflag:s16] =	ssyncadd.s32 $0xFFFFC000  }
0x76: {  	_ =	swait.ge [sflag:s16], $0x4000  }
0x77: {  	[sflag:s16] =	ssyncset.done $0x0  }
0x78: {  	[sflag:s16] =	ssyncadd.s32 $0xFFFFC000  }
0x79: {  	_ =	swait.ge [sflag:s16], $0x4000  }
0x7a: {  	[sflag:s16] =	ssyncset.done $0x0  }
0x7b: {  	[sflag:s16] =	ssyncadd.s32 $0xFFFFC000  }
0x7c: {  	v3 =	vld [tilespmem:$0x80];
	_ =	sdelay $0x4  }
0x7d: {  	v62 =	vshll.u32 v3, $0x3  }
0x7e: {  	v3 =	vand.u32 $0x7, v3;
	v4 =	vand.u32 $0xFFFFFFC0, v62  }
0x7f: {  	v3 =	vor.u32 v3, v4  }
0x80: {  	v4 =	vperm.xlane v3, v0;
	_ =	sdelay $0x1  }
0x81: {  	v4 =	vadd.s32 v1, v4;
	_ =	sdelay $0x4  }
0x82: {  	[tilespmem:s17], [sflag:$0x3] =	stream.indirect_vreg.gather [hbm4b:s3+s2], $0x80, v4, vm0, $0xb8;
	[tilespmem:$0x18400] =	vst v63  }
0x83: {  	s22 =	simm.s32 $0x4C00;
	v3 =	vperm.xlane v3, v2  }
0x84: {  	[tilespmem:s22], [sflag:$0x3] =	stream.indirect_vreg.gather [hbm4b:s12+s2], $0x80, v4, vm0, $0xb8;
	[tilespmem:$0x18400] =	vst v63  }
0x85: {  	s15 =	simm.s32 $0x5400;
	v3 =	vadd.s32 v1, v3  }
0x86: {  	[tilespmem:s15], [sflag:$0x3] =	stream.indirect_vreg.gather [hbm4b:s13+s2], $0x80, v4, vm0, $0xb8;
	[tilespmem:$0x18400] =	vst v63  }
0x87: {  	s18 =	simm.s32 $0x5C00  }
0x88: {  	[tilespmem:s18], [sflag:$0x3] =	stream.indirect_vreg.gather [hbm4b:s14+s2], $0x80, v4, vm0, $0xb8;
	[tilespmem:$0x18400] =	vst v63  }
0x89: {  	s19 =	simm.s32 $0x6400  }
0x8a: {  	[tilespmem:s19], [sflag:$0x3] =	stream.indirect_vreg.gather [hbm4b:s3+s2], $0x80, v3, vm0, $0xb8;
	[tilespmem:$0x18400] =	vst v63  }
0x8b: {  	s20 =	simm.s32 $0x6C00  }
0x8c: {  	[tilespmem:s20], [sflag:$0x3] =	stream.indirect_vreg.gather [hbm4b:s12+s2], $0x80, v3, vm0, $0xb8;
	[tilespmem:$0x18400] =	vst v63  }
0x8d: {  	s21 =	simm.s32 $0x7400  }
0x8e: {  	[tilespmem:s21], [sflag:$0x3] =	stream.indirect_vreg.gather [hbm4b:s13+s2], $0x80, v3, vm0, $0xb8;
	[tilespmem:$0x18400] =	vst v63  }
0x8f: {  	_ = 	snop  }
0x90: {  	[tilespmem:s24], [sflag:$0x3] =	stream.indirect_vreg.gather [hbm4b:s14+s2], $0x80, v3, vm0, $0xb8;
	[tilespmem:$0x18400] =	vst v63  }
0x91: {  	v3 =	vld [tilespmem:$0x280];
	_ =	sdelay $0x4  }
0x92: {  	v63 =	vshll.u32 v3, $0x3  }
0x93: {  	v3 =	vand.u32 $0x7, v3;
	v4 =	vand.u32 $0xFFFFFFC0, v63  }
0x94: {  	v3 =	vor.u32 v3, v4  }
0x95: {  	v4 =	vperm.xlane v3, v0;
	_ =	sdelay $0x1  }
0x96: {  	v4 =	vadd.s32 v1, v4;
	_ =	sdelay $0x4  }
0x97: {  	[tilespmem:s25], [sflag:$0x3] =	stream.indirect_vreg.gather [hbm4b:s3+s2], $0x80, v4, vm0, $0xb8;
	[tilespmem:$0x18400] =	vst v63  }
0x98: {  	v3 =	vperm.xlane v3, v2  }
0x99: {  	[tilespmem:s26], [sflag:$0x3] =	stream.indirect_vreg.gather [hbm4b:s12+s2], $0x80, v4, vm0, $0xb8;
	[tilespmem:$0x18400] =	vst v63  }
0x9a: {  	v3 =	vadd.s32 v1, v3  }
0x9b: {  	[tilespmem:s28], [sflag:$0x3] =	stream.indirect_vreg.gather [hbm4b:s13+s2], $0x80, v4, vm0, $0xb8;
	[tilespmem:$0x18400] =	vst v63  }
0x9c: {  	_ = 	snop  }
0x9d: {  	[tilespmem:s29], [sflag:$0x3] =	stream.indirect_vreg.gather [hbm4b:s14+s2], $0x80, v4, vm0, $0xb8;
	[tilespmem:$0x18400] =	vst v63  }
0x9e: {  	_ = 	snop  }
0x9f: {  	[tilespmem:s30], [sflag:$0x3] =	stream.indirect_vreg.gather [hbm4b:s3+s2], $0x80, v3, vm0, $0xb8;
	[tilespmem:$0x18400] =	vst v63  }
0xa0: {  	_ = 	snop  }
0xa1: {  	[tilespmem:s31], [sflag:$0x3] =	stream.indirect_vreg.gather [hbm4b:s12+s2], $0x80, v3, vm0, $0xb8;
	[tilespmem:$0x18400] =	vst v63  }
0xa2: {  	_ = 	snop  }
0xa3: {  	[tilespmem:s4], [sflag:$0x3] =	stream.indirect_vreg.gather [hbm4b:s13+s2], $0x80, v3, vm0, $0xb8;
	[tilespmem:$0x18400] =	vst v63  }
0xa4: {  	_ = 	snop  }
0xa5: {  	[tilespmem:s5], [sflag:$0x3] =	stream.indirect_vreg.gather [hbm4b:s14+s2], $0x80, v3, vm0, $0xb8;
	[tilespmem:$0x18400] =	vst v63  }
0xa6: {  	s11 =	simm.s32 $0x0;
	s22 =	rddreg [dreg:$0xc]  }
0xa7: {  	[tilespmem:s6], [sflag:$0x3] =	stream.linear.gather [hbm4b:s22+s2], $0x4000, $0x38;
	[tilespmem:$0x18400] =	vst v63  }
.LBB2_2:
0xa8: {  	s15 =	sshll.u32 s11, $0xA;
	s18 =	sshll.u32 s11, $0x7  }
0xa9: {  	s19 =	simm.s32 $0x0;
	s15 =	sand.u32 $0x2000, s15;
	s18 =	sand.u32 $0x380, s18  }
0xaa: {  	s22 =	sand.u32 $0x1C00, s19;
	s15 =	sor.u32 s15, s18  }
0xab: {  	s19 =	sand.u32 $0x70, s19;
	s18 =	sor.u32 s22, s15  }
0xac: {  	s18 =	sor.u32 s19, s18  }
0xad: {  	v3 =	vld [tilespmem:s18+$0x8400]  }
0xae: {  	v4 =	vld [tilespmem:s18+$0x400];
	_ =	sdelay $0x1  }
0xaf: {  	v5 =	vld [tilespmem:s18+$0x10400];
	_ =	sdelay $0x2  }
0xb0: {  	s19 =	simm.s32 $0x80;
	v3 =	vadd.f32 v3, v4  }
0xb1: {  	s20 =	simm.s32 $0x10;
	s22 =	sand.u32 $0x1C00, s19  }
0xb2: {  	s21 =	sand.u32 $0x70, s20;
	s20 =	simm.s32 $0x20;
	s22 =	sor.u32 s22, s15;
	v3 =	vadd.f32 v5, v3  }
.LBB2_3:
0xb3: {  	p0 =	sne.s32 s20, $0x3F0;
	s21 =	sor.u32 s21, s22  }
0xb4: {  	v4 =	vld [tilespmem:s21+$0x8400];
	[tilespmem:s18+$0x400] =	vst v3;
	s18 =	smov.u32 s21  }
0xb5: {  	v3 =	vld [tilespmem:s18+$0x400];
	_ =	sdelay $0x1  }
0xb6: {  	v5 =	vld [tilespmem:s18+$0x10400]  }
.Ltmp0:
0xb7: {  	(pc) =	sbr.rel @p0 .LBB2_3-.Ltmp0, $4  }
0xb8: {  	_ = 	snop  }
0xb9: {  	s19 =	sadd.s32 $0x80, s19;
	v3 =	vadd.f32 v4, v3  }
0xba: {  	s22 =	sand.u32 $0x1C00, s19  }
0xbb: {  	s21 =	sand.u32 $0x70, s20;
	s20 =	sadd.s32 $0x10, s20;
	s22 =	sor.u32 s22, s15;
	v3 =	vadd.f32 v5, v3  }
0xbc: {  	s15 =	sor.u32 s21, s22  }
0xbd: {  	v4 =	vld [tilespmem:s15+$0x8400];
	[tilespmem:s18+$0x400] =	vst v3  }
0xbe: {  	v3 =	vld [tilespmem:s15+$0x400];
	_ =	sdelay $0x1  }
0xbf: {  	v5 =	vld [tilespmem:s15+$0x10400]  }
0xc0: {  	s11 =	sadd.s32 $0x1, s11  }
0xc1: {  	p0 =	sne.s32 s11, $0x10  }
.Ltmp1:
0xc2: {  	v3 =	vadd.f32 v4, v3;
	(pc) =	sbr.rel @p0 .LBB2_2-.Ltmp1, $3  }
0xc3: {  	_ = 	snop  }
0xc4: {  	v3 =	vadd.f32 v5, v3;
	_ =	sdelay $0x1  }
0xc5: {  	[tilespmem:s15+$0x400] =	vst v3  }
0xc6: {  	s11 =	simm.s32 $0x0;
	s15 =	rddreg [dreg:$0xd]  }
0xc7: {  	[hbm4b:s15+s11] =	stream.linear.scatter [tilespmem:s1], [sflag:$0x4], $0x4000, $0x38;
	[tilespmem:$0x18400] =	vst v63  }
0xc8: {  	_ =	swait.ge [sflag:s7], $0x4000  }
0xc9: {  	[sflag:s7] =	ssyncset.done $0x0  }
0xca: {  	[sflag:s7] =	ssyncadd.s32 $0xFFFFC000  }
0xcb: {  	_ =	swait.ge [sflag:s7], $0x4000  }
0xcc: {  	[sflag:s7] =	ssyncset.done $0x0  }
0xcd: {  	[sflag:s7] =	ssyncadd.s32 $0xFFFFC000  }
0xce: {  	_ =	swait.ge [sflag:s7], $0x4000  }
0xcf: {  	[sflag:s7] =	ssyncset.done $0x0  }
0xd0: {  	[sflag:s7] =	ssyncadd.s32 $0xFFFFC000  }
0xd1: {  	_ =	swait.ge [sflag:s8], $0x4000  }
0xd2: {  	[sflag:s8] =	ssyncset.done $0x0  }
0xd3: {  	[sflag:s8] =	ssyncadd.s32 $0xFFFFC000  }
0xd4: {  	v3 =	vld [tilespmem:$0x100];
	_ =	sdelay $0x4  }
0xd5: {  	v4 =	vshll.u32 v3, $0x3  }
0xd6: {  	v3 =	vand.u32 $0x7, v3;
	v4 =	vand.u32 $0xFFFFFFC0, v4  }
0xd7: {  	v3 =	vor.u32 v3, v4  }
0xd8: {  	v4 =	vperm.xlane v3, v0;
	_ =	sdelay $0x1  }
0xd9: {  	v4 =	vadd.s32 v1, v4;
	_ =	sdelay $0x4  }
0xda: {  	[tilespmem:s1], [sflag:$0x2] =	stream.indirect_vreg.gather [hbm4b:s3+s11], $0x80, v4, vm0, $0xb8;
	[tilespmem:$0x18400] =	vst v63  }
0xdb: {  	v3 =	vperm.xlane v3, v2  }
0xdc: {  	[tilespmem:s23], [sflag:$0x2] =	stream.indirect_vreg.gather [hbm4b:s12+s11], $0x80, v4, vm0, $0xb8;
	[tilespmem:$0x18400] =	vst v63  }
0xdd: {  	s21 =	simm.s32 $0x1400;
	v3 =	vadd.s32 v1, v3  }
0xde: {  	[tilespmem:s21], [sflag:$0x2] =	stream.indirect_vreg.gather [hbm4b:s13+s11], $0x80, v4, vm0, $0xb8;
	[tilespmem:$0x18400] =	vst v63  }
0xdf: {  	s22 =	simm.s32 $0x1C00  }
0xe0: {  	[tilespmem:s22], [sflag:$0x2] =	stream.indirect_vreg.gather [hbm4b:s14+s11], $0x80, v4, vm0, $0xb8;
	[tilespmem:$0x18400] =	vst v63  }
0xe1: {  	s23 =	simm.s32 $0x2400  }
0xe2: {  	[tilespmem:s23], [sflag:$0x2] =	stream.indirect_vreg.gather [hbm4b:s3+s11], $0x80, v3, vm0, $0xb8;
	[tilespmem:$0x18400] =	vst v63  }
0xe3: {  	s18 =	simm.s32 $0x2C00  }
0xe4: {  	[tilespmem:s18], [sflag:$0x2] =	stream.indirect_vreg.gather [hbm4b:s12+s11], $0x80, v3, vm0, $0xb8;
	[tilespmem:$0x18400] =	vst v63  }
0xe5: {  	s19 =	simm.s32 $0x3400  }
0xe6: {  	[tilespmem:s19], [sflag:$0x2] =	stream.indirect_vreg.gather [hbm4b:s13+s11], $0x80, v3, vm0, $0xb8;
	[tilespmem:$0x18400] =	vst v63  }
0xe7: {  	s20 =	simm.s32 $0x3C00  }
0xe8: {  	[tilespmem:s20], [sflag:$0x2] =	stream.indirect_vreg.gather [hbm4b:s14+s11], $0x80, v3, vm0, $0xb8;
	[tilespmem:$0x18400] =	vst v63  }
0xe9: {  	v3 =	vld [tilespmem:$0x300];
	_ =	sdelay $0x4  }
0xea: {  	v63 =	vshll.u32 v3, $0x3  }
0xeb: {  	v3 =	vand.u32 $0x7, v3;
	v4 =	vand.u32 $0xFFFFFFC0, v63  }
0xec: {  	v3 =	vor.u32 v3, v4  }
0xed: {  	v4 =	vperm.xlane v3, v0;
	_ =	sdelay $0x1  }
0xee: {  	v4 =	vadd.s32 v1, v4;
	_ =	sdelay $0x3  }
0xef: {  	s21 =	simm.s32 $0x8400  }
0xf0: {  	[tilespmem:s21], [sflag:$0x2] =	stream.indirect_vreg.gather [hbm4b:s3+s11], $0x80, v4, vm0, $0xb8;
	[tilespmem:$0x18400] =	vst v63  }
0xf1: {  	s22 =	simm.s32 $0x8C00;
	v3 =	vperm.xlane v3, v2  }
0xf2: {  	[tilespmem:s22], [sflag:$0x2] =	stream.indirect_vreg.gather [hbm4b:s12+s11], $0x80, v4, vm0, $0xb8;
	[tilespmem:$0x18400] =	vst v63  }
0xf3: {  	s23 =	simm.s32 $0x9400;
	v3 =	vadd.s32 v1, v3  }
0xf4: {  	[tilespmem:s23], [sflag:$0x2] =	stream.indirect_vreg.gather [hbm4b:s13+s11], $0x80, v4, vm0, $0xb8;
	[tilespmem:$0x18400] =	vst v63  }
0xf5: {  	s18 =	simm.s32 $0x9C00  }
0xf6: {  	[tilespmem:s18], [sflag:$0x2] =	stream.indirect_vreg.gather [hbm4b:s14+s11], $0x80, v4, vm0, $0xb8;
	[tilespmem:$0x18400] =	vst v63  }
0xf7: {  	s19 =	simm.s32 $0xA400  }
0xf8: {  	[tilespmem:s19], [sflag:$0x2] =	stream.indirect_vreg.gather [hbm4b:s3+s11], $0x80, v3, vm0, $0xb8;
	[tilespmem:$0x18400] =	vst v63  }
0xf9: {  	s20 =	simm.s32 $0xAC00  }
0xfa: {  	[tilespmem:s20], [sflag:$0x2] =	stream.indirect_vreg.gather [hbm4b:s12+s11], $0x80, v3, vm0, $0xb8;
	[tilespmem:$0x18400] =	vst v63  }
0xfb: {  	s21 =	simm.s32 $0xB400  }
0xfc: {  	[tilespmem:s21], [sflag:$0x2] =	stream.indirect_vreg.gather [hbm4b:s13+s11], $0x80, v3, vm0, $0xb8;
	[tilespmem:$0x18400] =	vst v63  }
0xfd: {  	s22 =	simm.s32 $0xBC00  }
0xfe: {  	[tilespmem:s22], [sflag:$0x2] =	stream.indirect_vreg.gather [hbm4b:s14+s11], $0x80, v3, vm0, $0xb8;
	[tilespmem:$0x18400] =	vst v63  }
0xff: {  	s15 =	simm.s32 $0x0;
	s23 =	rddreg [dreg:$0xe];
	s18 =	simm.s32 $0x10400  }
0x100: {  	[tilespmem:s18], [sflag:$0x2] =	stream.linear.gather [hbm4b:s23+s11], $0x4000, $0x38;
	[tilespmem:$0x18400] =	vst v63  }
.LBB2_6:
0x101: {  	s18 =	sshll.u32 s15, $0xA;
	s19 =	sshll.u32 s15, $0x7  }
0x102: {  	s18 =	sand.u32 $0x2000, s18;
	s19 =	sand.u32 $0x380, s19  }
0x103: {  	s23 =	sand.u32 $0x1C00, s11;
	s18 =	sor.u32 s18, s19  }
0x104: {  	s20 =	sand.u32 $0x70, s11;
	s19 =	sor.u32 s23, s18  }
0x105: {  	s19 =	sor.u32 s20, s19  }
0x106: {  	v3 =	vld [tilespmem:s19+$0xC400]  }
0x107: {  	v4 =	vld [tilespmem:s19+$0x4400];
	_ =	sdelay $0x1  }
0x108: {  	v5 =	vld [tilespmem:s19+$0x14400];
	_ =	sdelay $0x2  }
0x109: {  	s20 =	simm.s32 $0x80;
	v3 =	vadd.f32 v3, v4  }
0x10a: {  	s21 =	simm.s32 $0x10;
	s23 =	sand.u32 $0x1C00, s20  }
0x10b: {  	s22 =	sand.u32 $0x70, s21;
	s21 =	simm.s32 $0x20;
	s23 =	sor.u32 s23, s18;
	v3 =	vadd.f32 v5, v3  }
.LBB2_7:
0x10c: {  	p0 =	sne.s32 s21, $0x3F0;
	s22 =	sor.u32 s22, s23  }
0x10d: {  	v4 =	vld [tilespmem:s22+$0xC400];
	[tilespmem:s19+$0x4400] =	vst v3;
	s19 =	smov.u32 s22  }
0x10e: {  	v3 =	vld [tilespmem:s19+$0x4400];
	_ =	sdelay $0x1  }
0x10f: {  	v5 =	vld [tilespmem:s19+$0x14400]  }
.Ltmp2:
0x110: {  	(pc) =	sbr.rel @p0 .LBB2_7-.Ltmp2, $4  }
0x111: {  	_ = 	snop  }
0x112: {  	s20 =	sadd.s32 $0x80, s20;
	v3 =	vadd.f32 v4, v3  }
0x113: {  	s23 =	sand.u32 $0x1C00, s20  }
0x114: {  	s22 =	sand.u32 $0x70, s21;
	s21 =	sadd.s32 $0x10, s21;
	s23 =	sor.u32 s23, s18;
	v3 =	vadd.f32 v5, v3  }
0x115: {  	s18 =	sor.u32 s22, s23  }
0x116: {  	v4 =	vld [tilespmem:s18+$0xC400];
	[tilespmem:s19+$0x4400] =	vst v3  }
0x117: {  	v3 =	vld [tilespmem:s18+$0x4400];
	_ =	sdelay $0x1  }
0x118: {  	v5 =	vld [tilespmem:s18+$0x14400]  }
0x119: {  	s15 =	sadd.s32 $0x1, s15  }
0x11a: {  	p0 =	sne.s32 s15, $0x10  }
.Ltmp3:
0x11b: {  	v3 =	vadd.f32 v4, v3;
	(pc) =	sbr.rel @p0 .LBB2_6-.Ltmp3, $3  }
0x11c: {  	_ = 	snop  }
0x11d: {  	v3 =	vadd.f32 v5, v3;
	_ =	sdelay $0x1  }
0x11e: {  	[tilespmem:s18+$0x4400] =	vst v3  }
0x11f: {  	s11 =	simm.s32 $0x0;
	s15 =	rddreg [dreg:$0xf]  }
0x120: {  	[hbm4b:s15+s11] =	stream.linear.scatter [tilespmem:s17], [sflag:$0x5], $0x4000, $0x38;
	[tilespmem:$0x18400] =	vst v63  }
0x121: {  	_ =	swait.ge [sflag:s16], $0x4000  }
0x122: {  	[sflag:s16] =	ssyncset.done $0x0  }
0x123: {  	[sflag:s16] =	ssyncadd.s32 $0xFFFFC000  }
0x124: {  	_ =	swait.ge [sflag:s16], $0x4000  }
0x125: {  	[sflag:s16] =	ssyncset.done $0x0  }
0x126: {  	[sflag:s16] =	ssyncadd.s32 $0xFFFFC000  }
0x127: {  	_ =	swait.ge [sflag:s16], $0x4000  }
0x128: {  	[sflag:s16] =	ssyncset.done $0x0  }
0x129: {  	[sflag:s16] =	ssyncadd.s32 $0xFFFFC000  }
0x12a: {  	_ =	swait.ge [sflag:s9], $0x4000  }
0x12b: {  	[sflag:s9] =	ssyncset.done $0x0  }
0x12c: {  	[sflag:s9] =	ssyncadd.s32 $0xFFFFC000  }
0x12d: {  	v3 =	vld [tilespmem:$0x180];
	_ =	sdelay $0x4  }
0x12e: {  	v4 =	vshll.u32 v3, $0x3  }
0x12f: {  	v3 =	vand.u32 $0x7, v3;
	v4 =	vand.u32 $0xFFFFFFC0, v4  }
0x130: {  	v3 =	vor.u32 v3, v4  }
0x131: {  	v4 =	vperm.xlane v3, v0;
	_ =	sdelay $0x1  }
0x132: {  	v4 =	vadd.s32 v1, v4;
	_ =	sdelay $0x4  }
0x133: {  	[tilespmem:s17], [sflag:$0x3] =	stream.indirect_vreg.gather [hbm4b:s3+s11], $0x80, v4, vm0, $0xb8;
	[tilespmem:$0x18400] =	vst v63  }
0x134: {  	s23 =	simm.s32 $0x4C00;
	v3 =	vperm.xlane v3, v2  }
0x135: {  	[tilespmem:s23], [sflag:$0x3] =	stream.indirect_vreg.gather [hbm4b:s12+s11], $0x80, v4, vm0, $0xb8;
	[tilespmem:$0x18400] =	vst v63  }
0x136: {  	s18 =	simm.s32 $0x5400;
	v3 =	vadd.s32 v1, v3  }
0x137: {  	[tilespmem:s18], [sflag:$0x3] =	stream.indirect_vreg.gather [hbm4b:s13+s11], $0x80, v4, vm0, $0xb8;
	[tilespmem:$0x18400] =	vst v63  }
0x138: {  	s19 =	simm.s32 $0x5C00  }
0x139: {  	[tilespmem:s19], [sflag:$0x3] =	stream.indirect_vreg.gather [hbm4b:s14+s11], $0x80, v4, vm0, $0xb8;
	[tilespmem:$0x18400] =	vst v63  }
0x13a: {  	s20 =	simm.s32 $0x6400  }
0x13b: {  	[tilespmem:s20], [sflag:$0x3] =	stream.indirect_vreg.gather [hbm4b:s3+s11], $0x80, v3, vm0, $0xb8;
	[tilespmem:$0x18400] =	vst v63  }
0x13c: {  	s21 =	simm.s32 $0x6C00  }
0x13d: {  	[tilespmem:s21], [sflag:$0x3] =	stream.indirect_vreg.gather [hbm4b:s12+s11], $0x80, v3, vm0, $0xb8;
	[tilespmem:$0x18400] =	vst v63  }
0x13e: {  	s22 =	simm.s32 $0x7400  }
0x13f: {  	[tilespmem:s22], [sflag:$0x3] =	stream.indirect_vreg.gather [hbm4b:s13+s11], $0x80, v3, vm0, $0xb8;
	[tilespmem:$0x18400] =	vst v63  }
0x140: {  	_ = 	snop  }
0x141: {  	[tilespmem:s24], [sflag:$0x3] =	stream.indirect_vreg.gather [hbm4b:s14+s11], $0x80, v3, vm0, $0xb8;
	[tilespmem:$0x18400] =	vst v63  }
0x142: {  	v3 =	vld [tilespmem:$0x380];
	_ =	sdelay $0x4  }
0x143: {  	v63 =	vshll.u32 v3, $0x3  }
0x144: {  	v3 =	vand.u32 $0x7, v3;
	v4 =	vand.u32 $0xFFFFFFC0, v63  }
0x145: {  	v3 =	vor.u32 v3, v4  }
0x146: {  	v4 =	vperm.xlane v3, v0;
	_ =	sdelay $0x1  }
0x147: {  	v4 =	vadd.s32 v1, v4;
	_ =	sdelay $0x4  }
0x148: {  	[tilespmem:s25], [sflag:$0x3] =	stream.indirect_vreg.gather [hbm4b:s3+s11], $0x80, v4, vm0, $0xb8;
	[tilespmem:$0x18400] =	vst v63  }
0x149: {  	v3 =	vperm.xlane v3, v2  }
0x14a: {  	[tilespmem:s26], [sflag:$0x3] =	stream.indirect_vreg.gather [hbm4b:s12+s11], $0x80, v4, vm0, $0xb8;
	[tilespmem:$0x18400] =	vst v63  }
0x14b: {  	v3 =	vadd.s32 v1, v3  }
0x14c: {  	[tilespmem:s28], [sflag:$0x3] =	stream.indirect_vreg.gather [hbm4b:s13+s11], $0x80, v4, vm0, $0xb8;
	[tilespmem:$0x18400] =	vst v63  }
0x14d: {  	_ = 	snop  }
0x14e: {  	[tilespmem:s29], [sflag:$0x3] =	stream.indirect_vreg.gather [hbm4b:s14+s11], $0x80, v4, vm0, $0xb8;
	[tilespmem:$0x18400] =	vst v63  }
0x14f: {  	_ = 	snop  }
0x150: {  	[tilespmem:s30], [sflag:$0x3] =	stream.indirect_vreg.gather [hbm4b:s3+s11], $0x80, v3, vm0, $0xb8;
	[tilespmem:$0x18400] =	vst v63  }
0x151: {  	_ = 	snop  }
0x152: {  	[tilespmem:s31], [sflag:$0x3] =	stream.indirect_vreg.gather [hbm4b:s12+s11], $0x80, v3, vm0, $0xb8;
	[tilespmem:$0x18400] =	vst v63  }
0x153: {  	_ = 	snop  }
0x154: {  	[tilespmem:s4], [sflag:$0x3] =	stream.indirect_vreg.gather [hbm4b:s13+s11], $0x80, v3, vm0, $0xb8;
	[tilespmem:$0x18400] =	vst v63  }
0x155: {  	_ = 	snop  }
0x156: {  	[tilespmem:s5], [sflag:$0x3] =	stream.indirect_vreg.gather [hbm4b:s14+s11], $0x80, v3, vm0, $0xb8;
	[tilespmem:$0x18400] =	vst v63  }
0x157: {  	s15 =	simm.s32 $0x0;
	s23 =	rddreg [dreg:$0x10]  }
0x158: {  	[tilespmem:s6], [sflag:$0x3] =	stream.linear.gather [hbm4b:s23+s11], $0x4000, $0x38;
	[tilespmem:$0x18400] =	vst v63  }
.LBB2_10:
0x159: {  	s18 =	sshll.u32 s15, $0xA;
	s19 =	sshll.u32 s15, $0x7  }
0x15a: {  	s18 =	sand.u32 $0x2000, s18;
	s19 =	sand.u32 $0x380, s19  }
0x15b: {  	s23 =	sand.u32 $0x1C00, s11;
	s18 =	sor.u32 s18, s19  }
0x15c: {  	s20 =	sand.u32 $0x70, s11;
	s19 =	sor.u32 s23, s18  }
0x15d: {  	s19 =	sor.u32 s20, s19  }
0x15e: {  	v3 =	vld [tilespmem:s19+$0x8400]  }
0x15f: {  	v4 =	vld [tilespmem:s19+$0x400];
	_ =	sdelay $0x1  }
0x160: {  	v5 =	vld [tilespmem:s19+$0x10400];
	_ =	sdelay $0x2  }
0x161: {  	s20 =	simm.s32 $0x80;
	v3 =	vadd.f32 v3, v4  }
0x162: {  	s21 =	simm.s32 $0x10;
	s23 =	sand.u32 $0x1C00, s20  }
0x163: {  	s22 =	sand.u32 $0x70, s21;
	s21 =	simm.s32 $0x20;
	s23 =	sor.u32 s23, s18;
	v3 =	vadd.f32 v5, v3  }
.LBB2_11:
0x164: {  	p0 =	sne.s32 s21, $0x3F0;
	s22 =	sor.u32 s22, s23  }
0x165: {  	v4 =	vld [tilespmem:s22+$0x8400];
	[tilespmem:s19+$0x400] =	vst v3;
	s19 =	smov.u32 s22  }
0x166: {  	v3 =	vld [tilespmem:s19+$0x400];
	_ =	sdelay $0x1  }
0x167: {  	v5 =	vld [tilespmem:s19+$0x10400]  }
.Ltmp4:
0x168: {  	(pc) =	sbr.rel @p0 .LBB2_11-.Ltmp4, $4  }
0x169: {  	_ = 	snop  }
0x16a: {  	s20 =	sadd.s32 $0x80, s20;
	v3 =	vadd.f32 v4, v3  }
0x16b: {  	s23 =	sand.u32 $0x1C00, s20  }
0x16c: {  	s22 =	sand.u32 $0x70, s21;
	s21 =	sadd.s32 $0x10, s21;
	s23 =	sor.u32 s23, s18;
	v3 =	vadd.f32 v5, v3  }
0x16d: {  	s18 =	sor.u32 s22, s23  }
0x16e: {  	v4 =	vld [tilespmem:s18+$0x8400];
	[tilespmem:s19+$0x400] =	vst v3  }
0x16f: {  	v3 =	vld [tilespmem:s18+$0x400];
	_ =	sdelay $0x1  }
0x170: {  	v5 =	vld [tilespmem:s18+$0x10400]  }
0x171: {  	s15 =	sadd.s32 $0x1, s15  }
0x172: {  	p0 =	sne.s32 s15, $0x10  }
.Ltmp5:
0x173: {  	v3 =	vadd.f32 v4, v3;
	(pc) =	sbr.rel @p0 .LBB2_10-.Ltmp5, $3  }
0x174: {  	_ = 	snop  }
0x175: {  	v3 =	vadd.f32 v5, v3;
	_ =	sdelay $0x1  }
0x176: {  	[tilespmem:s18+$0x400] =	vst v3  }
0x177: {  	s11 =	simm.s32 $0x0;
	s15 =	rddreg [dreg:$0x11]  }
0x178: {  	[hbm4b:s15+s11] =	stream.linear.scatter [tilespmem:s1], [sflag:$0x4], $0x4000, $0x38;
	[tilespmem:$0x18400] =	vst v63  }
0x179: {  	_ =	swait.ge [sflag:s7], $0x4000  }
0x17a: {  	[sflag:s7] =	ssyncset.done $0x0  }
0x17b: {  	[sflag:s7] =	ssyncadd.s32 $0xFFFFC000  }
0x17c: {  	_ =	swait.ge [sflag:s7], $0x4000  }
0x17d: {  	[sflag:s7] =	ssyncset.done $0x0  }
0x17e: {  	[sflag:s7] =	ssyncadd.s32 $0xFFFFC000  }
0x17f: {  	_ =	swait.ge [sflag:s7], $0x4000  }
0x180: {  	[sflag:s7] =	ssyncset.done $0x0  }
0x181: {  	s15 =	simm.s32 $0x0;
	[sflag:s7] =	ssyncadd.s32 $0xFFFFC000  }
.LBB2_14:
0x182: {  	s18 =	sshll.u32 s15, $0xA;
	s19 =	sshll.u32 s15, $0x7  }
0x183: {  	s18 =	sand.u32 $0x2000, s18;
	s19 =	sand.u32 $0x380, s19  }
0x184: {  	s23 =	sand.u32 $0x1C00, s11;
	s18 =	sor.u32 s18, s19  }
0x185: {  	s20 =	sand.u32 $0x70, s11;
	s19 =	sor.u32 s23, s18  }
0x186: {  	s19 =	sor.u32 s20, s19  }
0x187: {  	v3 =	vld [tilespmem:s19+$0xC400]  }
0x188: {  	v4 =	vld [tilespmem:s19+$0x4400];
	_ =	sdelay $0x1  }
0x189: {  	v5 =	vld [tilespmem:s19+$0x14400];
	_ =	sdelay $0x2  }
0x18a: {  	s20 =	simm.s32 $0x80;
	v3 =	vadd.f32 v3, v4  }
0x18b: {  	s21 =	simm.s32 $0x10;
	s23 =	sand.u32 $0x1C00, s20  }
0x18c: {  	s22 =	sand.u32 $0x70, s21;
	s21 =	simm.s32 $0x20;
	s23 =	sor.u32 s23, s18;
	v3 =	vadd.f32 v5, v3  }
.LBB2_15:
0x18d: {  	p0 =	sne.s32 s21, $0x3F0;
	s22 =	sor.u32 s22, s23  }
0x18e: {  	v4 =	vld [tilespmem:s22+$0xC400];
	[tilespmem:s19+$0x4400] =	vst v3;
	s19 =	smov.u32 s22  }
0x18f: {  	v3 =	vld [tilespmem:s19+$0x4400];
	_ =	sdelay $0x1  }
0x190: {  	v5 =	vld [tilespmem:s19+$0x14400]  }
.Ltmp6:
0x191: {  	(pc) =	sbr.rel @p0 .LBB2_15-.Ltmp6, $4  }
0x192: {  	_ = 	snop  }
0x193: {  	s20 =	sadd.s32 $0x80, s20;
	v3 =	vadd.f32 v4, v3  }
0x194: {  	s23 =	sand.u32 $0x1C00, s20  }
0x195: {  	s22 =	sand.u32 $0x70, s21;
	s21 =	sadd.s32 $0x10, s21;
	s23 =	sor.u32 s23, s18;
	v3 =	vadd.f32 v5, v3  }
0x196: {  	s18 =	sor.u32 s22, s23  }
0x197: {  	v4 =	vld [tilespmem:s18+$0xC400];
	[tilespmem:s19+$0x4400] =	vst v3  }
0x198: {  	v3 =	vld [tilespmem:s18+$0x4400];
	_ =	sdelay $0x1  }
0x199: {  	v5 =	vld [tilespmem:s18+$0x14400]  }
0x19a: {  	s15 =	sadd.s32 $0x1, s15  }
0x19b: {  	p0 =	sne.s32 s15, $0x10  }
.Ltmp7:
0x19c: {  	v3 =	vadd.f32 v4, v3;
	(pc) =	sbr.rel @p0 .LBB2_14-.Ltmp7, $3  }
0x19d: {  	_ = 	snop  }
0x19e: {  	v3 =	vadd.f32 v5, v3;
	_ =	sdelay $0x1  }
0x19f: {  	[tilespmem:s18+$0x4400] =	vst v3  }
0x1a0: {  	s11 =	rddreg [dreg:$0x12]  }
0x1a1: {  	[hbm4b:s11+s2] =	stream.linear.scatter [tilespmem:s17], [sflag:$0x5], $0x4000, $0x38;
	[tilespmem:$0x18400] =	vst v63  }
0x1a2: {  	_ =	swait.ge [sflag:s8], $0x4000  }
0x1a3: {  	[sflag:s8] =	ssyncset.done $0x0  }
0x1a4: {  	[sflag:s8] =	ssyncadd.s32 $0xFFFFC000  }
0x1a5: {  	_ =	swait.ge [sflag:s9], $0x4000  }
0x1a6: {  	s10 =	sadd.s32 $0x1, s10;
	s23 =	rddreg [dreg:$0x13]  }
0x1a7: {  	p0 =	sne.s32 s10, s23  }
.Ltmp8:
0x1a8: {  	_ = 	snop;
	(pc) =	sbr.rel @p0 .LBB2_1-.Ltmp8, $3  }
0x1a9: {  	_ =	sdelay $0x1  }
0x1aa: {  	[sflag:s9] =	ssyncset.done $0x0  }
0x1ab: {  	[sflag:s9] =	ssyncadd.s32 $0xFFFFC000;
	s23 =	simm.s32 $0xC00  }
0x1ac: {  	_ =	sfence.sel $0x180000  }
0x1ad: {  	[bflag:$0x0] =	sbarrier.arrive $0xFFFF  }
0x1ae: {  	_ =	strace $0x9000004A  }
0x1af: {  	s0 =	stileid.u32;
	[bflag:$0x2] =	sbarrier.arrive $0xFFFF  }
0x1b0: {  	p0 =	sne.s32 s0, $0x0;
	s0 =	rddreg [dreg:$0x2]  }
0x1b1: {  	s0 =	sadd.s32 @!p0 $0x100000, s0  }
0x1b2: {  	[sflag:s0] =	ssyncadd.tile.s32 @!p0 $0x1;
	_ =	shalt  }
.Lfunc_end2:
_tile_overlayer_lowered:
.L_overlay_start_2:
0x1b3: {  	(tag) =	ssettag $0x2  }
0x1b4: {  	s0 =	rddreg [dreg:$0x0];
	s2 =	stileid.u32  }
0x1b5: {  	s1 =	rddreg [dreg:$0x1];
	p0 =	sne.s32 s2, $0x0  }
0x1b6: {  	s3 =	rddreg [dreg:$0x2];
	[bflag:$0x3] =	sbarrier.arrive $0xFFFF;
	s2 =	simm.s32 @!p0 $0x1C06  }
0x1b7: {  	[timem:s3], [sflag:s2] =	dma.local @!p0 [hbm:s0], s1  }
0x1b8: {  	s0 =	simm.s32 @!p0 $0x6  }
0x1b9: {  	_ =	swait.ge @!p0 [sflag:s0], s1  }
0x1ba: {  	s1 =	ssub.s32 @!p0 $0x0, s1;
	[sflag:s0] =	ssyncset.done @!p0 $0x0  }
0x1bb: {  	[sflag:s0] =	ssyncadd.s32 @!p0 s1  }
0x1bc: {  	[bflag:$0x3] =	sbarrier.arrive $0xFFFF  }
0x1bd: {  	_ =	shalt  }

// kernel: kernel.7.cloned.1.call-start
scs
__scs_entry_jumppad:
0x0: {  	(pc) =	sbr.rel $0x88, $3  }
0x1: {  	(tag) =	ssettag $0x0;
	lr =	simm.s32 $0x1  }
0x2: {  	[smem:$0x3F9A] =	sst lr;
	_ =	strace $0xD0000000  }
0x3: {  	_ = 	snop  }
0x4: {  	_ = 	snop  }
0x5: {  	_ = 	snop  }
0x6: {  	_ = 	snop  }
0x7: {  	_ = 	snop  }
__scs_overlays_trampoline_lowered:
0x8: {  	[smem:$0x3FA9] =	sst s0  }
0x9: {  	[smem:$0x3FAA] =	sst s1  }
0xa: {  	[smem:$0x3FAB] =	sst s2  }
0xb: {  	[smem:$0x3FAC] =	sst s3  }
0xc: {  	[smem:$0x3FAD] =	sst s4  }
0xd: {  	[smem:$0x3FAE] =	sst s5  }
0xe: {  	[smem:$0x3FAF] =	sst s6  }
0xf: {  	[smem:$0x3FB0] =	sst s7  }
0x10: {  	[smem:$0x3FB1] =	sst s8  }
0x11: {  	[smem:$0x3FB2] =	sst s9;
	s0 =	simm.s32 @!p0 $0x0  }
0x12: {  	s1 =	sld [smem:$0x3F98];
	s0 =	simm.s32 @p0 $0x1  }
0x13: {  	[smem:$0x3FB3] =	sst s0;
	s0 =	simm.s32 @!p1 $0x0  }
0x14: {  	s2 =	sld [smem:$0x3F97];
	s0 =	simm.s32 @p1 $0x1  }
0x15: {  	[smem:$0x3FB4] =	sst s0;
	s0 =	simm.s32 @!p2 $0x0  }
0x16: {  	s3 =	sld [smem:$0x3FDB];
	s0 =	simm.s32 @p2 $0x1  }
0x17: {  	s4 =	simm.s32 $0x1BF5;
	[smem:$0x3FB6] =	sst s0  }
0x18: {  	s0 =	sld [smem:$0x3F99];
	_ =	swait.ge [sflag:s4], $0x0  }
0x19: {  	s7 =	sld [smem:$0x3F9A]  }
0x1a: {  	s8 =	sadd.s32 $0xFFFFE003, lr  }
0x1b: {  	s9 =	sadd.s32 $0xFFFFFEF7, lr;
	s5 =	simm.s32 $0xFFFFFFFF;
	p2 =	slt.u32 s8, $0xFFFFF086  }
0x1c: {  	p1 =	slt.u32 s9, $0xF7A;
	s5 =	simm.s32 @!p2 $0x0  }
0x1d: {  	s5 =	simm.s32 @p1 $0x1;
	p0 =	seq.s32 s7, s2  }
0x1e: {  	s7 =	smul.u32 @!p0 $0xF7A, s2;
	p2 =	seq.s32 @!p0 s5, $0x0  }
0x1f: {  	s9 =	smul.u32 $0xF7A, s1;
	s8 =	simm.s32 @!p0 $0x1BF5;
	p2 =	por !p2, p0  }
0x20: {  	[sflag:s8] =	ssyncset.s32 @!p0 $0xFFFFF086;
	s6 =	sadd.s32 @!p0 s3, s7;
	s7 =	simm.s32 @!p0 $0x108  }
0x21: {  	s3 =	sadd.s32 s3, s9;
	s6 =	sadd.s32 @!p0 $0x88, s6;
	s7 =	simm.s32 @p2 $0x1082  }
0x22: {  	[simem:s7], [sflag:s8] =	dma.local @!p0 [hbm:s6], $0xF7A  }
0x23: {  	s9 =	sor.u32 $0xD0000000, s2;
	s6 =	simm.s32 $0x108;
	_ =	swait.ge @!p0 [sflag:s8], $0x0  }
0x24: {  	s3 =	sadd.s32 $0x88, s3;
	s6 =	simm.s32 @!p1 $0x1082;
	[sflag:s4] =	ssyncset.s32 $0xFFFFF086  }
0x25: {  	[simem:s6], [sflag:s4] =	dma.local [hbm:s3], $0xF7A  }
0x26: {  	[smem:$0x3F9A] =	sst s1;
	(tag) =	ssettag s2;
	_ =	strace s9  }
0x27: {  	s1 =	sld [smem:$0x3FAA]  }
0x28: {  	s2 =	sld [smem:$0x3FAB]  }
0x29: {  	s4 =	sld [smem:$0x3FAD]  }
0x2a: {  	p0 =	seq.s32 s5, $0x0;
	s5 =	sld [smem:$0x3FAE]  }
0x2b: {  	s6 =	sld [smem:$0x3FAF]  }
0x2c: {  	s7 =	sld [smem:$0x3FB0]  }
0x2d: {  	s3 =	simm.s32 $0x108;
	s8 =	sld [smem:$0x3FB1]  }
0x2e: {  	s3 =	simm.s32 @!p0 $0x1082;
	s9 =	sld [smem:$0x3FB2]  }
0x2f: {  	lr =	sadd.s32 s0, s3;
	s0 =	sld [smem:$0x3FA9]  }
0x30: {  	s3 =	sld [smem:$0x3FAC]  }
0x31: {  	[smem:$0x3FB5] =	sst s10  }
0x32: {  	s10 =	sld [smem:$0x3FB3];
	_ =	sdelay $0x3  }
0x33: {  	p0 =	seq.s32 s10, $0x1;
	s10 =	sld [smem:$0x3FB5];
	_ =	sdelay $0x3  }
0x34: {  	[smem:$0x3FB5] =	sst s10  }
0x35: {  	s10 =	sld [smem:$0x3FB4];
	_ =	sdelay $0x3  }
0x36: {  	p1 =	seq.s32 s10, $0x1;
	s10 =	sld [smem:$0x3FB5];
	_ =	sdelay $0x3  }
0x37: {  	[smem:$0x3FB5] =	sst s10  }
0x38: {  	s10 =	sld [smem:$0x3FB6]  }
0x39: {  	_ = 	snop;
	(pc) =	sbr.ind lr, $3  }
0x3a: {  	_ = 	snop  }
0x3b: {  	_ = 	snop  }
0x3c: {  	p2 =	seq.s32 s10, $0x1;
	s10 =	sld [smem:$0x3FB5]  }
0x3d: {  	_ =	shalt  }
0x3e: {  	_ =	shalt  }
0x3f: {  	_ =	shalt  }
0x40: {  	_ =	shalt  }
0x41: {  	_ =	shalt  }
0x42: {  	_ =	shalt  }
0x43: {  	_ =	shalt  }
0x44: {  	_ =	shalt  }
0x45: {  	_ =	shalt  }
0x46: {  	_ =	shalt  }
0x47: {  	_ =	shalt  }
0x48: {  	_ =	shalt  }
0x49: {  	_ =	shalt  }
0x4a: {  	_ =	shalt  }
0x4b: {  	_ =	shalt  }
0x4c: {  	_ =	shalt  }
0x4d: {  	_ =	shalt  }
0x4e: {  	_ =	shalt  }
0x4f: {  	_ =	shalt  }
0x50: {  	_ =	shalt  }
0x51: {  	_ =	shalt  }
0x52: {  	_ =	shalt  }
0x53: {  	_ =	shalt  }
0x54: {  	_ =	shalt  }
0x55: {  	_ =	shalt  }
0x56: {  	_ =	shalt  }
0x57: {  	_ =	shalt  }
0x58: {  	_ =	shalt  }
0x59: {  	_ =	shalt  }
0x5a: {  	_ =	shalt  }
0x5b: {  	_ =	shalt  }
0x5c: {  	_ =	shalt  }
0x5d: {  	_ =	shalt  }
0x5e: {  	_ =	shalt  }
0x5f: {  	_ =	shalt  }
0x60: {  	_ =	shalt  }
0x61: {  	_ =	shalt  }
0x62: {  	_ =	shalt  }
0x63: {  	_ =	shalt  }
0x64: {  	_ =	shalt  }
0x65: {  	_ =	shalt  }
0x66: {  	_ =	shalt  }
0x67: {  	_ =	shalt  }
0x68: {  	_ =	shalt  }
0x69: {  	_ =	shalt  }
0x6a: {  	_ =	shalt  }
0x6b: {  	_ =	shalt  }
0x6c: {  	_ =	shalt  }
0x6d: {  	_ =	shalt  }
0x6e: {  	_ =	shalt  }
0x6f: {  	_ =	shalt  }
0x70: {  	_ =	shalt  }
0x71: {  	_ =	shalt  }
0x72: {  	_ =	shalt  }
0x73: {  	_ =	shalt  }
0x74: {  	_ =	shalt  }
0x75: {  	_ =	shalt  }
0x76: {  	_ =	shalt  }
0x77: {  	_ =	shalt  }
0x78: {  	_ =	shalt  }
0x79: {  	_ =	shalt  }
0x7a: {  	_ =	shalt  }
0x7b: {  	_ =	shalt  }
0x7c: {  	_ =	shalt  }
0x7d: {  	_ =	shalt  }
0x7e: {  	_ =	shalt  }
0x7f: {  	_ =	shalt  }
0x80: {  	_ =	shalt  }
0x81: {  	_ =	shalt  }
0x82: {  	_ =	shalt  }
0x83: {  	_ =	shalt  }
0x84: {  	_ =	shalt  }
0x85: {  	_ =	shalt  }
0x86: {  	_ =	shalt  }
0x87: {  	_ =	shalt  }
.Lfunc_end0:
.L_simem_size_0:
called_computation_lowered:
.L_overlay_start_0:
0x88: {  	s2 =	sld [smem:$0x3FD9]  }
0x89: {  	s3 =	sld [smem:$0x3FFE];
	_ =	sdelay $0x1  }
0x8a: {  	s1 =	srdreg.scid  }
0x8b: {  	s0 =	sand.u32 $0x1, s1  }
0x8c: {  	s17 =	sshll.u32 s0, $0xA;
	s2 =	sadd.s32 s3, s2  }
0x8d: {  	s2 =	sadd.s32 s2, s17  }
0x8e: {  	[smem:$0x3FC1] =	sst s2  }
0x8f: {  	_ = 	snop  }
0x90: {  	s2 =	sld [smem:$0x3FC9]  }
0x91: {  	s18 =	sld [smem:$0x3FD0];
	(tm) =	ssettm $0x1  }
0x92: {  	s4 =	sld [smem:$0x3FFB];
	_ =	sdelay $0x3  }
0x93: {  	_ =	strace s4  }
0x94: {  	s4 =	sld [smem:$0x3FFC];
	_ =	sdelay $0x3  }
0x95: {  	_ =	strace s4  }
0x96: {  	s4 =	sld [smem:$0x3FFD];
	_ =	sdelay $0x3  }
0x97: {  	_ =	strace s4  }
0x98: {  	_ =	strace $0x8FFFFFFF  }
0x99: {  	s19 =	sld [smem:$0x3FDB];
	_ =	sdelay $0x1  }
0x9a: {  	s5 =	simm.s32 $_scs_section_size  }
0x9b: {  	s6 =	simm.s32 $_size__tile_overlayer_lowered;
	s7 =	simm.s32 $_tile_overlayer_lowered  }
0x9c: {  	s22 =	simm.s32 $0x1BFF;
	s21 =	sshll.u32 s7, $0x1;
	s4 =	sadd.s32 s5, s19  }
0x9d: {  	s8 =	simm.s32 $0x0;
	s20 =	sshll.u32 s6, $0x1;
	s6 =	sadd.s32 s21, s4  }
0x9e: {  	[timem:s8], [sflag:s22] =	dma.local [hbm:s6], s20  }
0x9f: {  	_ =	swait.ge [sflag:s22], s20  }
0xa0: {  	s5 =	ssub.s32 $0x0, s20;
	[sflag:s22] =	ssyncset.done $0x0  }
0xa1: {  	[sflag:s22] =	ssyncadd.s32 s5;
	_ =	sdelay $0x1  }
0xa2: {  	s23 =	simm.s32 $0x1B8B  }
0xa3: {  	_ =	swait.ge [sflag:s23], $0x1  }
0xa4: {  	[sflag:s23] =	ssyncset.done $0x0  }
0xa5: {  	s25 =	simm.s32 $0x1B8E;
	s24 =	sld [smem:$0x3FFE];
	[sflag:s23] =	ssyncadd.s32 $0xFFFFFFFF  }
0xa6: {  	s26 =	simm.s32 $execute0_lowered;
	[smem:$0x3FD2] =	sst s25  }
0xa7: {  	s6 =	sshll.u32 s26, $0x1;
	_ =	strace $0x80000046;
	[dreg:$0x1] =	wrdreg $0xFFFFFFFF  }
0xa8: {  	s28 =	simm.s32 $_size_execute0_lowered;
	s4 =	sadd.s32 s4, s6;
	[dreg:$0x0] =	wrdreg $0x0  }
0xa9: {  	s6 =	sshll.u32 s28, $0x1;
	[dreg:$0x2] =	wrdreg s4  }
0xaa: {  	[dreg:$0x3] =	wrdreg s6  }
0xab: {  	[dreg:$0x4] =	wrdreg $0xC0  }
0xac: {  	_ =	task [dreg:s8], $0x5FFFF  }
0xad: {  	[dreg:$0x1] =	wrdreg $0xFFFFFFFF  }
0xae: {  	[dreg:$0x0] =	wrdreg $0x60  }
0xaf: {  	[dreg:$0x2] =	wrdreg s2  }
0xb0: {  	[dreg:$0x3] =	wrdreg s24  }
0xb1: {  	[dreg:$0x4] =	wrdreg s18  }
0xb2: {  	[dreg:$0x5] =	wrdreg $0x9  }
0xb3: {  	_ =	task.clear_ibuf [dreg:s8], $0x6FFFF;
	_ =	strace $0x90000046  }
0xb4: {  	s29 =	simm.s32 $0x9;
	_ =	strace $0x80000048  }
0xb5: {  	_ =	swait.ge [sflag:s29], $0x1  }
0xb6: {  	[sflag:s29] =	ssyncadd.s32 $0xFFFFFFFF  }
0xb7: {  	_ =	strace $0x90000048  }
0xb8: {  	_ =	sfence  }
0xb9: {  	s30 =	sld [smem:$0x0];
	_ =	sdelay $0x2  }
0xba: {  	s31 =	sshll.u32 s1, $0xD;
	s1 =	sshrl.u32 s1, $0x2  }
0xbb: {  	s3 =	sand.u32 $0x4000, s31;
	s1 =	sadd.s32 s1, s30  }
0xbc: {  	s0 =	sor.u32 s3, s0;
	s1 =	sshll.u32 s1, $0x11  }
0xbd: {  	s0 =	sor.u32 s1, s0  }
0xbe: {  	s0 =	sadd.s32 $0x8F2B, s0  }
0xbf: {  	[sflag:s0] =	ssyncadd.remote.s32 $0x1  }
0xc0: {  	_ =	sfence.sel $0xFFFF  }
0xc1: {  	[dreg:$0x0] =	wrdreg $0xFFFFFFFF;
	(pc) =	sbr.abs _section_cstart, $3  }
0xc2: {  	[dreg:$0x1] =	wrdreg $0xFFFFFFFF  }
0xc3: {  	_ =	task.clear_ibuf [dreg:s8], $0x2FFFF;
	_ =	strace $0x9FFFFFFF  }
0xc4: {  	(tm) =	ssettm $0x7FFFFFFF  }
0xc5: {  	_ =	shalt  }
tec
execute0_lowered:
.L_overlay_start_1:
0x0: {  	(tag) =	ssettag $0x1  }
0x1: {  	s0 =	rddreg [dreg:$0x0]  }
0x2: {  	s12 =	rddreg [dreg:$0x1];
	s3 =	simm.s32 $0x0;
	s11 =	srdreg.scid  }
0x3: {  	s2 =	stileid.u32;
	s30 =	simm.s32 $0x1;
	s31 =	simm.s32 $0x8400  }
0x4: {  	s28 =	simm.s32 $0x5400;
	s29 =	simm.s32 $0x5C00;
	[smem:$0x7FF] =	sst s3  }
0x5: {  	s13 =	sadd.s32 $0x200, s12;
	s1 =	sadd.s32 $0x400, s12;
	s4 =	sadd.s32 $0x600, s12  }
0x6: {  	s2 =	sshll.u32 s2, $0x1;
	_ =	strace $0x80000047;
	[dreg:$0x5] =	wrdreg s1  }
0x7: {  	s8 =	sadd.s32 $0x800, s12;
	[dreg:$0x6] =	wrdreg s4;
	s1 =	sand.u32 $0x1, s11  }
0x8: {  	[dreg:$0x4] =	wrdreg s13;
	s14 =	ssub.s32 $0x2, s1;
	s1 =	sor.u32 s1, s2  }
0x9: {  	s15 =	sshrl.u32 s14, $0x1;
	s5 =	sshll.u32 s1, $0x6;
	s6 =	sshll.u32 s1, $0x3  }
0xa: {  	s22 =	sshll.u32 s1, $0xD;
	p0 =	sne.s32 s1, $0x0;
	s2 =	ssub.s32 s14, s15  }
0xb: {  	s16 =	sadd.s32 s12, s6;
	s17 =	sor.u32 $0x10, s5;
	s9 =	sor.u32 $0x20, s5  }
0xc: {  	s5 =	sor.u32 $0x30, s5;
	s6 =	sadd.s32 s13, s6;
	[dreg:$0x7] =	wrdreg s16  }
0xd: {  	s7 =	sshrl.u32 s17, $0x3;
	s18 =	sshrl.u32 s9, $0x3;
	s11 =	sshrl.u32 s5, $0x3  }
0xe: {  	[dreg:$0xb] =	wrdreg s6;
	s6 =	sadd.s32 s0, s22;
	s4 =	sshll.u32 s17, $0x7  }
0xf: {  	s24 =	sshll.u32 s9, $0x7;
	s26 =	sshll.u32 s5, $0x7;
	s5 =	simm.s32 $0x4400  }
0x10: {  	s9 =	simm.s32 $0x4;
	s17 =	simm.s32 $0x5;
	s16 =	simm.s32 $0x6C00  }
0x11: {  	s10 =	sadd.s32 s12, s7;
	s14 =	sadd.s32 s12, s18;
	[dreg:$0xe] =	wrdreg s6  }
0x12: {  	s19 =	sadd.s32 s12, s11;
	s20 =	sadd.s32 s13, s7;
	[dreg:$0x8] =	wrdreg s10  }
0x13: {  	s21 =	sadd.s32 s13, s18;
	s23 =	sadd.s32 s13, s11;
	[dreg:$0x9] =	wrdreg s14  }
0x14: {  	s4 =	sadd.s32 s0, s4;
	s25 =	sadd.s32 s0, s24;
	[dreg:$0xa] =	wrdreg s19  }
0x15: {  	s0 =	sadd.s32 s0, s26;
	s6 =	simm.s32 $0x400;
	[dreg:$0xc] =	wrdreg s20  }
0x16: {  	s7 =	simm.s32 $0x2;
	s18 =	simm.s32 $0x0;
	[dreg:$0xd] =	wrdreg s21  }
.Ltmp0:
0x17: {  	s26 =	simm.s32 $0x4C00;
	[dreg:$0x11] =	wrdreg s23;
	(pc) =	sbr.rel .LBB2_1-.Ltmp0, $4  }
0x18: {  	s11 =	simm.s32 $0x7400;
	[dreg:$0xf] =	wrdreg s4;
	s19 =	sadd.s32 $0x900, s12  }
0x19: {  	v3 =	vlaneseq.u32;
	s20 =	sadd.s32 $0xA00, s12;
	[dreg:$0x10] =	wrdreg s0;
	s23 =	sadd.s32 $0xB00, s12  }
0x1a: {  	v0 =	vimm.f32 $1.000000000e+00;
	vm0 =	vmmov $0xffff;
	v2 =	vshrl.u32 v3, $0x3;
	s12 =	smax.u32 s2, $0x1;
	s2 =	smov.u32 s25;
	s0 =	simm.s32 $0x3  }
0x1b: {  	v1 =	vand.u32 $0x7, v3;
	v3 =	vor.u32 $0x8, v3;
	v2 =	vmul.u32 $0x8, v2;
	s14 =	simm.s32 $0x1400;
	s25 =	simm.s32 $0x3C00;
	s10 =	simm.s32 $0x6400  }
.LBB2_7:
0x1c: {  	s4 =	rddreg [dreg:$0x7]  }
0x1d: {  	[tilespmem:s3], [sflag:$0x1] =	stream.linear.gather [hbm4b:s4+s3], $0x10, $0x38;
	[tilespmem:$0xC400] =	vst v63  }
0x1e: {  	s21 =	rddreg [dreg:$0x8];
	s1 =	simm.s32 $0x80  }
0x1f: {  	[tilespmem:s1], [sflag:$0x1] =	stream.linear.gather [hbm4b:s21+s3], $0x10, $0x38;
	[tilespmem:$0xC400] =	vst v63  }
0x20: {  	s22 =	rddreg [dreg:$0x9];
	s24 =	simm.s32 $0x100  }
0x21: {  	[tilespmem:s24], [sflag:$0x1] =	stream.linear.gather [hbm4b:s22+s3], $0x10, $0x38;
	[tilespmem:$0xC400] =	vst v63  }
0x22: {  	s13 =	simm.s32 $0x180;
	s1 =	rddreg [dreg:$0xa]  }
0x23: {  	[tilespmem:s13], [sflag:$0x1] =	stream.linear.gather [hbm4b:s1+s3], $0x10, $0x38;
	[tilespmem:$0xC400] =	vst v63  }
0x24: {  	s15 =	rddreg [dreg:$0xb];
	s13 =	simm.s32 $0x200  }
0x25: {  	[tilespmem:s13], [sflag:$0x1] =	stream.linear.gather [hbm4b:s15+s3], $0x10, $0x38;
	[tilespmem:$0xC400] =	vst v63  }
0x26: {  	s21 =	simm.s32 $0x280;
	s22 =	rddreg [dreg:$0xc]  }
0x27: {  	[tilespmem:s21], [sflag:$0x1] =	stream.linear.gather [hbm4b:s22+s3], $0x10, $0x38;
	[tilespmem:$0xC400] =	vst v63  }
0x28: {  	s24 =	simm.s32 $0x300;
	s1 =	rddreg [dreg:$0xd]  }
0x29: {  	[tilespmem:s24], [sflag:$0x1] =	stream.linear.gather [hbm4b:s1+s3], $0x10, $0x38;
	[tilespmem:$0xC400] =	vst v63  }
0x2a: {  	s15 =	simm.s32 $0x380;
	s21 =	rddreg [dreg:$0x11]  }
0x2b: {  	[tilespmem:s15], [sflag:$0x1] =	stream.linear.gather [hbm4b:s21+s3], $0x10, $0x38;
	[tilespmem:$0xC400] =	vst v63  }
0x2c: {  	_ =	swait.ge [sflag:s30], $0x10  }
0x2d: {  	[sflag:s30] =	ssyncset.done $0x0  }
0x2e: {  	[sflag:s30] =	ssyncadd.s32 $0xFFFFFFF0  }
0x2f: {  	_ =	swait.ge [sflag:s30], $0x10  }
0x30: {  	[sflag:s30] =	ssyncset.done $0x0  }
0x31: {  	[sflag:s30] =	ssyncadd.s32 $0xFFFFFFF0  }
0x32: {  	_ =	swait.ge [sflag:s30], $0x10  }
0x33: {  	[sflag:s30] =	ssyncset.done $0x0  }
0x34: {  	[sflag:s30] =	ssyncadd.s32 $0xFFFFFFF0  }
0x35: {  	_ =	swait.ge [sflag:s30], $0x10  }
0x36: {  	[sflag:s30] =	ssyncset.done $0x0  }
0x37: {  	[sflag:s30] =	ssyncadd.s32 $0xFFFFFFF0  }
0x38: {  	_ =	swait.ge [sflag:s30], $0x10  }
0x39: {  	[sflag:s30] =	ssyncset.done $0x0  }
0x3a: {  	[sflag:s30] =	ssyncadd.s32 $0xFFFFFFF0  }
0x3b: {  	_ =	swait.ge [sflag:s30], $0x10  }
0x3c: {  	[sflag:s30] =	ssyncset.done $0x0  }
0x3d: {  	[sflag:s30] =	ssyncadd.s32 $0xFFFFFFF0  }
0x3e: {  	_ =	swait.ge [sflag:s30], $0x10  }
0x3f: {  	[sflag:s30] =	ssyncset.done $0x0  }
0x40: {  	[sflag:s30] =	ssyncadd.s32 $0xFFFFFFF0  }
0x41: {  	_ =	swait.ge [sflag:s30], $0x10  }
0x42: {  	[sflag:s30] =	ssyncset.done $0x0  }
0x43: {  	s22 =	rddreg [dreg:$0xe];
	[sflag:s30] =	ssyncadd.s32 $0xFFFFFFF0  }
0x44: {  	[tilespmem:s6], [sflag:$0x2] =	stream.linear.gather [hbm4b:s22+s3], $0x4000, $0x38;
	[tilespmem:$0xC400] =	vst v63  }
0x45: {  	_ =	swait.ge [sflag:s7], $0x4000  }
0x46: {  	[sflag:s7] =	ssyncset.done $0x0  }
0x47: {  	s24 =	rddreg [dreg:$0xf];
	[sflag:s7] =	ssyncadd.s32 $0xFFFFC000  }
0x48: {  	[tilespmem:s5], [sflag:$0x3] =	stream.linear.gather [hbm4b:s24+s3], $0x4000, $0x38;
	[tilespmem:$0xC400] =	vst v63  }
0x49: {  	v4 =	vld [tilespmem:$0x0];
	_ =	sdelay $0x4  }
0x4a: {  	v5 =	vshll.u32 v4, $0x3  }
0x4b: {  	v4 =	vand.u32 $0x7, v4;
	v5 =	vand.u32 $0xFFFFFFC0, v5  }
0x4c: {  	v4 =	vor.u32 v4, v5  }
0x4d: {  	v5 =	vperm.xlane v4, v1;
	_ =	sdelay $0x1  }
0x4e: {  	v5 =	vadd.s32 v2, v5;
	_ =	sdelay $0x4  }
0x4f: {  	[hbm4b:s8+s3] =	stream.indirect_vreg.scatter [tilespmem:s6], [sflag:$0x4], $0x80, v5, vm0, $0xb8;
	[tilespmem:$0xC400] =	vst v63  }
0x50: {  	s13 =	simm.s32 $0xC00;
	v4 =	vperm.xlane v4, v3  }
0x51: {  	[hbm4b:s19+s3] =	stream.indirect_vreg.scatter [tilespmem:s13], [sflag:$0x4], $0x80, v5, vm0, $0xb8;
	[tilespmem:$0xC400] =	vst v63  }
0x52: {  	v4 =	vadd.s32 v2, v4  }
0x53: {  	[hbm4b:s20+s3] =	stream.indirect_vreg.scatter [tilespmem:s14], [sflag:$0x4], $0x80, v5, vm0, $0xb8;
	[tilespmem:$0xC400] =	vst v63  }
0x54: {  	s15 =	simm.s32 $0x1C00  }
0x55: {  	[hbm4b:s23+s3] =	stream.indirect_vreg.scatter [tilespmem:s15], [sflag:$0x4], $0x80, v5, vm0, $0xb8;
	[tilespmem:$0xC400] =	vst v63  }
0x56: {  	s21 =	simm.s32 $0x2400  }
0x57: {  	[hbm4b:s8+s3] =	stream.indirect_vreg.scatter [tilespmem:s21], [sflag:$0x4], $0x80, v4, vm0, $0xb8;
	[tilespmem:$0xC400] =	vst v63  }
0x58: {  	s22 =	simm.s32 $0x2C00  }
0x59: {  	[hbm4b:s19+s3] =	stream.indirect_vreg.scatter [tilespmem:s22], [sflag:$0x4], $0x80, v4, vm0, $0xb8;
	[tilespmem:$0xC400] =	vst v63  }
0x5a: {  	s24 =	simm.s32 $0x3400  }
0x5b: {  	[hbm4b:s20+s3] =	stream.indirect_vreg.scatter [tilespmem:s24], [sflag:$0x4], $0x80, v4, vm0, $0xb8;
	[tilespmem:$0xC400] =	vst v63  }
0x5c: {  	_ = 	snop  }
0x5d: {  	[hbm4b:s23+s3] =	stream.indirect_vreg.scatter [tilespmem:s25], [sflag:$0x4], $0x80, v4, vm0, $0xb8;
	[tilespmem:$0xC400] =	vst v63  }
0x5e: {  	v4 =	vld [tilespmem:$0x200];
	_ =	sdelay $0x4  }
0x5f: {  	v5 =	vshll.u32 v4, $0x3  }
0x60: {  	v4 =	vand.u32 $0x7, v4;
	v5 =	vand.u32 $0xFFFFFFC0, v5  }
0x61: {  	v4 =	vor.u32 v4, v5  }
0x62: {  	v5 =	vperm.xlane v4, v1;
	_ =	sdelay $0x1  }
0x63: {  	v5 =	vadd.s32 v2, v5;
	_ =	sdelay $0x4  }
0x64: {  	[hbm4b:s8+s3] =	stream.indirect_vreg.scatter [tilespmem:s6], [sflag:$0x4], $0x80, v5, vm0, $0xb8;
	[tilespmem:$0xC400] =	vst v63  }
0x65: {  	v4 =	vperm.xlane v4, v3  }
0x66: {  	[hbm4b:s19+s3] =	stream.indirect_vreg.scatter [tilespmem:s13], [sflag:$0x4], $0x80, v5, vm0, $0xb8;
	[tilespmem:$0xC400] =	vst v63  }
0x67: {  	v4 =	vadd.s32 v2, v4  }
0x68: {  	[hbm4b:s20+s3] =	stream.indirect_vreg.scatter [tilespmem:s14], [sflag:$0x4], $0x80, v5, vm0, $0xb8;
	[tilespmem:$0xC400] =	vst v63  }
0x69: {  	_ = 	snop  }
0x6a: {  	[hbm4b:s23+s3] =	stream.indirect_vreg.scatter [tilespmem:s15], [sflag:$0x4], $0x80, v5, vm0, $0xb8;
	[tilespmem:$0xC400] =	vst v63  }
0x6b: {  	_ = 	snop  }
0x6c: {  	[hbm4b:s8+s3] =	stream.indirect_vreg.scatter [tilespmem:s21], [sflag:$0x4], $0x80, v4, vm0, $0xb8;
	[tilespmem:$0xC400] =	vst v63  }
0x6d: {  	_ = 	snop  }
0x6e: {  	[hbm4b:s19+s3] =	stream.indirect_vreg.scatter [tilespmem:s22], [sflag:$0x4], $0x80, v4, vm0, $0xb8;
	[tilespmem:$0xC400] =	vst v63  }
0x6f: {  	_ = 	snop  }
0x70: {  	[hbm4b:s20+s3] =	stream.indirect_vreg.scatter [tilespmem:s24], [sflag:$0x4], $0x80, v4, vm0, $0xb8;
	[tilespmem:$0xC400] =	vst v63  }
0x71: {  	_ = 	snop  }
0x72: {  	[hbm4b:s23+s3] =	stream.indirect_vreg.scatter [tilespmem:s25], [sflag:$0x4], $0x80, v4, vm0, $0xb8;
	[tilespmem:$0xC400] =	vst v63  }
0x73: {  	_ =	swait.ge [sflag:s0], $0x4000  }
0x74: {  	[sflag:s0] =	ssyncset.done $0x0  }
0x75: {  	[sflag:s0] =	ssyncadd.s32 $0xFFFFC000  }
0x76: {  	_ =	swait.ge [sflag:s9], $0x4000  }
0x77: {  	[sflag:s9] =	ssyncset.done $0x0  }
0x78: {  	[sflag:s9] =	ssyncadd.s32 $0xFFFFC000  }
0x79: {  	_ =	swait.ge [sflag:s9], $0x4000  }
0x7a: {  	[sflag:s9] =	ssyncset.done $0x0  }
0x7b: {  	[sflag:s9] =	ssyncadd.s32 $0xFFFFC000  }
0x7c: {  	[tilespmem:s6], [sflag:$0x2] =	stream.linear.gather [hbm4b:s2+s3], $0x4000, $0x38;
	[tilespmem:$0xC400] =	vst v63  }
0x7d: {  	v4 =	vld [tilespmem:$0x80];
	_ =	sdelay $0x4  }
0x7e: {  	v5 =	vshll.u32 v4, $0x3  }
0x7f: {  	v4 =	vand.u32 $0x7, v4;
	v5 =	vand.u32 $0xFFFFFFC0, v5  }
0x80: {  	v4 =	vor.u32 v4, v5  }
0x81: {  	v5 =	vperm.xlane v4, v1;
	_ =	sdelay $0x1  }
0x82: {  	v5 =	vadd.s32 v2, v5;
	_ =	sdelay $0x4  }
0x83: {  	[hbm4b:s8+s3] =	stream.indirect_vreg.scatter [tilespmem:s5], [sflag:$0x5], $0x80, v5, vm0, $0xb8;
	[tilespmem:$0xC400] =	vst v63  }
0x84: {  	v4 =	vperm.xlane v4, v3  }
0x85: {  	[hbm4b:s19+s3] =	stream.indirect_vreg.scatter [tilespmem:s26], [sflag:$0x5], $0x80, v5, vm0, $0xb8;
	[tilespmem:$0xC400] =	vst v63  }
0x86: {  	v4 =	vadd.s32 v2, v4  }
0x87: {  	[hbm4b:s20+s3] =	stream.indirect_vreg.scatter [tilespmem:s28], [sflag:$0x5], $0x80, v5, vm0, $0xb8;
	[tilespmem:$0xC400] =	vst v63  }
0x88: {  	_ = 	snop  }
0x89: {  	[hbm4b:s23+s3] =	stream.indirect_vreg.scatter [tilespmem:s29], [sflag:$0x5], $0x80, v5, vm0, $0xb8;
	[tilespmem:$0xC400] =	vst v63  }
0x8a: {  	_ = 	snop  }
0x8b: {  	[hbm4b:s8+s3] =	stream.indirect_vreg.scatter [tilespmem:s10], [sflag:$0x5], $0x80, v4, vm0, $0xb8;
	[tilespmem:$0xC400] =	vst v63  }
0x8c: {  	_ = 	snop  }
0x8d: {  	[hbm4b:s19+s3] =	stream.indirect_vreg.scatter [tilespmem:s16], [sflag:$0x5], $0x80, v4, vm0, $0xb8;
	[tilespmem:$0xC400] =	vst v63  }
0x8e: {  	_ = 	snop  }
0x8f: {  	[hbm4b:s20+s3] =	stream.indirect_vreg.scatter [tilespmem:s11], [sflag:$0x5], $0x80, v4, vm0, $0xb8;
	[tilespmem:$0xC400] =	vst v63  }
0x90: {  	s4 =	simm.s32 $0x7C00  }
0x91: {  	[hbm4b:s23+s3] =	stream.indirect_vreg.scatter [tilespmem:s4], [sflag:$0x5], $0x80, v4, vm0, $0xb8;
	[tilespmem:$0xC400] =	vst v63  }
0x92: {  	v4 =	vld [tilespmem:$0x280];
	_ =	sdelay $0x4  }
0x93: {  	v5 =	vshll.u32 v4, $0x3  }
0x94: {  	v4 =	vand.u32 $0x7, v4;
	v5 =	vand.u32 $0xFFFFFFC0, v5  }
0x95: {  	v4 =	vor.u32 v4, v5  }
0x96: {  	v5 =	vperm.xlane v4, v1;
	_ =	sdelay $0x1  }
0x97: {  	v5 =	vadd.s32 v2, v5;
	_ =	sdelay $0x4  }
0x98: {  	[hbm4b:s8+s3] =	stream.indirect_vreg.scatter [tilespmem:s5], [sflag:$0x5], $0x80, v5, vm0, $0xb8;
	[tilespmem:$0xC400] =	vst v63  }
0x99: {  	v4 =	vperm.xlane v4, v3  }
0x9a: {  	[hbm4b:s19+s3] =	stream.indirect_vreg.scatter [tilespmem:s26], [sflag:$0x5], $0x80, v5, vm0, $0xb8;
	[tilespmem:$0xC400] =	vst v63  }
0x9b: {  	v4 =	vadd.s32 v2, v4  }
0x9c: {  	[hbm4b:s20+s3] =	stream.indirect_vreg.scatter [tilespmem:s28], [sflag:$0x5], $0x80, v5, vm0, $0xb8;
	[tilespmem:$0xC400] =	vst v63  }
0x9d: {  	_ = 	snop  }
0x9e: {  	[hbm4b:s23+s3] =	stream.indirect_vreg.scatter [tilespmem:s29], [sflag:$0x5], $0x80, v5, vm0, $0xb8;
	[tilespmem:$0xC400] =	vst v63  }
0x9f: {  	_ = 	snop  }
0xa0: {  	[hbm4b:s8+s3] =	stream.indirect_vreg.scatter [tilespmem:s10], [sflag:$0x5], $0x80, v4, vm0, $0xb8;
	[tilespmem:$0xC400] =	vst v63  }
0xa1: {  	_ = 	snop  }
0xa2: {  	[hbm4b:s19+s3] =	stream.indirect_vreg.scatter [tilespmem:s16], [sflag:$0x5], $0x80, v4, vm0, $0xb8;
	[tilespmem:$0xC400] =	vst v63  }
0xa3: {  	_ = 	snop  }
0xa4: {  	[hbm4b:s20+s3] =	stream.indirect_vreg.scatter [tilespmem:s11], [sflag:$0x5], $0x80, v4, vm0, $0xb8;
	[tilespmem:$0xC400] =	vst v63  }
0xa5: {  	_ = 	snop  }
0xa6: {  	[hbm4b:s23+s3] =	stream.indirect_vreg.scatter [tilespmem:s4], [sflag:$0x5], $0x80, v4, vm0, $0xb8;
	[tilespmem:$0xC400] =	vst v63  }
0xa7: {  	_ =	swait.ge [sflag:s7], $0x4000  }
0xa8: {  	[sflag:s7] =	ssyncset.done $0x0  }
0xa9: {  	[sflag:s7] =	ssyncadd.s32 $0xFFFFC000  }
0xaa: {  	_ =	swait.ge [sflag:s17], $0x4000  }
0xab: {  	[sflag:s17] =	ssyncset.done $0x0  }
0xac: {  	[sflag:s17] =	ssyncadd.s32 $0xFFFFC000  }
0xad: {  	_ =	swait.ge [sflag:s17], $0x4000  }
0xae: {  	[sflag:s17] =	ssyncset.done $0x0  }
0xaf: {  	s1 =	rddreg [dreg:$0x10];
	[sflag:s17] =	ssyncadd.s32 $0xFFFFC000  }
0xb0: {  	[tilespmem:s5], [sflag:$0x3] =	stream.linear.gather [hbm4b:s1+s3], $0x4000, $0x38;
	[tilespmem:$0xC400] =	vst v63  }
0xb1: {  	v4 =	vld [tilespmem:$0x100];
	_ =	sdelay $0x4  }
0xb2: {  	v5 =	vshll.u32 v4, $0x3  }
0xb3: {  	v4 =	vand.u32 $0x7, v4;
	v5 =	vand.u32 $0xFFFFFFC0, v5  }
0xb4: {  	v4 =	vor.u32 v4, v5  }
0xb5: {  	v5 =	vperm.xlane v4, v1;
	_ =	sdelay $0x1  }
0xb6: {  	v5 =	vadd.s32 v2, v5;
	_ =	sdelay $0x4  }
0xb7: {  	[hbm4b:s8+s3] =	stream.indirect_vreg.scatter [tilespmem:s6], [sflag:$0x4], $0x80, v5, vm0, $0xb8;
	[tilespmem:$0xC400] =	vst v63  }
0xb8: {  	v4 =	vperm.xlane v4, v3  }
0xb9: {  	[hbm4b:s19+s3] =	stream.indirect_vreg.scatter [tilespmem:s13], [sflag:$0x4], $0x80, v5, vm0, $0xb8;
	[tilespmem:$0xC400] =	vst v63  }
0xba: {  	v4 =	vadd.s32 v2, v4  }
0xbb: {  	[hbm4b:s20+s3] =	stream.indirect_vreg.scatter [tilespmem:s14], [sflag:$0x4], $0x80, v5, vm0, $0xb8;
	[tilespmem:$0xC400] =	vst v63  }
0xbc: {  	_ = 	snop  }
0xbd: {  	[hbm4b:s23+s3] =	stream.indirect_vreg.scatter [tilespmem:s15], [sflag:$0x4], $0x80, v5, vm0, $0xb8;
	[tilespmem:$0xC400] =	vst v63  }
0xbe: {  	_ = 	snop  }
0xbf: {  	[hbm4b:s8+s3] =	stream.indirect_vreg.scatter [tilespmem:s21], [sflag:$0x4], $0x80, v4, vm0, $0xb8;
	[tilespmem:$0xC400] =	vst v63  }
0xc0: {  	_ = 	snop  }
0xc1: {  	[hbm4b:s19+s3] =	stream.indirect_vreg.scatter [tilespmem:s22], [sflag:$0x4], $0x80, v4, vm0, $0xb8;
	[tilespmem:$0xC400] =	vst v63  }
0xc2: {  	_ = 	snop  }
0xc3: {  	[hbm4b:s20+s3] =	stream.indirect_vreg.scatter [tilespmem:s24], [sflag:$0x4], $0x80, v4, vm0, $0xb8;
	[tilespmem:$0xC400] =	vst v63  }
0xc4: {  	_ = 	snop  }
0xc5: {  	[hbm4b:s23+s3] =	stream.indirect_vreg.scatter [tilespmem:s25], [sflag:$0x4], $0x80, v4, vm0, $0xb8;
	[tilespmem:$0xC400] =	vst v63  }
0xc6: {  	v4 =	vld [tilespmem:$0x300];
	_ =	sdelay $0x4  }
0xc7: {  	v5 =	vshll.u32 v4, $0x3  }
0xc8: {  	v4 =	vand.u32 $0x7, v4;
	v5 =	vand.u32 $0xFFFFFFC0, v5  }
0xc9: {  	v4 =	vor.u32 v4, v5  }
0xca: {  	v5 =	vperm.xlane v4, v1;
	_ =	sdelay $0x1  }
0xcb: {  	v5 =	vadd.s32 v2, v5;
	_ =	sdelay $0x4  }
0xcc: {  	[hbm4b:s8+s3] =	stream.indirect_vreg.scatter [tilespmem:s6], [sflag:$0x4], $0x80, v5, vm0, $0xb8;
	[tilespmem:$0xC400] =	vst v63  }
0xcd: {  	v4 =	vperm.xlane v4, v3  }
0xce: {  	[hbm4b:s19+s3] =	stream.indirect_vreg.scatter [tilespmem:s13], [sflag:$0x4], $0x80, v5, vm0, $0xb8;
	[tilespmem:$0xC400] =	vst v63  }
0xcf: {  	v4 =	vadd.s32 v2, v4  }
0xd0: {  	[hbm4b:s20+s3] =	stream.indirect_vreg.scatter [tilespmem:s14], [sflag:$0x4], $0x80, v5, vm0, $0xb8;
	[tilespmem:$0xC400] =	vst v63  }
0xd1: {  	_ = 	snop  }
0xd2: {  	[hbm4b:s23+s3] =	stream.indirect_vreg.scatter [tilespmem:s15], [sflag:$0x4], $0x80, v5, vm0, $0xb8;
	[tilespmem:$0xC400] =	vst v63  }
0xd3: {  	_ = 	snop  }
0xd4: {  	[hbm4b:s8+s3] =	stream.indirect_vreg.scatter [tilespmem:s21], [sflag:$0x4], $0x80, v4, vm0, $0xb8;
	[tilespmem:$0xC400] =	vst v63  }
0xd5: {  	_ = 	snop  }
0xd6: {  	[hbm4b:s19+s3] =	stream.indirect_vreg.scatter [tilespmem:s22], [sflag:$0x4], $0x80, v4, vm0, $0xb8;
	[tilespmem:$0xC400] =	vst v63  }
0xd7: {  	_ = 	snop  }
0xd8: {  	[hbm4b:s20+s3] =	stream.indirect_vreg.scatter [tilespmem:s24], [sflag:$0x4], $0x80, v4, vm0, $0xb8;
	[tilespmem:$0xC400] =	vst v63  }
0xd9: {  	_ = 	snop  }
0xda: {  	[hbm4b:s23+s3] =	stream.indirect_vreg.scatter [tilespmem:s25], [sflag:$0x4], $0x80, v4, vm0, $0xb8;
	[tilespmem:$0xC400] =	vst v63  }
0xdb: {  	_ =	swait.ge [sflag:s0], $0x4000  }
0xdc: {  	[sflag:s0] =	ssyncset.done $0x0  }
0xdd: {  	[sflag:s0] =	ssyncadd.s32 $0xFFFFC000  }
0xde: {  	v4 =	vld [tilespmem:$0x180];
	_ =	sdelay $0x4  }
0xdf: {  	v5 =	vshll.u32 v4, $0x3  }
0xe0: {  	v4 =	vand.u32 $0x7, v4;
	v5 =	vand.u32 $0xFFFFFFC0, v5  }
0xe1: {  	v4 =	vor.u32 v4, v5  }
0xe2: {  	v5 =	vperm.xlane v4, v1;
	_ =	sdelay $0x1  }
0xe3: {  	v5 =	vadd.s32 v2, v5;
	_ =	sdelay $0x4  }
0xe4: {  	[hbm4b:s8+s3] =	stream.indirect_vreg.scatter [tilespmem:s5], [sflag:$0x5], $0x80, v5, vm0, $0xb8;
	[tilespmem:$0xC400] =	vst v63  }
0xe5: {  	v4 =	vperm.xlane v4, v3  }
0xe6: {  	[hbm4b:s19+s3] =	stream.indirect_vreg.scatter [tilespmem:s26], [sflag:$0x5], $0x80, v5, vm0, $0xb8;
	[tilespmem:$0xC400] =	vst v63  }
0xe7: {  	v4 =	vadd.s32 v2, v4  }
0xe8: {  	[hbm4b:s20+s3] =	stream.indirect_vreg.scatter [tilespmem:s28], [sflag:$0x5], $0x80, v5, vm0, $0xb8;
	[tilespmem:$0xC400] =	vst v63  }
0xe9: {  	_ = 	snop  }
0xea: {  	[hbm4b:s23+s3] =	stream.indirect_vreg.scatter [tilespmem:s29], [sflag:$0x5], $0x80, v5, vm0, $0xb8;
	[tilespmem:$0xC400] =	vst v63  }
0xeb: {  	_ = 	snop  }
0xec: {  	[hbm4b:s8+s3] =	stream.indirect_vreg.scatter [tilespmem:s10], [sflag:$0x5], $0x80, v4, vm0, $0xb8;
	[tilespmem:$0xC400] =	vst v63  }
0xed: {  	_ = 	snop  }
0xee: {  	[hbm4b:s19+s3] =	stream.indirect_vreg.scatter [tilespmem:s16], [sflag:$0x5], $0x80, v4, vm0, $0xb8;
	[tilespmem:$0xC400] =	vst v63  }
0xef: {  	_ = 	snop  }
0xf0: {  	[hbm4b:s20+s3] =	stream.indirect_vreg.scatter [tilespmem:s11], [sflag:$0x5], $0x80, v4, vm0, $0xb8;
	[tilespmem:$0xC400] =	vst v63  }
0xf1: {  	_ = 	snop  }
0xf2: {  	[hbm4b:s23+s3] =	stream.indirect_vreg.scatter [tilespmem:s4], [sflag:$0x5], $0x80, v4, vm0, $0xb8;
	[tilespmem:$0xC400] =	vst v63  }
0xf3: {  	v4 =	vld [tilespmem:$0x380];
	_ =	sdelay $0x4  }
0xf4: {  	v5 =	vshll.u32 v4, $0x3  }
0xf5: {  	v4 =	vand.u32 $0x7, v4;
	v5 =	vand.u32 $0xFFFFFFC0, v5  }
0xf6: {  	v4 =	vor.u32 v4, v5  }
0xf7: {  	v5 =	vperm.xlane v4, v1;
	_ =	sdelay $0x1  }
0xf8: {  	v5 =	vadd.s32 v2, v5;
	_ =	sdelay $0x4  }
0xf9: {  	[hbm4b:s8+s3] =	stream.indirect_vreg.scatter [tilespmem:s5], [sflag:$0x5], $0x80, v5, vm0, $0xb8;
	[tilespmem:$0xC400] =	vst v63  }
0xfa: {  	v4 =	vperm.xlane v4, v3  }
0xfb: {  	[hbm4b:s19+s3] =	stream.indirect_vreg.scatter [tilespmem:s26], [sflag:$0x5], $0x80, v5, vm0, $0xb8;
	[tilespmem:$0xC400] =	vst v63  }
0xfc: {  	v4 =	vadd.s32 v2, v4  }
0xfd: {  	[hbm4b:s20+s3] =	stream.indirect_vreg.scatter [tilespmem:s28], [sflag:$0x5], $0x80, v5, vm0, $0xb8;
	[tilespmem:$0xC400] =	vst v63  }
0xfe: {  	_ = 	snop  }
0xff: {  	[hbm4b:s23+s3] =	stream.indirect_vreg.scatter [tilespmem:s29], [sflag:$0x5], $0x80, v5, vm0, $0xb8;
	[tilespmem:$0xC400] =	vst v63  }
0x100: {  	_ = 	snop  }
0x101: {  	[hbm4b:s8+s3] =	stream.indirect_vreg.scatter [tilespmem:s10], [sflag:$0x5], $0x80, v4, vm0, $0xb8;
	[tilespmem:$0xC400] =	vst v63  }
0x102: {  	_ = 	snop  }
0x103: {  	[hbm4b:s19+s3] =	stream.indirect_vreg.scatter [tilespmem:s16], [sflag:$0x5], $0x80, v4, vm0, $0xb8;
	[tilespmem:$0xC400] =	vst v63  }
0x104: {  	_ = 	snop  }
0x105: {  	[hbm4b:s20+s3] =	stream.indirect_vreg.scatter [tilespmem:s11], [sflag:$0x5], $0x80, v4, vm0, $0xb8;
	[tilespmem:$0xC400] =	vst v63  }
0x106: {  	_ = 	snop  }
0x107: {  	[hbm4b:s23+s3] =	stream.indirect_vreg.scatter [tilespmem:s4], [sflag:$0x5], $0x80, v4, vm0, $0xb8;
	[tilespmem:$0xC400] =	vst v63  }
0x108: {  	_ =	swait.ge [sflag:s9], $0x4000  }
0x109: {  	[sflag:s9] =	ssyncset.done $0x0  }
0x10a: {  	[sflag:s9] =	ssyncadd.s32 $0xFFFFC000  }
0x10b: {  	_ =	swait.ge [sflag:s9], $0x4000  }
0x10c: {  	[sflag:s9] =	ssyncset.done $0x0  }
0x10d: {  	s18 =	sadd.s32 $0x1, s18;
	[sflag:s9] =	ssyncadd.s32 $0xFFFFC000  }
0x10e: {  	p1 =	sne.s32 s18, s12;
	_ =	swait.ge [sflag:s17], $0x4000  }
.Ltmp1:
0x10f: {  	[sflag:s17] =	ssyncset.done $0x0;
	(pc) =	sbr.rel @!p1 .LBB2_8-.Ltmp1, $4  }
0x110: {  	[sflag:s17] =	ssyncadd.s32 $0xFFFFC000  }
0x111: {  	_ =	swait.ge [sflag:s17], $0x4000  }
0x112: {  	[sflag:s17] =	ssyncset.done $0x0  }
0x113: {  	[sflag:s17] =	ssyncadd.s32 $0xFFFFC000  }
.LBB2_1:
.Ltmp2:
0x114: {  	(pc) =	sbr.rel @p0 .LBB2_7-.Ltmp2, $1  }
0x115: {  	_ =	sdelay $0x3  }
0x116: {  	s21 =	simm.s32 $0x0;
	s22 =	rddreg [dreg:$0x1];
	s24 =	simm.s32 $0xA400  }
0x117: {  	[tilespmem:s24], [sflag:$0x1] =	stream.linear.gather [hbm4b:s22+s21], $0x800, $0x38;
	[tilespmem:$0xC400] =	vst v63  }
0x118: {  	s15 =	smov.u32 s12;
	s4 =	rddreg [dreg:$0x4];
	s12 =	simm.s32 $0xAC00  }
0x119: {  	[tilespmem:s12], [sflag:$0x1] =	stream.linear.gather [hbm4b:s4+s21], $0x800, $0x38;
	[tilespmem:$0xC400] =	vst v63  }
0x11a: {  	s13 =	smov.u32 s2;
	s1 =	rddreg [dreg:$0x5];
	s2 =	simm.s32 $0xB400  }
0x11b: {  	[tilespmem:s2], [sflag:$0x1] =	stream.linear.gather [hbm4b:s1+s21], $0x800, $0x38;
	[tilespmem:$0xC400] =	vst v63  }
0x11c: {  	s4 =	rddreg [dreg:$0x6];
	s12 =	simm.s32 $0xBC00  }
0x11d: {  	[tilespmem:s12], [sflag:$0x1] =	stream.linear.gather [hbm4b:s4+s21], $0x800, $0x38;
	[tilespmem:$0xC400] =	vst v63  }
0x11e: {  	s22 =	simm.s32 $0x0;
	s21 =	simm.s32 $0x40  }
.LBB2_3:
0x11f: {  	p1 =	sne.s32 s21, $0x7FC0;
	[tilespmem:s22+$0x8400] =	vst v0;
	s22 =	smov.u32 s21;
	s21 =	sadd.s32 $0x40, s21  }
.Ltmp3:
0x120: {  	(pc) =	sbr.rel @p1 .LBB2_3-.Ltmp3, $2  }
0x121: {  	_ =	sdelay $0x2  }
0x122: {  	s22 =	sshra.s32 s22, $0x2  }
0x123: {  	[tilespmem:s22+$0x8400] =	vst v0  }
0x124: {  	_ =	swait.ge [sflag:s30], $0x800  }
0x125: {  	[sflag:s30] =	ssyncset.done $0x0  }
0x126: {  	[sflag:s30] =	ssyncadd.s32 $0xFFFFF800  }
0x127: {  	_ =	swait.ge [sflag:s30], $0x800  }
0x128: {  	[sflag:s30] =	ssyncset.done $0x0  }
0x129: {  	[sflag:s30] =	ssyncadd.s32 $0xFFFFF800  }
0x12a: {  	_ =	swait.ge [sflag:s30], $0x800  }
0x12b: {  	[sflag:s30] =	ssyncset.done $0x0  }
0x12c: {  	[sflag:s30] =	ssyncadd.s32 $0xFFFFF800  }
0x12d: {  	_ =	swait.ge [sflag:s30], $0x800  }
0x12e: {  	[sflag:s30] =	ssyncset.done $0x0  }
0x12f: {  	s24 =	simm.s32 $0x0;
	[sflag:s30] =	ssyncadd.s32 $0xFFFFF800  }
0x130: {  	v4 =	vld [tilespmem:s24+$0xA400];
	_ =	sdelay $0x2  }
0x131: {  	v5 =	vld [tilespmem:s24+$0xB400];
	_ =	sdelay $0x4  }
0x132: {  	[tilespmem:v4+s31+$0x0] =	vst.idx.msk $0xffff, v5  }
0x133: {  	v4 =	vld [tilespmem:s24+$0xAC00];
	_ =	sdelay $0x2  }
0x134: {  	s21 =	simm.s32 $0x40;
	s22 =	simm.s32 $0x80;
	v5 =	vld [tilespmem:s24+$0xBC00]  }
.LBB2_5:
0x135: {  	_ =	sdelay $0x2  }
0x136: {  	p1 =	sne.s32 s22, $0x1FC0  }
0x137: {  	s24 =	sshra.s32 s21, $0x2;
	s21 =	smov.u32 s22;
	s22 =	sadd.s32 $0x40, s22;
	[tilespmem:v4+s31+$0x0] =	vst.idx.msk $0xffff, v5  }
0x138: {  	v4 =	vld [tilespmem:s24+$0xA400];
	_ =	sdelay $0x2  }
0x139: {  	v5 =	vld [tilespmem:s24+$0xB400];
	_ =	sdelay $0x4  }
.Ltmp4:
0x13a: {  	[tilespmem:v4+s31+$0x0] =	vst.idx.msk $0xffff, v5;
	(pc) =	sbr.rel @p1 .LBB2_5-.Ltmp4, $2  }
0x13b: {  	v4 =	vld [tilespmem:s24+$0xAC00];
	_ =	sdelay $0x2  }
0x13c: {  	v5 =	vld [tilespmem:s24+$0xBC00]  }
0x13d: {  	_ =	sdelay $0x4  }
0x13e: {  	s21 =	sshra.s32 s21, $0x2;
	[tilespmem:v4+s31+$0x0] =	vst.idx.msk $0xffff, v5  }
0x13f: {  	v4 =	vld [tilespmem:s21+$0xA400];
	_ =	sdelay $0x2  }
0x140: {  	v5 =	vld [tilespmem:s21+$0xB400];
	_ =	sdelay $0x4  }
0x141: {  	[tilespmem:v4+s31+$0x0] =	vst.idx.msk $0xffff, v5  }
0x142: {  	v4 =	vld [tilespmem:s21+$0xAC00];
	_ =	sdelay $0x2  }
0x143: {  	v5 =	vld [tilespmem:s21+$0xBC00];
	_ =	sdelay $0x4  }
.Ltmp5:
0x144: {  	s22 =	rddreg [dreg:$0x2];
	s24 =	simm.s32 $0x6;
	[tilespmem:v4+s31+$0x0] =	vst.idx.msk $0xffff, v5;
	(pc) =	sbr.rel .LBB2_7-.Ltmp5, $4  }
0x145: {  	[hbm4b:s22+s3] =	stream.linear.scatter [tilespmem:s31], [sflag:$0x6], $0x2000, $0x38;
	[tilespmem:$0xC400] =	vst v63  }
0x146: {  	_ =	swait.ge [sflag:s24], $0x2000  }
0x147: {  	[sflag:s24] =	ssyncset.done $0x0  }
0x148: {  	s2 =	smov.u32 s13;
	s12 =	smov.u32 s15;
	[sflag:s24] =	ssyncadd.s32 $0xFFFFE000  }
.LBB2_8:
0x149: {  	_ =	sfence.sel $0x180000  }
0x14a: {  	[bflag:$0x0] =	sbarrier.arrive $0xFFFF  }
0x14b: {  	_ =	strace $0x90000047  }
0x14c: {  	s0 =	stileid.u32;
	[bflag:$0x2] =	sbarrier.arrive $0xFFFF  }
0x14d: {  	p0 =	sne.s32 s0, $0x0;
	s0 =	rddreg [dreg:$0x3]  }
0x14e: {  	s0 =	sadd.s32 @!p0 $0x100000, s0  }
0x14f: {  	[sflag:s0] =	ssyncadd.tile.s32 @!p0 $0x1;
	_ =	shalt  }
.Lfunc_end2:
_tile_overlayer_lowered:
.L_overlay_start_2:
0x150: {  	(tag) =	ssettag $0x2  }
0x151: {  	s0 =	rddreg [dreg:$0x0];
	s2 =	stileid.u32  }
0x152: {  	s1 =	rddreg [dreg:$0x1];
	p0 =	sne.s32 s2, $0x0  }
0x153: {  	s3 =	rddreg [dreg:$0x2];
	[bflag:$0x3] =	sbarrier.arrive $0xFFFF;
	s2 =	simm.s32 @!p0 $0x1C06  }
0x154: {  	[timem:s3], [sflag:s2] =	dma.local @!p0 [hbm:s0], s1  }
0x155: {  	s0 =	simm.s32 @!p0 $0x6  }
0x156: {  	_ =	swait.ge @!p0 [sflag:s0], s1  }
0x157: {  	s1 =	ssub.s32 @!p0 $0x0, s1;
	[sflag:s0] =	ssyncset.done @!p0 $0x0  }
0x158: {  	[sflag:s0] =	ssyncadd.s32 @!p0 s1  }
0x159: {  	[bflag:$0x3] =	sbarrier.arrive $0xFFFF  }
0x15a: {  	_ =	shalt  }

</sc_bundles>
